<compile_context>
chip_gen: v7x
topology: tpu7x:2x2x1
jax: 0.10.2.dev20260603
libtpu: 0.0.44.dev20260713+nightly
codegen_flags: <defaults>
</compile_context>

<pallas_src>
import functools

import jax
import jax.numpy as jnp
from jax import lax
from jax.experimental import pallas as pl
from jax.experimental.pallas import tpu as pltpu
from jax.experimental.pallas import tpu_sc as plsc

_D = 32
_G = 128
_C = 256
_NBUF = 4
_BLK = _C * _NBUF


@functools.cache
def _build(n_total):
    info = plsc.get_sparse_core_info()
    nw = info.num_cores * info.num_subcores
    per_w = n_total // nw
    assert n_total % nw == 0 and per_w % _BLK == 0
    n_blk = per_w // _BLK
    n_g = _C // _G

    mesh = plsc.VectorSubcoreMesh(core_axis_name="c", subcore_axis_name="s")

    @functools.partial(
        pl.kernel,
        mesh=mesh,
        compiler_params=pltpu.CompilerParams(use_tc_tiling_on_sc=False),
        out_type=jax.ShapeDtypeStruct((n_total, 2 * _D), jnp.float32),
        scratch_types=[
            pltpu.VMEM((2, _BLK), jnp.int32),
            pltpu.VMEM((2, _BLK), jnp.int32),
            pltpu.VMEM((_NBUF, _C, _D), jnp.float32),
            pltpu.VMEM((_NBUF, _C, _D), jnp.float32),
            pltpu.SemaphoreType.DMA((2,)),
            pltpu.SemaphoreType.DMA((_NBUF,)),
            pltpu.SemaphoreType.DMA((_NBUF,)),
        ],
    )
    def sc_kernel(rel_idx_hbm, pos_idx_hbm, rel_tab_hbm, pos_tab_hbm, out_hbm,
                  rel_iv, pos_iv, rel_rows, pos_rows, isem, gsem, wsem):
        wid = lax.axis_index("s") * info.num_cores + lax.axis_index("c")
        base0 = wid * per_w

        def load_idx(blk, slot):
            b = base0 + blk * _BLK
            pltpu.async_copy(rel_idx_hbm.at[pl.ds(b, _BLK)], rel_iv.at[slot],
                             isem.at[slot])
            pltpu.async_copy(pos_idx_hbm.at[pl.ds(b, _BLK)], pos_iv.at[slot],
                             isem.at[slot])

        def wait_idx(slot):
            pltpu.make_async_copy(rel_idx_hbm.at[pl.ds(0, _BLK)],
                                  rel_iv.at[slot], isem.at[slot]).wait()
            pltpu.make_async_copy(pos_idx_hbm.at[pl.ds(0, _BLK)],
                                  pos_iv.at[slot], isem.at[slot]).wait()

        def issue_gathers(islot, b):
            cps = []
            for j in range(n_g):
                off = b * _C + j * _G
                cps.append(pltpu.async_copy(
                    rel_tab_hbm.at[rel_iv.at[islot, pl.ds(off, _G)]],
                    rel_rows.at[b, pl.ds(j * _G, _G), :], gsem.at[b]))
                cps.append(pltpu.async_copy(
                    pos_tab_hbm.at[pos_iv.at[islot, pl.ds(off, _G)]],
                    pos_rows.at[b, pl.ds(j * _G, _G), :], gsem.at[b]))
            return cps

        def issue_writes(blk, b):
            gb = base0 + blk * _BLK + b * _C
            return [
                pltpu.async_copy(rel_rows.at[b],
                                 out_hbm.at[pl.ds(gb, _C), pl.ds(0, _D)],
                                 wsem.at[b]),
                pltpu.async_copy(pos_rows.at[b],
                                 out_hbm.at[pl.ds(gb, _C), pl.ds(_D, _D)],
                                 wsem.at[b]),
            ]

        def wait_writes(b):
            for col in (0, _D):
                pltpu.make_async_copy(
                    rel_rows.at[b],
                    out_hbm.at[pl.ds(0, _C), pl.ds(col, _D)],
                    wsem.at[b]).wait()

        load_idx(0, 0)
        load_idx(1, 1)
        wait_idx(0)
        gcps = [issue_gathers(0, b) for b in range(_NBUF)]
        for b in range(_NBUF):
            for cp in gcps[b]:
                cp.wait()
            issue_writes(0, b)

        def body(k, carry):
            sk = lax.rem(k, 2)
            sn = 1 - sk
            nxt = jnp.minimum(k + 1, n_blk - 1)
            load_idx(nxt, sn)
            wait_idx(sk)
            gcps = []
            for b in range(_NBUF):
                wait_writes(b)
                gcps.append(issue_gathers(sk, b))
            for b in range(_NBUF):
                for cp in gcps[b]:
                    cp.wait()
                issue_writes(k, b)
            return carry

        lax.fori_loop(1, n_blk, body, 0)
        wait_idx(n_blk % 2)
        for b in range(_NBUF):
            wait_writes(b)

    return sc_kernel


def kernel(rel_idx, position_idx, rel_table, pos_table):
    b, l = rel_idx.shape
    n = b * l
    rel_flat = rel_idx.reshape(n).astype(jnp.int32)
    pos_flat = position_idx.reshape(n).astype(jnp.int32)
    out = _build(n)(rel_flat, pos_flat, rel_table, pos_table)
    return out.reshape(b, l, 2 * _D)

# --- scband reference (transcript-rebuilt; emitter-appended) ---
"""Pipeline reference for scband-tree-embedding-1211180777574 (READ-ONLY COPY).

The authoritative reference and input builder live on the scoring server;
editing this copy changes nothing except your own understanding.
"""

import jax, jax.numpy as jnp
import numpy as np

B = 16384
L = 200
REL_VOCAB = 100000
RP_VOCAB = 1000
REL_DIM = 32
RP_DIM = 32

def setup_inputs(seed: int = 0) -> dict:
    key = jax.random.key(seed)
    k1, k2, k3, k4 = jax.random.split(key, 4)
    rel_idx = jax.random.randint(k1, (B, L), 0, REL_VOCAB, dtype=jnp.int64 if jax.config.jax_enable_x64 else jnp.int32)
    position_idx = jax.random.randint(k2, (B, L), 0, RP_VOCAB, dtype=jnp.int64 if jax.config.jax_enable_x64 else jnp.int32)
    rel_table = jax.random.normal(k3, (REL_VOCAB, REL_DIM), dtype=jnp.float32)
    pos_table = jax.random.normal(k4, (RP_VOCAB, RP_DIM), dtype=jnp.float32)
    return {"rel_idx": rel_idx, "position_idx": position_idx, "rel_table": rel_table, "pos_table": pos_table}

def reference(rel_idx, position_idx, rel_table, pos_table):
    # Faithful translation of TreeEmbedding.forward: two nn.Embedding lookups
    # (relation embeddings for arcs, position embeddings for nodes), batched
    # over all graphs as padded [B, L] index tensors.
    rel_embeddings = jnp.take(rel_table, rel_idx, axis=0)
    position_embeddings = jnp.take(pos_table, position_idx, axis=0)
    # Concatenate the two per-graph embedding outputs along the feature dim.
    return jnp.concatenate([rel_embeddings, position_embeddings], axis=-1)

if __name__ == "__main__":
    import jax
    _d = setup_inputs()
    print(jax.jit(kernel)(*tuple(_d.values())))

</pallas_src>

<mosaic_0001>
#map = affine_map<(d0, d1) -> (0)>
#map1 = affine_map<(d0, d1) -> (0, 0)>
module attributes {stable_mosaic.version = 14 : i64} {
  func.func @sc_kernel(%arg0: i32, %arg1: i32, %arg2: memref<3276800xi32, #tpu.memory_space<hbm>>, %arg3: memref<3276800xi32, #tpu.memory_space<hbm>>, %arg4: memref<100000x32xf32, #tpu.memory_space<hbm>>, %arg5: memref<1000x32xf32, #tpu.memory_space<hbm>>, %arg6: memref<3276800x64xf32, #tpu.memory_space<hbm>>, %arg7: memref<2x1024xi32, #tpu.memory_space<vmem>>, %arg8: memref<2x1024xi32, #tpu.memory_space<vmem>>, %arg9: memref<4x256x32xf32, #tpu.memory_space<vmem>>, %arg10: memref<4x256x32xf32, #tpu.memory_space<vmem>>, %arg11: memref<2x!tpu.dma_semaphore, #tpu.memory_space<semaphore_mem>>, %arg12: memref<4x!tpu.dma_semaphore, #tpu.memory_space<semaphore_mem>>, %arg13: memref<4x!tpu.dma_semaphore, #tpu.memory_space<semaphore_mem>>) attributes {dimension_semantics = [#tpu.dimension_semantics<core_parallel>, #tpu.dimension_semantics<subcore_parallel>], iteration_bounds = array<i64: 2, 16>, scalar_prefetch = 0 : i64, scratch_operands = 7 : i64, tpu.core_type = #tpu.core_type<sc_vector_subcore>, window_params = [{transform_indices = #map}, {transform_indices = #map}, {transform_indices = #map1}, {transform_indices = #map1}, {transform_indices = #map1}]} {
    %mul3A = arith.constant 2 : i32
    %mul3A_0 = arith.muli %arg1, %mul3A : i32
    %add3A = arith.addi %mul3A_0, %arg0 : i32
    %mul3A_1 = arith.constant 102400 : i32
    %mul3A_2 = arith.muli %add3A, %mul3A_1 : i32
    %add3A_3 = arith.constant 0 : i32
    %add3A_4 = arith.addi %mul3A_2, %add3A_3 : i32
    %dma_start3A = arith.constant 0 : i32
    %dma_start3A_5 = arith.constant 0 : i32
    %dma_start3A_6 = arith.constant 0 : i32
    %dma_start3A_7 = tpu.memref_slice %arg7[%dma_start3A, %dma_start3A_6] : memref<2x1024xi32, #tpu.memory_space<vmem>> -> memref<1x1024xi32, #tpu.memory_space<vmem>>
    %dma_start3A_8 = tpu.memref_squeeze %dma_start3A_7 : memref<1x1024xi32, #tpu.memory_space<vmem>> -> memref<1024xi32, #tpu.memory_space<vmem>>
    %dma_start3A_9 = tpu.memref_slice %arg2[%add3A_4] : memref<3276800xi32, #tpu.memory_space<hbm>> -> memref<1024xi32, #tpu.memory_space<hbm>>
    %dma_start3A_10 = tpu.memref_slice %arg11[%dma_start3A_5] : memref<2x!tpu.dma_semaphore, #tpu.memory_space<semaphore_mem>> -> memref<1x!tpu.dma_semaphore, #tpu.memory_space<semaphore_mem>>
    %dma_start3A_11 = tpu.memref_squeeze %dma_start3A_10 : memref<1x!tpu.dma_semaphore, #tpu.memory_space<semaphore_mem>> -> memref<!tpu.dma_semaphore, #tpu.memory_space<semaphore_mem>>
    %dma_start3A_12 = arith.constant 0 : i32
    %dma_start3A_13 = tpu.memref_slice %arg7[%dma_start3A, %dma_start3A_12] : memref<2x1024xi32, #tpu.memory_space<vmem>> -> memref<1x1024xi32, #tpu.memory_space<vmem>>
    %dma_start3A_14 = tpu.memref_squeeze %dma_start3A_13 : memref<1x1024xi32, #tpu.memory_space<vmem>> -> memref<1024xi32, #tpu.memory_space<vmem>>
    %dma_start3A_15 = tpu.memref_slice %arg2[%add3A_4] : memref<3276800xi32, #tpu.memory_space<hbm>> -> memref<1024xi32, #tpu.memory_space<hbm>>
    tpu.enqueue_dma source(%dma_start3A_15 : memref<1024xi32, #tpu.memory_space<hbm>>) target(%dma_start3A_14 : memref<1024xi32, #tpu.memory_space<vmem>>) target_semaphore(%dma_start3A_11 : memref<!tpu.dma_semaphore, #tpu.memory_space<semaphore_mem>>)
    %dma_start3A_16 = arith.constant 0 : i32
    %dma_start3A_17 = arith.constant 0 : i32
    %dma_start3A_18 = arith.constant 0 : i32
    %dma_start3A_19 = tpu.memref_slice %arg8[%dma_start3A_16, %dma_start3A_18] : memref<2x1024xi32, #tpu.memory_space<vmem>> -> memref<1x1024xi32, #tpu.memory_space<vmem>>
    %dma_start3A_20 = tpu.memref_squeeze %dma_start3A_19 : memref<1x1024xi32, #tpu.memory_space<vmem>> -> memref<1024xi32, #tpu.memory_space<vmem>>
    %dma_start3A_21 = tpu.memref_slice %arg3[%add3A_4] : memref<3276800xi32, #tpu.memory_space<hbm>> -> memref<1024xi32, #tpu.memory_space<hbm>>
    %dma_start3A_22 = tpu.memref_slice %arg11[%dma_start3A_17] : memref<2x!tpu.dma_semaphore, #tpu.memory_space<semaphore_mem>> -> memref<1x!tpu.dma_semaphore, #tpu.memory_space<semaphore_mem>>
    %dma_start3A_23 = tpu.memref_squeeze %dma_start3A_22 : memref<1x!tpu.dma_semaphore, #tpu.memory_space<semaphore_mem>> -> memref<!tpu.dma_semaphore, #tpu.memory_space<semaphore_mem>>
    %dma_start3A_24 = arith.constant 0 : i32
    %dma_start3A_25 = tpu.memref_slice %arg8[%dma_start3A_16, %dma_start3A_24] : memref<2x1024xi32, #tpu.memory_space<vmem>> -> memref<1x1024xi32, #tpu.memory_space<vmem>>
    %dma_start3A_26 = tpu.memref_squeeze %dma_start3A_25 : memref<1x1024xi32, #tpu.memory_space<vmem>> -> memref<1024xi32, #tpu.memory_space<vmem>>
    %dma_start3A_27 = tpu.memref_slice %arg3[%add3A_4] : memref<3276800xi32, #tpu.memory_space<hbm>> -> memref<1024xi32, #tpu.memory_space<hbm>>
    tpu.enqueue_dma source(%dma_start3A_27 : memref<1024xi32, #tpu.memory_space<hbm>>) target(%dma_start3A_26 : memref<1024xi32, #tpu.memory_space<vmem>>) target_semaphore(%dma_start3A_23 : memref<!tpu.dma_semaphore, #tpu.memory_space<semaphore_mem>>)
    %add3A_28 = arith.constant 1024 : i32
    %add3A_29 = arith.addi %mul3A_2, %add3A_28 : i32
    %dma_start3A_30 = arith.constant 1 : i32
    %dma_start3A_31 = arith.constant 1 : i32
    %dma_start3A_32 = arith.constant 0 : i32
    %dma_start3A_33 = tpu.memref_slice %arg7[%dma_start3A_30, %dma_start3A_32] : memref<2x1024xi32, #tpu.memory_space<vmem>> -> memref<1x1024xi32, #tpu.memory_space<vmem>>
    %dma_start3A_34 = tpu.memref_squeeze %dma_start3A_33 : memref<1x1024xi32, #tpu.memory_space<vmem>> -> memref<1024xi32, #tpu.memory_space<vmem>>
    %dma_start3A_35 = tpu.memref_slice %arg2[%add3A_29] : memref<3276800xi32, #tpu.memory_space<hbm>> -> memref<1024xi32, #tpu.memory_space<hbm>>
    %dma_start3A_36 = tpu.memref_slice %arg11[%dma_start3A_31] : memref<2x!tpu.dma_semaphore, #tpu.memory_space<semaphore_mem>> -> memref<1x!tpu.dma_semaphore, #tpu.memory_space<semaphore_mem>>
    %dma_start3A_37 = tpu.memref_squeeze %dma_start3A_36 : memref<1x!tpu.dma_semaphore, #tpu.memory_space<semaphore_mem>> -> memref<!tpu.dma_semaphore, #tpu.memory_space<semaphore_mem>>
    %dma_start3A_38 = arith.constant 0 : i32
    %dma_start3A_39 = tpu.memref_slice %arg7[%dma_start3A_30, %dma_start3A_38] : memref<2x1024xi32, #tpu.memory_space<vmem>> -> memref<1x1024xi32, #tpu.memory_space<vmem>>
    %dma_start3A_40 = tpu.memref_squeeze %dma_start3A_39 : memref<1x1024xi32, #tpu.memory_space<vmem>> -> memref<1024xi32, #tpu.memory_space<vmem>>
    %dma_start3A_41 = tpu.memref_slice %arg2[%add3A_29] : memref<3276800xi32, #tpu.memory_space<hbm>> -> memref<1024xi32, #tpu.memory_space<hbm>>
    tpu.enqueue_dma source(%dma_start3A_41 : memref<1024xi32, #tpu.memory_space<hbm>>) target(%dma_start3A_40 : memref<1024xi32, #tpu.memory_space<vmem>>) target_semaphore(%dma_start3A_37 : memref<!tpu.dma_semaphore, #tpu.memory_space<semaphore_mem>>)
    %dma_start3A_42 = arith.constant 1 : i32
    %dma_start3A_43 = arith.constant 1 : i32
    %dma_start3A_44 = arith.constant 0 : i32
    %dma_start3A_45 = tpu.memref_slice %arg8[%dma_start3A_42, %dma_start3A_44] : memref<2x1024xi32, #tpu.memory_space<vmem>> -> memref<1x1024xi32, #tpu.memory_space<vmem>>
    %dma_start3A_46 = tpu.memref_squeeze %dma_start3A_45 : memref<1x1024xi32, #tpu.memory_space<vmem>> -> memref<1024xi32, #tpu.memory_space<vmem>>
    %dma_start3A_47 = tpu.memref_slice %arg3[%add3A_29] : memref<3276800xi32, #tpu.memory_space<hbm>> -> memref<1024xi32, #tpu.memory_space<hbm>>
    %dma_start3A_48 = tpu.memref_slice %arg11[%dma_start3A_43] : memref<2x!tpu.dma_semaphore, #tpu.memory_space<semaphore_mem>> -> memref<1x!tpu.dma_semaphore, #tpu.memory_space<semaphore_mem>>
    %dma_start3A_49 = tpu.memref_squeeze %dma_start3A_48 : memref<1x!tpu.dma_semaphore, #tpu.memory_space<semaphore_mem>> -> memref<!tpu.dma_semaphore, #tpu.memory_space<semaphore_mem>>
    %dma_start3A_50 = arith.constant 0 : i32
    %dma_start3A_51 = tpu.memref_slice %arg8[%dma_start3A_42, %dma_start3A_50] : memref<2x1024xi32, #tpu.memory_space<vmem>> -> memref<1x1024xi32, #tpu.memory_space<vmem>>
    %dma_start3A_52 = tpu.memref_squeeze %dma_start3A_51 : memref<1x1024xi32, #tpu.memory_space<vmem>> -> memref<1024xi32, #tpu.memory_space<vmem>>
    %dma_start3A_53 = tpu.memref_slice %arg3[%add3A_29] : memref<3276800xi32, #tpu.memory_space<hbm>> -> memref<1024xi32, #tpu.memory_space<hbm>>
    tpu.enqueue_dma source(%dma_start3A_53 : memref<1024xi32, #tpu.memory_space<hbm>>) target(%dma_start3A_52 : memref<1024xi32, #tpu.memory_space<vmem>>) target_semaphore(%dma_start3A_49 : memref<!tpu.dma_semaphore, #tpu.memory_space<semaphore_mem>>)
    %dma_wait3A = arith.constant 0 : i32
    %dma_wait3A_54 = arith.constant 0 : i32
    %dma_wait3A_55 = arith.constant 0 : i32
    %dma_wait3A_56 = tpu.memref_slice %arg7[%dma_wait3A, %dma_wait3A_55] : memref<2x1024xi32, #tpu.memory_space<vmem>> -> memref<1x1024xi32, #tpu.memory_space<vmem>>
    %dma_wait3A_57 = tpu.memref_squeeze %dma_wait3A_56 : memref<1x1024xi32, #tpu.memory_space<vmem>> -> memref<1024xi32, #tpu.memory_space<vmem>>
    %dma_wait3A_58 = arith.constant 0 : i32
    %dma_wait3A_59 = tpu.memref_slice %arg2[%dma_wait3A_58] : memref<3276800xi32, #tpu.memory_space<hbm>> -> memref<1024xi32, #tpu.memory_space<hbm>>
    %dma_wait3A_60 = tpu.memref_slice %arg11[%dma_wait3A_54] : memref<2x!tpu.dma_semaphore, #tpu.memory_space<semaphore_mem>> -> memref<1x!tpu.dma_semaphore, #tpu.memory_space<semaphore_mem>>
    %dma_wait3A_61 = tpu.memref_squeeze %dma_wait3A_60 : memref<1x!tpu.dma_semaphore, #tpu.memory_space<semaphore_mem>> -> memref<!tpu.dma_semaphore, #tpu.memory_space<semaphore_mem>>
    %dma_wait3A_62 = arith.constant 0 : i32
    %dma_wait3A_63 = tpu.memref_slice %arg7[%dma_wait3A, %dma_wait3A_62] : memref<2x1024xi32, #tpu.memory_space<vmem>> -> memref<1x1024xi32, #tpu.memory_space<vmem>>
    %dma_wait3A_64 = tpu.memref_squeeze %dma_wait3A_63 : memref<1x1024xi32, #tpu.memory_space<vmem>> -> memref<1024xi32, #tpu.memory_space<vmem>>
    %dma_wait3A_65 = arith.constant 0 : i32
    %dma_wait3A_66 = tpu.memref_slice %arg2[%dma_wait3A_65] : memref<3276800xi32, #tpu.memory_space<hbm>> -> memref<1024xi32, #tpu.memory_space<hbm>>
    tpu.wait_dma2 semaphore(%dma_wait3A_61 : memref<!tpu.dma_semaphore, #tpu.memory_space<semaphore_mem>>) src(%dma_wait3A_66 : memref<1024xi32, #tpu.memory_space<hbm>>) dst(%dma_wait3A_64 : memref<1024xi32, #tpu.memory_space<vmem>>)
    %dma_wait3A_67 = arith.constant 0 : i32
    %dma_wait3A_68 = arith.constant 0 : i32
    %dma_wait3A_69 = arith.constant 0 : i32
    %dma_wait3A_70 = tpu.memref_slice %arg8[%dma_wait3A_67, %dma_wait3A_69] : memref<2x1024xi32, #tpu.memory_space<vmem>> -> memref<1x1024xi32, #tpu.memory_space<vmem>>
    %dma_wait3A_71 = tpu.memref_squeeze %dma_wait3A_70 : memref<1x1024xi32, #tpu.memory_space<vmem>> -> memref<1024xi32, #tpu.memory_space<vmem>>
    %dma_wait3A_72 = arith.constant 0 : i32
    %dma_wait3A_73 = tpu.memref_slice %arg3[%dma_wait3A_72] : memref<3276800xi32, #tpu.memory_space<hbm>> -> memref<1024xi32, #tpu.memory_space<hbm>>
    %dma_wait3A_74 = tpu.memref_slice %arg11[%dma_wait3A_68] : memref<2x!tpu.dma_semaphore, #tpu.memory_space<semaphore_mem>> -> memref<1x!tpu.dma_semaphore, #tpu.memory_space<semaphore_mem>>
    %dma_wait3A_75 = tpu.memref_squeeze %dma_wait3A_74 : memref<1x!tpu.dma_semaphore, #tpu.memory_space<semaphore_mem>> -> memref<!tpu.dma_semaphore, #tpu.memory_space<semaphore_mem>>
    %dma_wait3A_76 = arith.constant 0 : i32
    %dma_wait3A_77 = tpu.memref_slice %arg8[%dma_wait3A_67, %dma_wait3A_76] : memref<2x1024xi32, #tpu.memory_space<vmem>> -> memref<1x1024xi32, #tpu.memory_space<vmem>>
    %dma_wait3A_78 = tpu.memref_squeeze %dma_wait3A_77 : memref<1x1024xi32, #tpu.memory_space<vmem>> -> memref<1024xi32, #tpu.memory_space<vmem>>
    %dma_wait3A_79 = arith.constant 0 : i32
    %dma_wait3A_80 = tpu.memref_slice %arg3[%dma_wait3A_79] : memref<3276800xi32, #tpu.memory_space<hbm>> -> memref<1024xi32, #tpu.memory_space<hbm>>
    tpu.wait_dma2 semaphore(%dma_wait3A_75 : memref<!tpu.dma_semaphore, #tpu.memory_space<semaphore_mem>>) src(%dma_wait3A_80 : memref<1024xi32, #tpu.memory_space<hbm>>) dst(%dma_wait3A_78 : memref<1024xi32, #tpu.memory_space<vmem>>)
    %dma_start3A_81 = arith.constant 0 : i32
    %dma_start3A_82 = arith.constant 0 : i32
    %dma_start3A_83 = arith.constant 0 : i32
    %dma_start3A_84 = arith.constant 0 : i32
    %dma_start3A_85 = arith.constant 0 : i32
    %dma_start3A_86 = tpu.memref_slice %arg9[%dma_start3A_82, %dma_start3A_84, %dma_start3A_85] : memref<4x256x32xf32, #tpu.memory_space<vmem>> -> memref<1x128x32xf32, #tpu.memory_space<vmem>>
    %dma_start3A_87 = tpu.memref_squeeze %dma_start3A_86 : memref<1x128x32xf32, #tpu.memory_space<vmem>> -> memref<128x32xf32, #tpu.memory_space<vmem>>
    %dma_start3A_88 = arith.constant 0 : i32
    %dma_start3A_89 = tpu.memref_slice %arg7[%dma_start3A_81, %dma_start3A_88] : memref<2x1024xi32, #tpu.memory_space<vmem>> -> memref<1x128xi32, #tpu.memory_space<vmem>>
    %dma_start3A_90 = tpu.memref_squeeze %dma_start3A_89 : memref<1x128xi32, #tpu.memory_space<vmem>> -> memref<128xi32, #tpu.memory_space<vmem>>
    %dma_start3A_91 = arith.constant 0 : i32
    %dma_start3A_92 = arith.constant 0 : i32
    %dma_start3A_93 = tpu.memref_slice %arg4[%dma_start3A_91, %dma_start3A_92] : memref<100000x32xf32, #tpu.memory_space<hbm>> -> memref<100000x32xf32, #tpu.memory_space<hbm>>
    %dma_start3A_94 = tpu.memref_slice %arg12[%dma_start3A_83] : memref<4x!tpu.dma_semaphore, #tpu.memory_space<semaphore_mem>> -> memref<1x!tpu.dma_semaphore, #tpu.memory_space<semaphore_mem>>
    %dma_start3A_95 = tpu.memref_squeeze %dma_start3A_94 : memref<1x!tpu.dma_semaphore, #tpu.memory_space<semaphore_mem>> -> memref<!tpu.dma_semaphore, #tpu.memory_space<semaphore_mem>>
    tpu.enqueue_indirect_dma source(%dma_start3A_93 : memref<100000x32xf32, #tpu.memory_space<hbm>>) target(%dma_start3A_87 : memref<128x32xf32, #tpu.memory_space<vmem>>) offsets(%dma_start3A_90 : memref<128xi32, #tpu.memory_space<vmem>>) semaphore(%dma_start3A_95 : memref<!tpu.dma_semaphore, #tpu.memory_space<semaphore_mem>>)
    %dma_start3A_96 = arith.constant 0 : i32
    %dma_start3A_97 = arith.constant 0 : i32
    %dma_start3A_98 = arith.constant 0 : i32
    %dma_start3A_99 = arith.constant 0 : i32
    %dma_start3A_100 = arith.constant 0 : i32
    %dma_start3A_101 = tpu.memref_slice %arg10[%dma_start3A_97, %dma_start3A_99, %dma_start3A_100] : memref<4x256x32xf32, #tpu.memory_space<vmem>> -> memref<1x128x32xf32, #tpu.memory_space<vmem>>
    %dma_start3A_102 = tpu.memref_squeeze %dma_start3A_101 : memref<1x128x32xf32, #tpu.memory_space<vmem>> -> memref<128x32xf32, #tpu.memory_space<vmem>>
    %dma_start3A_103 = arith.constant 0 : i32
    %dma_start3A_104 = tpu.memref_slice %arg8[%dma_start3A_96, %dma_start3A_103] : memref<2x1024xi32, #tpu.memory_space<vmem>> -> memref<1x128xi32, #tpu.memory_space<vmem>>
    %dma_start3A_105 = tpu.memref_squeeze %dma_start3A_104 : memref<1x128xi32, #tpu.memory_space<vmem>> -> memref<128xi32, #tpu.memory_space<vmem>>
    %dma_start3A_106 = arith.constant 0 : i32
    %dma_start3A_107 = arith.constant 0 : i32
    %dma_start3A_108 = tpu.memref_slice %arg5[%dma_start3A_106, %dma_start3A_107] : memref<1000x32xf32, #tpu.memory_space<hbm>> -> memref<1000x32xf32, #tpu.memory_space<hbm>>
    %dma_start3A_109 = tpu.memref_slice %arg12[%dma_start3A_98] : memref<4x!tpu.dma_semaphore, #tpu.memory_space<semaphore_mem>> -> memref<1x!tpu.dma_semaphore, #tpu.memory_space<semaphore_mem>>
    %dma_start3A_110 = tpu.memref_squeeze %dma_start3A_109 : memref<1x!tpu.dma_semaphore, #tpu.memory_space<semaphore_mem>> -> memref<!tpu.dma_semaphore, #tpu.memory_space<semaphore_mem>>
    tpu.enqueue_indirect_dma source(%dma_start3A_108 : memref<1000x32xf32, #tpu.memory_space<hbm>>) target(%dma_start3A_102 : memref<128x32xf32, #tpu.memory_space<vmem>>) offsets(%dma_start3A_105 : memref<128xi32, #tpu.memory_space<vmem>>) semaphore(%dma_start3A_110 : memref<!tpu.dma_semaphore, #tpu.memory_space<semaphore_mem>>)
    %dma_start3A_111 = arith.constant 0 : i32
    %dma_start3A_112 = arith.constant 0 : i32
    %dma_start3A_113 = arith.constant 0 : i32
    %dma_start3A_114 = arith.constant 128 : i32
    %dma_start3A_115 = arith.constant 0 : i32
    %dma_start3A_116 = tpu.memref_slice %arg9[%dma_start3A_112, %dma_start3A_114, %dma_start3A_115] : memref<4x256x32xf32, #tpu.memory_space<vmem>> -> memref<1x128x32xf32, #tpu.memory_space<vmem>>
    %dma_start3A_117 = tpu.memref_squeeze %dma_start3A_116 : memref<1x128x32xf32, #tpu.memory_space<vmem>> -> memref<128x32xf32, #tpu.memory_space<vmem>>
    %dma_start3A_118 = arith.constant 128 : i32
    %dma_start3A_119 = tpu.memref_slice %arg7[%dma_start3A_111, %dma_start3A_118] : memref<2x1024xi32, #tpu.memory_space<vmem>> -> memref<1x128xi32, #tpu.memory_space<vmem>>
    %dma_start3A_120 = tpu.memref_squeeze %dma_start3A_119 : memref<1x128xi32, #tpu.memory_space<vmem>> -> memref<128xi32, #tpu.memory_space<vmem>>
    %dma_start3A_121 = arith.constant 0 : i32
    %dma_start3A_122 = arith.constant 0 : i32
    %dma_start3A_123 = tpu.memref_slice %arg4[%dma_start3A_121, %dma_start3A_122] : memref<100000x32xf32, #tpu.memory_space<hbm>> -> memref<100000x32xf32, #tpu.memory_space<hbm>>
    %dma_start3A_124 = tpu.memref_slice %arg12[%dma_start3A_113] : memref<4x!tpu.dma_semaphore, #tpu.memory_space<semaphore_mem>> -> memref<1x!tpu.dma_semaphore, #tpu.memory_space<semaphore_mem>>
    %dma_start3A_125 = tpu.memref_squeeze %dma_start3A_124 : memref<1x!tpu.dma_semaphore, #tpu.memory_space<semaphore_mem>> -> memref<!tpu.dma_semaphore, #tpu.memory_space<semaphore_mem>>
    tpu.enqueue_indirect_dma source(%dma_start3A_123 : memref<100000x32xf32, #tpu.memory_space<hbm>>) target(%dma_start3A_117 : memref<128x32xf32, #tpu.memory_space<vmem>>) offsets(%dma_start3A_120 : memref<128xi32, #tpu.memory_space<vmem>>) semaphore(%dma_start3A_125 : memref<!tpu.dma_semaphore, #tpu.memory_space<semaphore_mem>>)
    %dma_start3A_126 = arith.constant 0 : i32
    %dma_start3A_127 = arith.constant 0 : i32
    %dma_start3A_128 = arith.constant 0 : i32
    %dma_start3A_129 = arith.constant 128 : i32
    %dma_start3A_130 = arith.constant 0 : i32
    %dma_start3A_131 = tpu.memref_slice %arg10[%dma_start3A_127, %dma_start3A_129, %dma_start3A_130] : memref<4x256x32xf32, #tpu.memory_space<vmem>> -> memref<1x128x32xf32, #tpu.memory_space<vmem>>
    %dma_start3A_132 = tpu.memref_squeeze %dma_start3A_131 : memref<1x128x32xf32, #tpu.memory_space<vmem>> -> memref<128x32xf32, #tpu.memory_space<vmem>>
    %dma_start3A_133 = arith.constant 128 : i32
    %dma_start3A_134 = tpu.memref_slice %arg8[%dma_start3A_126, %dma_start3A_133] : memref<2x1024xi32, #tpu.memory_space<vmem>> -> memref<1x128xi32, #tpu.memory_space<vmem>>
    %dma_start3A_135 = tpu.memref_squeeze %dma_start3A_134 : memref<1x128xi32, #tpu.memory_space<vmem>> -> memref<128xi32, #tpu.memory_space<vmem>>
    %dma_start3A_136 = arith.constant 0 : i32
    %dma_start3A_137 = arith.constant 0 : i32
    %dma_start3A_138 = tpu.memref_slice %arg5[%dma_start3A_136, %dma_start3A_137] : memref<1000x32xf32, #tpu.memory_space<hbm>> -> memref<1000x32xf32, #tpu.memory_space<hbm>>
    %dma_start3A_139 = tpu.memref_slice %arg12[%dma_start3A_128] : memref<4x!tpu.dma_semaphore, #tpu.memory_space<semaphore_mem>> -> memref<1x!tpu.dma_semaphore, #tpu.memory_space<semaphore_mem>>
    %dma_start3A_140 = tpu.memref_squeeze %dma_start3A_139 : memref<1x!tpu.dma_semaphore, #tpu.memory_space<semaphore_mem>> -> memref<!tpu.dma_semaphore, #tpu.memory_space<semaphore_mem>>
    tpu.enqueue_indirect_dma source(%dma_start3A_138 : memref<1000x32xf32, #tpu.memory_space<hbm>>) target(%dma_start3A_132 : memref<128x32xf32, #tpu.memory_space<vmem>>) offsets(%dma_start3A_135 : memref<128xi32, #tpu.memory_space<vmem>>) semaphore(%dma_start3A_140 : memref<!tpu.dma_semaphore, #tpu.memory_space<semaphore_mem>>)
    %dma_start3A_141 = arith.constant 0 : i32
    %dma_start3A_142 = arith.constant 1 : i32
    %dma_start3A_143 = arith.constant 1 : i32
    %dma_start3A_144 = arith.constant 0 : i32
    %dma_start3A_145 = arith.constant 0 : i32
    %dma_start3A_146 = tpu.memref_slice %arg9[%dma_start3A_142, %dma_start3A_144, %dma_start3A_145] : memref<4x256x32xf32, #tpu.memory_space<vmem>> -> memref<1x128x32xf32, #tpu.memory_space<vmem>>
    %dma_start3A_147 = tpu.memref_squeeze %dma_start3A_146 : memref<1x128x32xf32, #tpu.memory_space<vmem>> -> memref<128x32xf32, #tpu.memory_space<vmem>>
    %dma_start3A_148 = arith.constant 256 : i32
    %dma_start3A_149 = tpu.memref_slice %arg7[%dma_start3A_141, %dma_start3A_148] : memref<2x1024xi32, #tpu.memory_space<vmem>> -> memref<1x128xi32, #tpu.memory_space<vmem>>
    %dma_start3A_150 = tpu.memref_squeeze %dma_start3A_149 : memref<1x128xi32, #tpu.memory_space<vmem>> -> memref<128xi32, #tpu.memory_space<vmem>>
    %dma_start3A_151 = arith.constant 0 : i32
    %dma_start3A_152 = arith.constant 0 : i32
    %dma_start3A_153 = tpu.memref_slice %arg4[%dma_start3A_151, %dma_start3A_152] : memref<100000x32xf32, #tpu.memory_space<hbm>> -> memref<100000x32xf32, #tpu.memory_space<hbm>>
    %dma_start3A_154 = tpu.memref_slice %arg12[%dma_start3A_143] : memref<4x!tpu.dma_semaphore, #tpu.memory_space<semaphore_mem>> -> memref<1x!tpu.dma_semaphore, #tpu.memory_space<semaphore_mem>>
    %dma_start3A_155 = tpu.memref_squeeze %dma_start3A_154 : memref<1x!tpu.dma_semaphore, #tpu.memory_space<semaphore_mem>> -> memref<!tpu.dma_semaphore, #tpu.memory_space<semaphore_mem>>
    tpu.enqueue_indirect_dma source(%dma_start3A_153 : memref<100000x32xf32, #tpu.memory_space<hbm>>) target(%dma_start3A_147 : memref<128x32xf32, #tpu.memory_space<vmem>>) offsets(%dma_start3A_150 : memref<128xi32, #tpu.memory_space<vmem>>) semaphore(%dma_start3A_155 : memref<!tpu.dma_semaphore, #tpu.memory_space<semaphore_mem>>)
    %dma_start3A_156 = arith.constant 0 : i32
    %dma_start3A_157 = arith.constant 1 : i32
    %dma_start3A_158 = arith.constant 1 : i32
    %dma_start3A_159 = arith.constant 0 : i32
    %dma_start3A_160 = arith.constant 0 : i32
    %dma_start3A_161 = tpu.memref_slice %arg10[%dma_start3A_157, %dma_start3A_159, %dma_start3A_160] : memref<4x256x32xf32, #tpu.memory_space<vmem>> -> memref<1x128x32xf32, #tpu.memory_space<vmem>>
    %dma_start3A_162 = tpu.memref_squeeze %dma_start3A_161 : memref<1x128x32xf32, #tpu.memory_space<vmem>> -> memref<128x32xf32, #tpu.memory_space<vmem>>
    %dma_start3A_163 = arith.constant 256 : i32
    %dma_start3A_164 = tpu.memref_slice %arg8[%dma_start3A_156, %dma_start3A_163] : memref<2x1024xi32, #tpu.memory_space<vmem>> -> memref<1x128xi32, #tpu.memory_space<vmem>>
    %dma_start3A_165 = tpu.memref_squeeze %dma_start3A_164 : memref<1x128xi32, #tpu.memory_space<vmem>> -> memref<128xi32, #tpu.memory_space<vmem>>
    %dma_start3A_166 = arith.constant 0 : i32
    %dma_start3A_167 = arith.constant 0 : i32
    %dma_start3A_168 = tpu.memref_slice %arg5[%dma_start3A_166, %dma_start3A_167] : memref<1000x32xf32, #tpu.memory_space<hbm>> -> memref<1000x32xf32, #tpu.memory_space<hbm>>
    %dma_start3A_169 = tpu.memref_slice %arg12[%dma_start3A_158] : memref<4x!tpu.dma_semaphore, #tpu.memory_space<semaphore_mem>> -> memref<1x!tpu.dma_semaphore, #tpu.memory_space<semaphore_mem>>
    %dma_start3A_170 = tpu.memref_squeeze %dma_start3A_169 : memref<1x!tpu.dma_semaphore, #tpu.memory_space<semaphore_mem>> -> memref<!tpu.dma_semaphore, #tpu.memory_space<semaphore_mem>>
    tpu.enqueue_indirect_dma source(%dma_start3A_168 : memref<1000x32xf32, #tpu.memory_space<hbm>>) target(%dma_start3A_162 : memref<128x32xf32, #tpu.memory_space<vmem>>) offsets(%dma_start3A_165 : memref<128xi32, #tpu.memory_space<vmem>>) semaphore(%dma_start3A_170 : memref<!tpu.dma_semaphore, #tpu.memory_space<semaphore_mem>>)
    %dma_start3A_171 = arith.constant 0 : i32
    %dma_start3A_172 = arith.constant 1 : i32
    %dma_start3A_173 = arith.constant 1 : i32
    %dma_start3A_174 = arith.constant 128 : i32
    %dma_start3A_175 = arith.constant 0 : i32
    %dma_start3A_176 = tpu.memref_slice %arg9[%dma_start3A_172, %dma_start3A_174, %dma_start3A_175] : memref<4x256x32xf32, #tpu.memory_space<vmem>> -> memref<1x128x32xf32, #tpu.memory_space<vmem>>
    %dma_start3A_177 = tpu.memref_squeeze %dma_start3A_176 : memref<1x128x32xf32, #tpu.memory_space<vmem>> -> memref<128x32xf32, #tpu.memory_space<vmem>>
    %dma_start3A_178 = arith.constant 384 : i32
    %dma_start3A_179 = tpu.memref_slice %arg7[%dma_start3A_171, %dma_start3A_178] : memref<2x1024xi32, #tpu.memory_space<vmem>> -> memref<1x128xi32, #tpu.memory_space<vmem>>
    %dma_start3A_180 = tpu.memref_squeeze %dma_start3A_179 : memref<1x128xi32, #tpu.memory_space<vmem>> -> memref<128xi32, #tpu.memory_space<vmem>>
    %dma_start3A_181 = arith.constant 0 : i32
    %dma_start3A_182 = arith.constant 0 : i32
    %dma_start3A_183 = tpu.memref_slice %arg4[%dma_start3A_181, %dma_start3A_182] : memref<100000x32xf32, #tpu.memory_space<hbm>> -> memref<100000x32xf32, #tpu.memory_space<hbm>>
    %dma_start3A_184 = tpu.memref_slice %arg12[%dma_start3A_173] : memref<4x!tpu.dma_semaphore, #tpu.memory_space<semaphore_mem>> -> memref<1x!tpu.dma_semaphore, #tpu.memory_space<semaphore_mem>>
    %dma_start3A_185 = tpu.memref_squeeze %dma_start3A_184 : memref<1x!tpu.dma_semaphore, #tpu.memory_space<semaphore_mem>> -> memref<!tpu.dma_semaphore, #tpu.memory_space<semaphore_mem>>
    tpu.enqueue_indirect_dma source(%dma_start3A_183 : memref<100000x32xf32, #tpu.memory_space<hbm>>) target(%dma_start3A_177 : memref<128x32xf32, #tpu.memory_space<vmem>>) offsets(%dma_start3A_180 : memref<128xi32, #tpu.memory_space<vmem>>) semaphore(%dma_start3A_185 : memref<!tpu.dma_semaphore, #tpu.memory_space<semaphore_mem>>)
    %dma_start3A_186 = arith.constant 0 : i32
    %dma_start3A_187 = arith.constant 1 : i32
    %dma_start3A_188 = arith.constant 1 : i32
    %dma_start3A_189 = arith.constant 128 : i32
    %dma_start3A_190 = arith.constant 0 : i32
    %dma_start3A_191 = tpu.memref_slice %arg10[%dma_start3A_187, %dma_start3A_189, %dma_start3A_190] : memref<4x256x32xf32, #tpu.memory_space<vmem>> -> memref<1x128x32xf32, #tpu.memory_space<vmem>>
    %dma_start3A_192 = tpu.memref_squeeze %dma_start3A_191 : memref<1x128x32xf32, #tpu.memory_space<vmem>> -> memref<128x32xf32, #tpu.memory_space<vmem>>
    %dma_start3A_193 = arith.constant 384 : i32
    %dma_start3A_194 = tpu.memref_slice %arg8[%dma_start3A_186, %dma_start3A_193] : memref<2x1024xi32, #tpu.memory_space<vmem>> -> memref<1x128xi32, #tpu.memory_space<vmem>>
    %dma_start3A_195 = tpu.memref_squeeze %dma_start3A_194 : memref<1x128xi32, #tpu.memory_space<vmem>> -> memref<128xi32, #tpu.memory_space<vmem>>
    %dma_start3A_196 = arith.constant 0 : i32
    %dma_start3A_197 = arith.constant 0 : i32
    %dma_start3A_198 = tpu.memref_slice %arg5[%dma_start3A_196, %dma_start3A_197] : memref<1000x32xf32, #tpu.memory_space<hbm>> -> memref<1000x32xf32, #tpu.memory_space<hbm>>
    %dma_start3A_199 = tpu.memref_slice %arg12[%dma_start3A_188] : memref<4x!tpu.dma_semaphore, #tpu.memory_space<semaphore_mem>> -> memref<1x!tpu.dma_semaphore, #tpu.memory_space<semaphore_mem>>
    %dma_start3A_200 = tpu.memref_squeeze %dma_start3A_199 : memref<1x!tpu.dma_semaphore, #tpu.memory_space<semaphore_mem>> -> memref<!tpu.dma_semaphore, #tpu.memory_space<semaphore_mem>>
    tpu.enqueue_indirect_dma source(%dma_start3A_198 : memref<1000x32xf32, #tpu.memory_space<hbm>>) target(%dma_start3A_192 : memref<128x32xf32, #tpu.memory_space<vmem>>) offsets(%dma_start3A_195 : memref<128xi32, #tpu.memory_space<vmem>>) semaphore(%dma_start3A_200 : memref<!tpu.dma_semaphore, #tpu.memory_space<semaphore_mem>>)
    %dma_start3A_201 = arith.constant 0 : i32
    %dma_start3A_202 = arith.constant 2 : i32
    %dma_start3A_203 = arith.constant 2 : i32
    %dma_start3A_204 = arith.constant 0 : i32
    %dma_start3A_205 = arith.constant 0 : i32
    %dma_start3A_206 = tpu.memref_slice %arg9[%dma_start3A_202, %dma_start3A_204, %dma_start3A_205] : memref<4x256x32xf32, #tpu.memory_space<vmem>> -> memref<1x128x32xf32, #tpu.memory_space<vmem>>
    %dma_start3A_207 = tpu.memref_squeeze %dma_start3A_206 : memref<1x128x32xf32, #tpu.memory_space<vmem>> -> memref<128x32xf32, #tpu.memory_space<vmem>>
    %dma_start3A_208 = arith.constant 512 : i32
    %dma_start3A_209 = tpu.memref_slice %arg7[%dma_start3A_201, %dma_start3A_208] : memref<2x1024xi32, #tpu.memory_space<vmem>> -> memref<1x128xi32, #tpu.memory_space<vmem>>
    %dma_start3A_210 = tpu.memref_squeeze %dma_start3A_209 : memref<1x128xi32, #tpu.memory_space<vmem>> -> memref<128xi32, #tpu.memory_space<vmem>>
    %dma_start3A_211 = arith.constant 0 : i32
    %dma_start3A_212 = arith.constant 0 : i32
    %dma_start3A_213 = tpu.memref_slice %arg4[%dma_start3A_211, %dma_start3A_212] : memref<100000x32xf32, #tpu.memory_space<hbm>> -> memref<100000x32xf32, #tpu.memory_space<hbm>>
    %dma_start3A_214 = tpu.memref_slice %arg12[%dma_start3A_203] : memref<4x!tpu.dma_semaphore, #tpu.memory_space<semaphore_mem>> -> memref<1x!tpu.dma_semaphore, #tpu.memory_space<semaphore_mem>>
    %dma_start3A_215 = tpu.memref_squeeze %dma_start3A_214 : memref<1x!tpu.dma_semaphore, #tpu.memory_space<semaphore_mem>> -> memref<!tpu.dma_semaphore, #tpu.memory_space<semaphore_mem>>
    tpu.enqueue_indirect_dma source(%dma_start3A_213 : memref<100000x32xf32, #tpu.memory_space<hbm>>) target(%dma_start3A_207 : memref<128x32xf32, #tpu.memory_space<vmem>>) offsets(%dma_start3A_210 : memref<128xi32, #tpu.memory_space<vmem>>) semaphore(%dma_start3A_215 : memref<!tpu.dma_semaphore, #tpu.memory_space<semaphore_mem>>)
    %dma_start3A_216 = arith.constant 0 : i32
    %dma_start3A_217 = arith.constant 2 : i32
    %dma_start3A_218 = arith.constant 2 : i32
    %dma_start3A_219 = arith.constant 0 : i32
    %dma_start3A_220 = arith.constant 0 : i32
    %dma_start3A_221 = tpu.memref_slice %arg10[%dma_start3A_217, %dma_start3A_219, %dma_start3A_220] : memref<4x256x32xf32, #tpu.memory_space<vmem>> -> memref<1x128x32xf32, #tpu.memory_space<vmem>>
    %dma_start3A_222 = tpu.memref_squeeze %dma_start3A_221 : memref<1x128x32xf32, #tpu.memory_space<vmem>> -> memref<128x32xf32, #tpu.memory_space<vmem>>
    %dma_start3A_223 = arith.constant 512 : i32
    %dma_start3A_224 = tpu.memref_slice %arg8[%dma_start3A_216, %dma_start3A_223] : memref<2x1024xi32, #tpu.memory_space<vmem>> -> memref<1x128xi32, #tpu.memory_space<vmem>>
    %dma_start3A_225 = tpu.memref_squeeze %dma_start3A_224 : memref<1x128xi32, #tpu.memory_space<vmem>> -> memref<128xi32, #tpu.memory_space<vmem>>
    %dma_start3A_226 = arith.constant 0 : i32
    %dma_start3A_227 = arith.constant 0 : i32
    %dma_start3A_228 = tpu.memref_slice %arg5[%dma_start3A_226, %dma_start3A_227] : memref<1000x32xf32, #tpu.memory_space<hbm>> -> memref<1000x32xf32, #tpu.memory_space<hbm>>
    %dma_start3A_229 = tpu.memref_slice %arg12[%dma_start3A_218] : memref<4x!tpu.dma_semaphore, #tpu.memory_space<semaphore_mem>> -> memref<1x!tpu.dma_semaphore, #tpu.memory_space<semaphore_mem>>
    %dma_start3A_230 = tpu.memref_squeeze %dma_start3A_229 : memref<1x!tpu.dma_semaphore, #tpu.memory_space<semaphore_mem>> -> memref<!tpu.dma_semaphore, #tpu.memory_space<semaphore_mem>>
    tpu.enqueue_indirect_dma source(%dma_start3A_228 : memref<1000x32xf32, #tpu.memory_space<hbm>>) target(%dma_start3A_222 : memref<128x32xf32, #tpu.memory_space<vmem>>) offsets(%dma_start3A_225 : memref<128xi32, #tpu.memory_space<vmem>>) semaphore(%dma_start3A_230 : memref<!tpu.dma_semaphore, #tpu.memory_space<semaphore_mem>>)
    %dma_start3A_231 = arith.constant 0 : i32
    %dma_start3A_232 = arith.constant 2 : i32
    %dma_start3A_233 = arith.constant 2 : i32
    %dma_start3A_234 = arith.constant 128 : i32
    %dma_start3A_235 = arith.constant 0 : i32
    %dma_start3A_236 = tpu.memref_slice %arg9[%dma_start3A_232, %dma_start3A_234, %dma_start3A_235] : memref<4x256x32xf32, #tpu.memory_space<vmem>> -> memref<1x128x32xf32, #tpu.memory_space<vmem>>
    %dma_start3A_237 = tpu.memref_squeeze %dma_start3A_236 : memref<1x128x32xf32, #tpu.memory_space<vmem>> -> memref<128x32xf32, #tpu.memory_space<vmem>>
    %dma_start3A_238 = arith.constant 640 : i32
    %dma_start3A_239 = tpu.memref_slice %arg7[%dma_start3A_231, %dma_start3A_238] : memref<2x1024xi32, #tpu.memory_space<vmem>> -> memref<1x128xi32, #tpu.memory_space<vmem>>
    %dma_start3A_240 = tpu.memref_squeeze %dma_start3A_239 : memref<1x128xi32, #tpu.memory_space<vmem>> -> memref<128xi32, #tpu.memory_space<vmem>>
    %dma_start3A_241 = arith.constant 0 : i32
    %dma_start3A_242 = arith.constant 0 : i32
    %dma_start3A_243 = tpu.memref_slice %arg4[%dma_start3A_241, %dma_start3A_242] : memref<100000x32xf32, #tpu.memory_space<hbm>> -> memref<100000x32xf32, #tpu.memory_space<hbm>>
    %dma_start3A_244 = tpu.memref_slice %arg12[%dma_start3A_233] : memref<4x!tpu.dma_semaphore, #tpu.memory_space<semaphore_mem>> -> memref<1x!tpu.dma_semaphore, #tpu.memory_space<semaphore_mem>>
    %dma_start3A_245 = tpu.memref_squeeze %dma_start3A_244 : memref<1x!tpu.dma_semaphore, #tpu.memory_space<semaphore_mem>> -> memref<!tpu.dma_semaphore, #tpu.memory_space<semaphore_mem>>
    tpu.enqueue_indirect_dma source(%dma_start3A_243 : memref<100000x32xf32, #tpu.memory_space<hbm>>) target(%dma_start3A_237 : memref<128x32xf32, #tpu.memory_space<vmem>>) offsets(%dma_start3A_240 : memref<128xi32, #tpu.memory_space<vmem>>) semaphore(%dma_start3A_245 : memref<!tpu.dma_semaphore, #tpu.memory_space<semaphore_mem>>)
    %dma_start3A_246 = arith.constant 0 : i32
    %dma_start3A_247 = arith.constant 2 : i32
    %dma_start3A_248 = arith.constant 2 : i32
    %dma_start3A_249 = arith.constant 128 : i32
    %dma_start3A_250 = arith.constant 0 : i32
    %dma_start3A_251 = tpu.memref_slice %arg10[%dma_start3A_247, %dma_start3A_249, %dma_start3A_250] : memref<4x256x32xf32, #tpu.memory_space<vmem>> -> memref<1x128x32xf32, #tpu.memory_space<vmem>>
    %dma_start3A_252 = tpu.memref_squeeze %dma_start3A_251 : memref<1x128x32xf32, #tpu.memory_space<vmem>> -> memref<128x32xf32, #tpu.memory_space<vmem>>
    %dma_start3A_253 = arith.constant 640 : i32
    %dma_start3A_254 = tpu.memref_slice %arg8[%dma_start3A_246, %dma_start3A_253] : memref<2x1024xi32, #tpu.memory_space<vmem>> -> memref<1x128xi32, #tpu.memory_space<vmem>>
    %dma_start3A_255 = tpu.memref_squeeze %dma_start3A_254 : memref<1x128xi32, #tpu.memory_space<vmem>> -> memref<128xi32, #tpu.memory_space<vmem>>
    %dma_start3A_256 = arith.constant 0 : i32
    %dma_start3A_257 = arith.constant 0 : i32
    %dma_start3A_258 = tpu.memref_slice %arg5[%dma_start3A_256, %dma_start3A_257] : memref<1000x32xf32, #tpu.memory_space<hbm>> -> memref<1000x32xf32, #tpu.memory_space<hbm>>
    %dma_start3A_259 = tpu.memref_slice %arg12[%dma_start3A_248] : memref<4x!tpu.dma_semaphore, #tpu.memory_space<semaphore_mem>> -> memref<1x!tpu.dma_semaphore, #tpu.memory_space<semaphore_mem>>
    %dma_start3A_260 = tpu.memref_squeeze %dma_start3A_259 : memref<1x!tpu.dma_semaphore, #tpu.memory_space<semaphore_mem>> -> memref<!tpu.dma_semaphore, #tpu.memory_space<semaphore_mem>>
    tpu.enqueue_indirect_dma source(%dma_start3A_258 : memref<1000x32xf32, #tpu.memory_space<hbm>>) target(%dma_start3A_252 : memref<128x32xf32, #tpu.memory_space<vmem>>) offsets(%dma_start3A_255 : memref<128xi32, #tpu.memory_space<vmem>>) semaphore(%dma_start3A_260 : memref<!tpu.dma_semaphore, #tpu.memory_space<semaphore_mem>>)
    %dma_start3A_261 = arith.constant 0 : i32
    %dma_start3A_262 = arith.constant 3 : i32
    %dma_start3A_263 = arith.constant 3 : i32
    %dma_start3A_264 = arith.constant 0 : i32
    %dma_start3A_265 = arith.constant 0 : i32
    %dma_start3A_266 = tpu.memref_slice %arg9[%dma_start3A_262, %dma_start3A_264, %dma_start3A_265] : memref<4x256x32xf32, #tpu.memory_space<vmem>> -> memref<1x128x32xf32, #tpu.memory_space<vmem>>
    %dma_start3A_267 = tpu.memref_squeeze %dma_start3A_266 : memref<1x128x32xf32, #tpu.memory_space<vmem>> -> memref<128x32xf32, #tpu.memory_space<vmem>>
    %dma_start3A_268 = arith.constant 768 : i32
    %dma_start3A_269 = tpu.memref_slice %arg7[%dma_start3A_261, %dma_start3A_268] : memref<2x1024xi32, #tpu.memory_space<vmem>> -> memref<1x128xi32, #tpu.memory_space<vmem>>
    %dma_start3A_270 = tpu.memref_squeeze %dma_start3A_269 : memref<1x128xi32, #tpu.memory_space<vmem>> -> memref<128xi32, #tpu.memory_space<vmem>>
    %dma_start3A_271 = arith.constant 0 : i32
    %dma_start3A_272 = arith.constant 0 : i32
    %dma_start3A_273 = tpu.memref_slice %arg4[%dma_start3A_271, %dma_start3A_272] : memref<100000x32xf32, #tpu.memory_space<hbm>> -> memref<100000x32xf32, #tpu.memory_space<hbm>>
    %dma_start3A_274 = tpu.memref_slice %arg12[%dma_start3A_263] : memref<4x!tpu.dma_semaphore, #tpu.memory_space<semaphore_mem>> -> memref<1x!tpu.dma_semaphore, #tpu.memory_space<semaphore_mem>>
    %dma_start3A_275 = tpu.memref_squeeze %dma_start3A_274 : memref<1x!tpu.dma_semaphore, #tpu.memory_space<semaphore_mem>> -> memref<!tpu.dma_semaphore, #tpu.memory_space<semaphore_mem>>
    tpu.enqueue_indirect_dma source(%dma_start3A_273 : memref<100000x32xf32, #tpu.memory_space<hbm>>) target(%dma_start3A_267 : memref<128x32xf32, #tpu.memory_space<vmem>>) offsets(%dma_start3A_270 : memref<128xi32, #tpu.memory_space<vmem>>) semaphore(%dma_start3A_275 : memref<!tpu.dma_semaphore, #tpu.memory_space<semaphore_mem>>)
    %dma_start3A_276 = arith.constant 0 : i32
    %dma_start3A_277 = arith.constant 3 : i32
    %dma_start3A_278 = arith.constant 3 : i32
    %dma_start3A_279 = arith.constant 0 : i32
    %dma_start3A_280 = arith.constant 0 : i32
    %dma_start3A_281 = tpu.memref_slice %arg10[%dma_start3A_277, %dma_start3A_279, %dma_start3A_280] : memref<4x256x32xf32, #tpu.memory_space<vmem>> -> memref<1x128x32xf32, #tpu.memory_space<vmem>>
    %dma_start3A_282 = tpu.memref_squeeze %dma_start3A_281 : memref<1x128x32xf32, #tpu.memory_space<vmem>> -> memref<128x32xf32, #tpu.memory_space<vmem>>
    %dma_start3A_283 = arith.constant 768 : i32
    %dma_start3A_284 = tpu.memref_slice %arg8[%dma_start3A_276, %dma_start3A_283] : memref<2x1024xi32, #tpu.memory_space<vmem>> -> memref<1x128xi32, #tpu.memory_space<vmem>>
    %dma_start3A_285 = tpu.memref_squeeze %dma_start3A_284 : memref<1x128xi32, #tpu.memory_space<vmem>> -> memref<128xi32, #tpu.memory_space<vmem>>
    %dma_start3A_286 = arith.constant 0 : i32
    %dma_start3A_287 = arith.constant 0 : i32
    %dma_start3A_288 = tpu.memref_slice %arg5[%dma_start3A_286, %dma_start3A_287] : memref<1000x32xf32, #tpu.memory_space<hbm>> -> memref<1000x32xf32, #tpu.memory_space<hbm>>
    %dma_start3A_289 = tpu.memref_slice %arg12[%dma_start3A_278] : memref<4x!tpu.dma_semaphore, #tpu.memory_space<semaphore_mem>> -> memref<1x!tpu.dma_semaphore, #tpu.memory_space<semaphore_mem>>
    %dma_start3A_290 = tpu.memref_squeeze %dma_start3A_289 : memref<1x!tpu.dma_semaphore, #tpu.memory_space<semaphore_mem>> -> memref<!tpu.dma_semaphore, #tpu.memory_space<semaphore_mem>>
    tpu.enqueue_indirect_dma source(%dma_start3A_288 : memref<1000x32xf32, #tpu.memory_space<hbm>>) target(%dma_start3A_282 : memref<128x32xf32, #tpu.memory_space<vmem>>) offsets(%dma_start3A_285 : memref<128xi32, #tpu.memory_space<vmem>>) semaphore(%dma_start3A_290 : memref<!tpu.dma_semaphore, #tpu.memory_space<semaphore_mem>>)
    %dma_start3A_291 = arith.constant 0 : i32
    %dma_start3A_292 = arith.constant 3 : i32
    %dma_start3A_293 = arith.constant 3 : i32
    %dma_start3A_294 = arith.constant 128 : i32
    %dma_start3A_295 = arith.constant 0 : i32
    %dma_start3A_296 = tpu.memref_slice %arg9[%dma_start3A_292, %dma_start3A_294, %dma_start3A_295] : memref<4x256x32xf32, #tpu.memory_space<vmem>> -> memref<1x128x32xf32, #tpu.memory_space<vmem>>
    %dma_start3A_297 = tpu.memref_squeeze %dma_start3A_296 : memref<1x128x32xf32, #tpu.memory_space<vmem>> -> memref<128x32xf32, #tpu.memory_space<vmem>>
    %dma_start3A_298 = arith.constant 896 : i32
    %dma_start3A_299 = tpu.memref_slice %arg7[%dma_start3A_291, %dma_start3A_298] : memref<2x1024xi32, #tpu.memory_space<vmem>> -> memref<1x128xi32, #tpu.memory_space<vmem>>
    %dma_start3A_300 = tpu.memref_squeeze %dma_start3A_299 : memref<1x128xi32, #tpu.memory_space<vmem>> -> memref<128xi32, #tpu.memory_space<vmem>>
    %dma_start3A_301 = arith.constant 0 : i32
    %dma_start3A_302 = arith.constant 0 : i32
    %dma_start3A_303 = tpu.memref_slice %arg4[%dma_start3A_301, %dma_start3A_302] : memref<100000x32xf32, #tpu.memory_space<hbm>> -> memref<100000x32xf32, #tpu.memory_space<hbm>>
    %dma_start3A_304 = tpu.memref_slice %arg12[%dma_start3A_293] : memref<4x!tpu.dma_semaphore, #tpu.memory_space<semaphore_mem>> -> memref<1x!tpu.dma_semaphore, #tpu.memory_space<semaphore_mem>>
    %dma_start3A_305 = tpu.memref_squeeze %dma_start3A_304 : memref<1x!tpu.dma_semaphore, #tpu.memory_space<semaphore_mem>> -> memref<!tpu.dma_semaphore, #tpu.memory_space<semaphore_mem>>
    tpu.enqueue_indirect_dma source(%dma_start3A_303 : memref<100000x32xf32, #tpu.memory_space<hbm>>) target(%dma_start3A_297 : memref<128x32xf32, #tpu.memory_space<vmem>>) offsets(%dma_start3A_300 : memref<128xi32, #tpu.memory_space<vmem>>) semaphore(%dma_start3A_305 : memref<!tpu.dma_semaphore, #tpu.memory_space<semaphore_mem>>)
    %dma_start3A_306 = arith.constant 0 : i32
    %dma_start3A_307 = arith.constant 3 : i32
    %dma_start3A_308 = arith.constant 3 : i32
    %dma_start3A_309 = arith.constant 128 : i32
    %dma_start3A_310 = arith.constant 0 : i32
    %dma_start3A_311 = tpu.memref_slice %arg10[%dma_start3A_307, %dma_start3A_309, %dma_start3A_310] : memref<4x256x32xf32, #tpu.memory_space<vmem>> -> memref<1x128x32xf32, #tpu.memory_space<vmem>>
    %dma_start3A_312 = tpu.memref_squeeze %dma_start3A_311 : memref<1x128x32xf32, #tpu.memory_space<vmem>> -> memref<128x32xf32, #tpu.memory_space<vmem>>
    %dma_start3A_313 = arith.constant 896 : i32
    %dma_start3A_314 = tpu.memref_slice %arg8[%dma_start3A_306, %dma_start3A_313] : memref<2x1024xi32, #tpu.memory_space<vmem>> -> memref<1x128xi32, #tpu.memory_space<vmem>>
    %dma_start3A_315 = tpu.memref_squeeze %dma_start3A_314 : memref<1x128xi32, #tpu.memory_space<vmem>> -> memref<128xi32, #tpu.memory_space<vmem>>
    %dma_start3A_316 = arith.constant 0 : i32
    %dma_start3A_317 = arith.constant 0 : i32
    %dma_start3A_318 = tpu.memref_slice %arg5[%dma_start3A_316, %dma_start3A_317] : memref<1000x32xf32, #tpu.memory_space<hbm>> -> memref<1000x32xf32, #tpu.memory_space<hbm>>
    %dma_start3A_319 = tpu.memref_slice %arg12[%dma_start3A_308] : memref<4x!tpu.dma_semaphore, #tpu.memory_space<semaphore_mem>> -> memref<1x!tpu.dma_semaphore, #tpu.memory_space<semaphore_mem>>
    %dma_start3A_320 = tpu.memref_squeeze %dma_start3A_319 : memref<1x!tpu.dma_semaphore, #tpu.memory_space<semaphore_mem>> -> memref<!tpu.dma_semaphore, #tpu.memory_space<semaphore_mem>>
    tpu.enqueue_indirect_dma source(%dma_start3A_318 : memref<1000x32xf32, #tpu.memory_space<hbm>>) target(%dma_start3A_312 : memref<128x32xf32, #tpu.memory_space<vmem>>) offsets(%dma_start3A_315 : memref<128xi32, #tpu.memory_space<vmem>>) semaphore(%dma_start3A_320 : memref<!tpu.dma_semaphore, #tpu.memory_space<semaphore_mem>>)
    %dma_wait3A_321 = arith.constant 0 : i32
    %dma_wait3A_322 = arith.constant 0 : i32
    %dma_wait3A_323 = arith.constant 0 : i32
    %dma_wait3A_324 = arith.constant 0 : i32
    %dma_wait3A_325 = arith.constant 0 : i32
    %dma_wait3A_326 = tpu.memref_slice %arg9[%dma_wait3A_322, %dma_wait3A_324, %dma_wait3A_325] : memref<4x256x32xf32, #tpu.memory_space<vmem>> -> memref<1x128x32xf32, #tpu.memory_space<vmem>>
    %dma_wait3A_327 = tpu.memref_squeeze %dma_wait3A_326 : memref<1x128x32xf32, #tpu.memory_space<vmem>> -> memref<128x32xf32, #tpu.memory_space<vmem>>
    %dma_wait3A_328 = arith.constant 0 : i32
    %dma_wait3A_329 = tpu.memref_slice %arg7[%dma_wait3A_321, %dma_wait3A_328] : memref<2x1024xi32, #tpu.memory_space<vmem>> -> memref<1x128xi32, #tpu.memory_space<vmem>>
    %dma_wait3A_330 = tpu.memref_squeeze %dma_wait3A_329 : memref<1x128xi32, #tpu.memory_space<vmem>> -> memref<128xi32, #tpu.memory_space<vmem>>
    %dma_wait3A_331 = arith.constant 0 : i32
    %dma_wait3A_332 = arith.constant 0 : i32
    %dma_wait3A_333 = tpu.memref_slice %arg4[%dma_wait3A_331, %dma_wait3A_332] : memref<100000x32xf32, #tpu.memory_space<hbm>> -> memref<100000x32xf32, #tpu.memory_space<hbm>>
    %dma_wait3A_334 = tpu.memref_slice %arg12[%dma_wait3A_323] : memref<4x!tpu.dma_semaphore, #tpu.memory_space<semaphore_mem>> -> memref<1x!tpu.dma_semaphore, #tpu.memory_space<semaphore_mem>>
    %dma_wait3A_335 = tpu.memref_squeeze %dma_wait3A_334 : memref<1x!tpu.dma_semaphore, #tpu.memory_space<semaphore_mem>> -> memref<!tpu.dma_semaphore, #tpu.memory_space<semaphore_mem>>
    tpu.wait_indirect_dma semaphore(%dma_wait3A_335 : memref<!tpu.dma_semaphore, #tpu.memory_space<semaphore_mem>>) src(%dma_wait3A_333 : memref<100000x32xf32, #tpu.memory_space<hbm>>) dst(%dma_wait3A_327 : memref<128x32xf32, #tpu.memory_space<vmem>>)
    %dma_wait3A_336 = arith.constant 0 : i32
    %dma_wait3A_337 = arith.constant 0 : i32
    %dma_wait3A_338 = arith.constant 0 : i32
    %dma_wait3A_339 = arith.constant 0 : i32
    %dma_wait3A_340 = arith.constant 0 : i32
    %dma_wait3A_341 = tpu.memref_slice %arg10[%dma_wait3A_337, %dma_wait3A_339, %dma_wait3A_340] : memref<4x256x32xf32, #tpu.memory_space<vmem>> -> memref<1x128x32xf32, #tpu.memory_space<vmem>>
    %dma_wait3A_342 = tpu.memref_squeeze %dma_wait3A_341 : memref<1x128x32xf32, #tpu.memory_space<vmem>> -> memref<128x32xf32, #tpu.memory_space<vmem>>
    %dma_wait3A_343 = arith.constant 0 : i32
    %dma_wait3A_344 = tpu.memref_slice %arg8[%dma_wait3A_336, %dma_wait3A_343] : memref<2x1024xi32, #tpu.memory_space<vmem>> -> memref<1x128xi32, #tpu.memory_space<vmem>>
    %dma_wait3A_345 = tpu.memref_squeeze %dma_wait3A_344 : memref<1x128xi32, #tpu.memory_space<vmem>> -> memref<128xi32, #tpu.memory_space<vmem>>
    %dma_wait3A_346 = arith.constant 0 : i32
    %dma_wait3A_347 = arith.constant 0 : i32
    %dma_wait3A_348 = tpu.memref_slice %arg5[%dma_wait3A_346, %dma_wait3A_347] : memref<1000x32xf32, #tpu.memory_space<hbm>> -> memref<1000x32xf32, #tpu.memory_space<hbm>>
    %dma_wait3A_349 = tpu.memref_slice %arg12[%dma_wait3A_338] : memref<4x!tpu.dma_semaphore, #tpu.memory_space<semaphore_mem>> -> memref<1x!tpu.dma_semaphore, #tpu.memory_space<semaphore_mem>>
    %dma_wait3A_350 = tpu.memref_squeeze %dma_wait3A_349 : memref<1x!tpu.dma_semaphore, #tpu.memory_space<semaphore_mem>> -> memref<!tpu.dma_semaphore, #tpu.memory_space<semaphore_mem>>
    tpu.wait_indirect_dma semaphore(%dma_wait3A_350 : memref<!tpu.dma_semaphore, #tpu.memory_space<semaphore_mem>>) src(%dma_wait3A_348 : memref<1000x32xf32, #tpu.memory_space<hbm>>) dst(%dma_wait3A_342 : memref<128x32xf32, #tpu.memory_space<vmem>>)
    %dma_wait3A_351 = arith.constant 0 : i32
    %dma_wait3A_352 = arith.constant 0 : i32
    %dma_wait3A_353 = arith.constant 0 : i32
    %dma_wait3A_354 = arith.constant 128 : i32
    %dma_wait3A_355 = arith.constant 0 : i32
    %dma_wait3A_356 = tpu.memref_slice %arg9[%dma_wait3A_352, %dma_wait3A_354, %dma_wait3A_355] : memref<4x256x32xf32, #tpu.memory_space<vmem>> -> memref<1x128x32xf32, #tpu.memory_space<vmem>>
    %dma_wait3A_357 = tpu.memref_squeeze %dma_wait3A_356 : memref<1x128x32xf32, #tpu.memory_space<vmem>> -> memref<128x32xf32, #tpu.memory_space<vmem>>
    %dma_wait3A_358 = arith.constant 128 : i32
    %dma_wait3A_359 = tpu.memref_slice %arg7[%dma_wait3A_351, %dma_wait3A_358] : memref<2x1024xi32, #tpu.memory_space<vmem>> -> memref<1x128xi32, #tpu.memory_space<vmem>>
    %dma_wait3A_360 = tpu.memref_squeeze %dma_wait3A_359 : memref<1x128xi32, #tpu.memory_space<vmem>> -> memref<128xi32, #tpu.memory_space<vmem>>
    %dma_wait3A_361 = arith.constant 0 : i32
    %dma_wait3A_362 = arith.constant 0 : i32
    %dma_wait3A_363 = tpu.memref_slice %arg4[%dma_wait3A_361, %dma_wait3A_362] : memref<100000x32xf32, #tpu.memory_space<hbm>> -> memref<100000x32xf32, #tpu.memory_space<hbm>>
    %dma_wait3A_364 = tpu.memref_slice %arg12[%dma_wait3A_353] : memref<4x!tpu.dma_semaphore, #tpu.memory_space<semaphore_mem>> -> memref<1x!tpu.dma_semaphore, #tpu.memory_space<semaphore_mem>>
    %dma_wait3A_365 = tpu.memref_squeeze %dma_wait3A_364 : memref<1x!tpu.dma_semaphore, #tpu.memory_space<semaphore_mem>> -> memref<!tpu.dma_semaphore, #tpu.memory_space<semaphore_mem>>
    tpu.wait_indirect_dma semaphore(%dma_wait3A_365 : memref<!tpu.dma_semaphore, #tpu.memory_space<semaphore_mem>>) src(%dma_wait3A_363 : memref<100000x32xf32, #tpu.memory_space<hbm>>) dst(%dma_wait3A_357 : memref<128x32xf32, #tpu.memory_space<vmem>>)
    %dma_wait3A_366 = arith.constant 0 : i32
    %dma_wait3A_367 = arith.constant 0 : i32
    %dma_wait3A_368 = arith.constant 0 : i32
    %dma_wait3A_369 = arith.constant 128 : i32
    %dma_wait3A_370 = arith.constant 0 : i32
    %dma_wait3A_371 = tpu.memref_slice %arg10[%dma_wait3A_367, %dma_wait3A_369, %dma_wait3A_370] : memref<4x256x32xf32, #tpu.memory_space<vmem>> -> memref<1x128x32xf32, #tpu.memory_space<vmem>>
    %dma_wait3A_372 = tpu.memref_squeeze %dma_wait3A_371 : memref<1x128x32xf32, #tpu.memory_space<vmem>> -> memref<128x32xf32, #tpu.memory_space<vmem>>
    %dma_wait3A_373 = arith.constant 128 : i32
    %dma_wait3A_374 = tpu.memref_slice %arg8[%dma_wait3A_366, %dma_wait3A_373] : memref<2x1024xi32, #tpu.memory_space<vmem>> -> memref<1x128xi32, #tpu.memory_space<vmem>>
    %dma_wait3A_375 = tpu.memref_squeeze %dma_wait3A_374 : memref<1x128xi32, #tpu.memory_space<vmem>> -> memref<128xi32, #tpu.memory_space<vmem>>
    %dma_wait3A_376 = arith.constant 0 : i32
    %dma_wait3A_377 = arith.constant 0 : i32
    %dma_wait3A_378 = tpu.memref_slice %arg5[%dma_wait3A_376, %dma_wait3A_377] : memref<1000x32xf32, #tpu.memory_space<hbm>> -> memref<1000x32xf32, #tpu.memory_space<hbm>>
    %dma_wait3A_379 = tpu.memref_slice %arg12[%dma_wait3A_368] : memref<4x!tpu.dma_semaphore, #tpu.memory_space<semaphore_mem>> -> memref<1x!tpu.dma_semaphore, #tpu.memory_space<semaphore_mem>>
    %dma_wait3A_380 = tpu.memref_squeeze %dma_wait3A_379 : memref<1x!tpu.dma_semaphore, #tpu.memory_space<semaphore_mem>> -> memref<!tpu.dma_semaphore, #tpu.memory_space<semaphore_mem>>
    tpu.wait_indirect_dma semaphore(%dma_wait3A_380 : memref<!tpu.dma_semaphore, #tpu.memory_space<semaphore_mem>>) src(%dma_wait3A_378 : memref<1000x32xf32, #tpu.memory_space<hbm>>) dst(%dma_wait3A_372 : memref<128x32xf32, #tpu.memory_space<vmem>>)
    %add3A_381 = arith.constant 0 : i32
    %add3A_382 = arith.addi %mul3A_2, %add3A_381 : i32
    %add3A_383 = arith.constant 0 : i32
    %add3A_384 = arith.addi %add3A_382, %add3A_383 : i32
    %dma_start3A_385 = arith.constant 0 : i32
    %dma_start3A_386 = arith.constant 0 : i32
    %dma_start3A_387 = arith.constant 0 : i32
    %dma_start3A_388 = arith.constant 0 : i32
    %dma_start3A_389 = tpu.memref_slice %arg9[%dma_start3A_385, %dma_start3A_387, %dma_start3A_388] : memref<4x256x32xf32, #tpu.memory_space<vmem>> -> memref<1x256x32xf32, #tpu.memory_space<vmem>>
    %dma_start3A_390 = tpu.memref_squeeze %dma_start3A_389 : memref<1x256x32xf32, #tpu.memory_space<vmem>> -> memref<256x32xf32, #tpu.memory_space<vmem>>
    %dma_start3A_391 = arith.constant 0 : i32
    %dma_start3A_392 = tpu.memref_slice %arg6[%add3A_384, %dma_start3A_391] : memref<3276800x64xf32, #tpu.memory_space<hbm>> -> memref<256x32xf32, #tpu.memory_space<hbm>>
    %dma_start3A_393 = tpu.memref_slice %arg13[%dma_start3A_386] : memref<4x!tpu.dma_semaphore, #tpu.memory_space<semaphore_mem>> -> memref<1x!tpu.dma_semaphore, #tpu.memory_space<semaphore_mem>>
    %dma_start3A_394 = tpu.memref_squeeze %dma_start3A_393 : memref<1x!tpu.dma_semaphore, #tpu.memory_space<semaphore_mem>> -> memref<!tpu.dma_semaphore, #tpu.memory_space<semaphore_mem>>
    %dma_start3A_395 = arith.constant 0 : i32
    %dma_start3A_396 = tpu.memref_slice %arg6[%add3A_384, %dma_start3A_395] : memref<3276800x64xf32, #tpu.memory_space<hbm>> -> memref<256x32xf32, #tpu.memory_space<hbm>>
    %dma_start3A_397 = arith.constant 0 : i32
    %dma_start3A_398 = arith.constant 0 : i32
    %dma_start3A_399 = tpu.memref_slice %arg9[%dma_start3A_385, %dma_start3A_397, %dma_start3A_398] : memref<4x256x32xf32, #tpu.memory_space<vmem>> -> memref<1x256x32xf32, #tpu.memory_space<vmem>>
    %dma_start3A_400 = tpu.memref_squeeze %dma_start3A_399 : memref<1x256x32xf32, #tpu.memory_space<vmem>> -> memref<256x32xf32, #tpu.memory_space<vmem>>
    tpu.enqueue_dma source(%dma_start3A_400 : memref<256x32xf32, #tpu.memory_space<vmem>>) target(%dma_start3A_396 : memref<256x32xf32, #tpu.memory_space<hbm>>) target_semaphore(%dma_start3A_394 : memref<!tpu.dma_semaphore, #tpu.memory_space<semaphore_mem>>)
    %dma_start3A_401 = arith.constant 0 : i32
    %dma_start3A_402 = arith.constant 0 : i32
    %dma_start3A_403 = arith.constant 0 : i32
    %dma_start3A_404 = arith.constant 0 : i32
    %dma_start3A_405 = tpu.memref_slice %arg10[%dma_start3A_401, %dma_start3A_403, %dma_start3A_404] : memref<4x256x32xf32, #tpu.memory_space<vmem>> -> memref<1x256x32xf32, #tpu.memory_space<vmem>>
    %dma_start3A_406 = tpu.memref_squeeze %dma_start3A_405 : memref<1x256x32xf32, #tpu.memory_space<vmem>> -> memref<256x32xf32, #tpu.memory_space<vmem>>
    %dma_start3A_407 = arith.constant 32 : i32
    %dma_start3A_408 = tpu.memref_slice %arg6[%add3A_384, %dma_start3A_407] : memref<3276800x64xf32, #tpu.memory_space<hbm>> -> memref<256x32xf32, #tpu.memory_space<hbm>>
    %dma_start3A_409 = tpu.memref_slice %arg13[%dma_start3A_402] : memref<4x!tpu.dma_semaphore, #tpu.memory_space<semaphore_mem>> -> memref<1x!tpu.dma_semaphore, #tpu.memory_space<semaphore_mem>>
    %dma_start3A_410 = tpu.memref_squeeze %dma_start3A_409 : memref<1x!tpu.dma_semaphore, #tpu.memory_space<semaphore_mem>> -> memref<!tpu.dma_semaphore, #tpu.memory_space<semaphore_mem>>
    %dma_start3A_411 = arith.constant 32 : i32
    %dma_start3A_412 = tpu.memref_slice %arg6[%add3A_384, %dma_start3A_411] : memref<3276800x64xf32, #tpu.memory_space<hbm>> -> memref<256x32xf32, #tpu.memory_space<hbm>>
    %dma_start3A_413 = arith.constant 0 : i32
    %dma_start3A_414 = arith.constant 0 : i32
    %dma_start3A_415 = tpu.memref_slice %arg10[%dma_start3A_401, %dma_start3A_413, %dma_start3A_414] : memref<4x256x32xf32, #tpu.memory_space<vmem>> -> memref<1x256x32xf32, #tpu.memory_space<vmem>>
    %dma_start3A_416 = tpu.memref_squeeze %dma_start3A_415 : memref<1x256x32xf32, #tpu.memory_space<vmem>> -> memref<256x32xf32, #tpu.memory_space<vmem>>
    tpu.enqueue_dma source(%dma_start3A_416 : memref<256x32xf32, #tpu.memory_space<vmem>>) target(%dma_start3A_412 : memref<256x32xf32, #tpu.memory_space<hbm>>) target_semaphore(%dma_start3A_410 : memref<!tpu.dma_semaphore, #tpu.memory_space<semaphore_mem>>)
    %dma_wait3A_417 = arith.constant 0 : i32
    %dma_wait3A_418 = arith.constant 1 : i32
    %dma_wait3A_419 = arith.constant 1 : i32
    %dma_wait3A_420 = arith.constant 0 : i32
    %dma_wait3A_421 = arith.constant 0 : i32
    %dma_wait3A_422 = tpu.memref_slice %arg9[%dma_wait3A_418, %dma_wait3A_420, %dma_wait3A_421] : memref<4x256x32xf32, #tpu.memory_space<vmem>> -> memref<1x128x32xf32, #tpu.memory_space<vmem>>
    %dma_wait3A_423 = tpu.memref_squeeze %dma_wait3A_422 : memref<1x128x32xf32, #tpu.memory_space<vmem>> -> memref<128x32xf32, #tpu.memory_space<vmem>>
    %dma_wait3A_424 = arith.constant 256 : i32
    %dma_wait3A_425 = tpu.memref_slice %arg7[%dma_wait3A_417, %dma_wait3A_424] : memref<2x1024xi32, #tpu.memory_space<vmem>> -> memref<1x128xi32, #tpu.memory_space<vmem>>
    %dma_wait3A_426 = tpu.memref_squeeze %dma_wait3A_425 : memref<1x128xi32, #tpu.memory_space<vmem>> -> memref<128xi32, #tpu.memory_space<vmem>>
    %dma_wait3A_427 = arith.constant 0 : i32
    %dma_wait3A_428 = arith.constant 0 : i32
    %dma_wait3A_429 = tpu.memref_slice %arg4[%dma_wait3A_427, %dma_wait3A_428] : memref<100000x32xf32, #tpu.memory_space<hbm>> -> memref<100000x32xf32, #tpu.memory_space<hbm>>
    %dma_wait3A_430 = tpu.memref_slice %arg12[%dma_wait3A_419] : memref<4x!tpu.dma_semaphore, #tpu.memory_space<semaphore_mem>> -> memref<1x!tpu.dma_semaphore, #tpu.memory_space<semaphore_mem>>
    %dma_wait3A_431 = tpu.memref_squeeze %dma_wait3A_430 : memref<1x!tpu.dma_semaphore, #tpu.memory_space<semaphore_mem>> -> memref<!tpu.dma_semaphore, #tpu.memory_space<semaphore_mem>>
    tpu.wait_indirect_dma semaphore(%dma_wait3A_431 : memref<!tpu.dma_semaphore, #tpu.memory_space<semaphore_mem>>) src(%dma_wait3A_429 : memref<100000x32xf32, #tpu.memory_space<hbm>>) dst(%dma_wait3A_423 : memref<128x32xf32, #tpu.memory_space<vmem>>)
    %dma_wait3A_432 = arith.constant 0 : i32
    %dma_wait3A_433 = arith.constant 1 : i32
    %dma_wait3A_434 = arith.constant 1 : i32
    %dma_wait3A_435 = arith.constant 0 : i32
    %dma_wait3A_436 = arith.constant 0 : i32
    %dma_wait3A_437 = tpu.memref_slice %arg10[%dma_wait3A_433, %dma_wait3A_435, %dma_wait3A_436] : memref<4x256x32xf32, #tpu.memory_space<vmem>> -> memref<1x128x32xf32, #tpu.memory_space<vmem>>
    %dma_wait3A_438 = tpu.memref_squeeze %dma_wait3A_437 : memref<1x128x32xf32, #tpu.memory_space<vmem>> -> memref<128x32xf32, #tpu.memory_space<vmem>>
    %dma_wait3A_439 = arith.constant 256 : i32
    %dma_wait3A_440 = tpu.memref_slice %arg8[%dma_wait3A_432, %dma_wait3A_439] : memref<2x1024xi32, #tpu.memory_space<vmem>> -> memref<1x128xi32, #tpu.memory_space<vmem>>
    %dma_wait3A_441 = tpu.memref_squeeze %dma_wait3A_440 : memref<1x128xi32, #tpu.memory_space<vmem>> -> memref<128xi32, #tpu.memory_space<vmem>>
    %dma_wait3A_442 = arith.constant 0 : i32
    %dma_wait3A_443 = arith.constant 0 : i32
    %dma_wait3A_444 = tpu.memref_slice %arg5[%dma_wait3A_442, %dma_wait3A_443] : memref<1000x32xf32, #tpu.memory_space<hbm>> -> memref<1000x32xf32, #tpu.memory_space<hbm>>
    %dma_wait3A_445 = tpu.memref_slice %arg12[%dma_wait3A_434] : memref<4x!tpu.dma_semaphore, #tpu.memory_space<semaphore_mem>> -> memref<1x!tpu.dma_semaphore, #tpu.memory_space<semaphore_mem>>
    %dma_wait3A_446 = tpu.memref_squeeze %dma_wait3A_445 : memref<1x!tpu.dma_semaphore, #tpu.memory_space<semaphore_mem>> -> memref<!tpu.dma_semaphore, #tpu.memory_space<semaphore_mem>>
    tpu.wait_indirect_dma semaphore(%dma_wait3A_446 : memref<!tpu.dma_semaphore, #tpu.memory_space<semaphore_mem>>) src(%dma_wait3A_444 : memref<1000x32xf32, #tpu.memory_space<hbm>>) dst(%dma_wait3A_438 : memref<128x32xf32, #tpu.memory_space<vmem>>)
    %dma_wait3A_447 = arith.constant 0 : i32
    %dma_wait3A_448 = arith.constant 1 : i32
    %dma_wait3A_449 = arith.constant 1 : i32
    %dma_wait3A_450 = arith.constant 128 : i32
    %dma_wait3A_451 = arith.constant 0 : i32
    %dma_wait3A_452 = tpu.memref_slice %arg9[%dma_wait3A_448, %dma_wait3A_450, %dma_wait3A_451] : memref<4x256x32xf32, #tpu.memory_space<vmem>> -> memref<1x128x32xf32, #tpu.memory_space<vmem>>
    %dma_wait3A_453 = tpu.memref_squeeze %dma_wait3A_452 : memref<1x128x32xf32, #tpu.memory_space<vmem>> -> memref<128x32xf32, #tpu.memory_space<vmem>>
    %dma_wait3A_454 = arith.constant 384 : i32
    %dma_wait3A_455 = tpu.memref_slice %arg7[%dma_wait3A_447, %dma_wait3A_454] : memref<2x1024xi32, #tpu.memory_space<vmem>> -> memref<1x128xi32, #tpu.memory_space<vmem>>
    %dma_wait3A_456 = tpu.memref_squeeze %dma_wait3A_455 : memref<1x128xi32, #tpu.memory_space<vmem>> -> memref<128xi32, #tpu.memory_space<vmem>>
    %dma_wait3A_457 = arith.constant 0 : i32
    %dma_wait3A_458 = arith.constant 0 : i32
    %dma_wait3A_459 = tpu.memref_slice %arg4[%dma_wait3A_457, %dma_wait3A_458] : memref<100000x32xf32, #tpu.memory_space<hbm>> -> memref<100000x32xf32, #tpu.memory_space<hbm>>
    %dma_wait3A_460 = tpu.memref_slice %arg12[%dma_wait3A_449] : memref<4x!tpu.dma_semaphore, #tpu.memory_space<semaphore_mem>> -> memref<1x!tpu.dma_semaphore, #tpu.memory_space<semaphore_mem>>
    %dma_wait3A_461 = tpu.memref_squeeze %dma_wait3A_460 : memref<1x!tpu.dma_semaphore, #tpu.memory_space<semaphore_mem>> -> memref<!tpu.dma_semaphore, #tpu.memory_space<semaphore_mem>>
    tpu.wait_indirect_dma semaphore(%dma_wait3A_461 : memref<!tpu.dma_semaphore, #tpu.memory_space<semaphore_mem>>) src(%dma_wait3A_459 : memref<100000x32xf32, #tpu.memory_space<hbm>>) dst(%dma_wait3A_453 : memref<128x32xf32, #tpu.memory_space<vmem>>)
    %dma_wait3A_462 = arith.constant 0 : i32
    %dma_wait3A_463 = arith.constant 1 : i32
    %dma_wait3A_464 = arith.constant 1 : i32
    %dma_wait3A_465 = arith.constant 128 : i32
    %dma_wait3A_466 = arith.constant 0 : i32
    %dma_wait3A_467 = tpu.memref_slice %arg10[%dma_wait3A_463, %dma_wait3A_465, %dma_wait3A_466] : memref<4x256x32xf32, #tpu.memory_space<vmem>> -> memref<1x128x32xf32, #tpu.memory_space<vmem>>
    %dma_wait3A_468 = tpu.memref_squeeze %dma_wait3A_467 : memref<1x128x32xf32, #tpu.memory_space<vmem>> -> memref<128x32xf32, #tpu.memory_space<vmem>>
    %dma_wait3A_469 = arith.constant 384 : i32
    %dma_wait3A_470 = tpu.memref_slice %arg8[%dma_wait3A_462, %dma_wait3A_469] : memref<2x1024xi32, #tpu.memory_space<vmem>> -> memref<1x128xi32, #tpu.memory_space<vmem>>
    %dma_wait3A_471 = tpu.memref_squeeze %dma_wait3A_470 : memref<1x128xi32, #tpu.memory_space<vmem>> -> memref<128xi32, #tpu.memory_space<vmem>>
    %dma_wait3A_472 = arith.constant 0 : i32
    %dma_wait3A_473 = arith.constant 0 : i32
    %dma_wait3A_474 = tpu.memref_slice %arg5[%dma_wait3A_472, %dma_wait3A_473] : memref<1000x32xf32, #tpu.memory_space<hbm>> -> memref<1000x32xf32, #tpu.memory_space<hbm>>
    %dma_wait3A_475 = tpu.memref_slice %arg12[%dma_wait3A_464] : memref<4x!tpu.dma_semaphore, #tpu.memory_space<semaphore_mem>> -> memref<1x!tpu.dma_semaphore, #tpu.memory_space<semaphore_mem>>
    %dma_wait3A_476 = tpu.memref_squeeze %dma_wait3A_475 : memref<1x!tpu.dma_semaphore, #tpu.memory_space<semaphore_mem>> -> memref<!tpu.dma_semaphore, #tpu.memory_space<semaphore_mem>>
    tpu.wait_indirect_dma semaphore(%dma_wait3A_476 : memref<!tpu.dma_semaphore, #tpu.memory_space<semaphore_mem>>) src(%dma_wait3A_474 : memref<1000x32xf32, #tpu.memory_space<hbm>>) dst(%dma_wait3A_468 : memref<128x32xf32, #tpu.memory_space<vmem>>)
    %add3A_477 = arith.constant 0 : i32
    %add3A_478 = arith.addi %mul3A_2, %add3A_477 : i32
    %add3A_479 = arith.constant 256 : i32
    %add3A_480 = arith.addi %add3A_478, %add3A_479 : i32
    %dma_start3A_481 = arith.constant 1 : i32
    %dma_start3A_482 = arith.constant 1 : i32
    %dma_start3A_483 = arith.constant 0 : i32
    %dma_start3A_484 = arith.constant 0 : i32
    %dma_start3A_485 = tpu.memref_slice %arg9[%dma_start3A_481, %dma_start3A_483, %dma_start3A_484] : memref<4x256x32xf32, #tpu.memory_space<vmem>> -> memref<1x256x32xf32, #tpu.memory_space<vmem>>
    %dma_start3A_486 = tpu.memref_squeeze %dma_start3A_485 : memref<1x256x32xf32, #tpu.memory_space<vmem>> -> memref<256x32xf32, #tpu.memory_space<vmem>>
    %dma_start3A_487 = arith.constant 0 : i32
    %dma_start3A_488 = tpu.memref_slice %arg6[%add3A_480, %dma_start3A_487] : memref<3276800x64xf32, #tpu.memory_space<hbm>> -> memref<256x32xf32, #tpu.memory_space<hbm>>
    %dma_start3A_489 = tpu.memref_slice %arg13[%dma_start3A_482] : memref<4x!tpu.dma_semaphore, #tpu.memory_space<semaphore_mem>> -> memref<1x!tpu.dma_semaphore, #tpu.memory_space<semaphore_mem>>
    %dma_start3A_490 = tpu.memref_squeeze %dma_start3A_489 : memref<1x!tpu.dma_semaphore, #tpu.memory_space<semaphore_mem>> -> memref<!tpu.dma_semaphore, #tpu.memory_space<semaphore_mem>>
    %dma_start3A_491 = arith.constant 0 : i32
    %dma_start3A_492 = tpu.memref_slice %arg6[%add3A_480, %dma_start3A_491] : memref<3276800x64xf32, #tpu.memory_space<hbm>> -> memref<256x32xf32, #tpu.memory_space<hbm>>
    %dma_start3A_493 = arith.constant 0 : i32
    %dma_start3A_494 = arith.constant 0 : i32
    %dma_start3A_495 = tpu.memref_slice %arg9[%dma_start3A_481, %dma_start3A_493, %dma_start3A_494] : memref<4x256x32xf32, #tpu.memory_space<vmem>> -> memref<1x256x32xf32, #tpu.memory_space<vmem>>
    %dma_start3A_496 = tpu.memref_squeeze %dma_start3A_495 : memref<1x256x32xf32, #tpu.memory_space<vmem>> -> memref<256x32xf32, #tpu.memory_space<vmem>>
    tpu.enqueue_dma source(%dma_start3A_496 : memref<256x32xf32, #tpu.memory_space<vmem>>) target(%dma_start3A_492 : memref<256x32xf32, #tpu.memory_space<hbm>>) target_semaphore(%dma_start3A_490 : memref<!tpu.dma_semaphore, #tpu.memory_space<semaphore_mem>>)
    %dma_start3A_497 = arith.constant 1 : i32
    %dma_start3A_498 = arith.constant 1 : i32
    %dma_start3A_499 = arith.constant 0 : i32
    %dma_start3A_500 = arith.constant 0 : i32
    %dma_start3A_501 = tpu.memref_slice %arg10[%dma_start3A_497, %dma_start3A_499, %dma_start3A_500] : memref<4x256x32xf32, #tpu.memory_space<vmem>> -> memref<1x256x32xf32, #tpu.memory_space<vmem>>
    %dma_start3A_502 = tpu.memref_squeeze %dma_start3A_501 : memref<1x256x32xf32, #tpu.memory_space<vmem>> -> memref<256x32xf32, #tpu.memory_space<vmem>>
    %dma_start3A_503 = arith.constant 32 : i32
    %dma_start3A_504 = tpu.memref_slice %arg6[%add3A_480, %dma_start3A_503] : memref<3276800x64xf32, #tpu.memory_space<hbm>> -> memref<256x32xf32, #tpu.memory_space<hbm>>
    %dma_start3A_505 = tpu.memref_slice %arg13[%dma_start3A_498] : memref<4x!tpu.dma_semaphore, #tpu.memory_space<semaphore_mem>> -> memref<1x!tpu.dma_semaphore, #tpu.memory_space<semaphore_mem>>
    %dma_start3A_506 = tpu.memref_squeeze %dma_start3A_505 : memref<1x!tpu.dma_semaphore, #tpu.memory_space<semaphore_mem>> -> memref<!tpu.dma_semaphore, #tpu.memory_space<semaphore_mem>>
    %dma_start3A_507 = arith.constant 32 : i32
    %dma_start3A_508 = tpu.memref_slice %arg6[%add3A_480, %dma_start3A_507] : memref<3276800x64xf32, #tpu.memory_space<hbm>> -> memref<256x32xf32, #tpu.memory_space<hbm>>
    %dma_start3A_509 = arith.constant 0 : i32
    %dma_start3A_510 = arith.constant 0 : i32
    %dma_start3A_511 = tpu.memref_slice %arg10[%dma_start3A_497, %dma_start3A_509, %dma_start3A_510] : memref<4x256x32xf32, #tpu.memory_space<vmem>> -> memref<1x256x32xf32, #tpu.memory_space<vmem>>
    %dma_start3A_512 = tpu.memref_squeeze %dma_start3A_511 : memref<1x256x32xf32, #tpu.memory_space<vmem>> -> memref<256x32xf32, #tpu.memory_space<vmem>>
    tpu.enqueue_dma source(%dma_start3A_512 : memref<256x32xf32, #tpu.memory_space<vmem>>) target(%dma_start3A_508 : memref<256x32xf32, #tpu.memory_space<hbm>>) target_semaphore(%dma_start3A_506 : memref<!tpu.dma_semaphore, #tpu.memory_space<semaphore_mem>>)
    %dma_wait3A_513 = arith.constant 0 : i32
    %dma_wait3A_514 = arith.constant 2 : i32
    %dma_wait3A_515 = arith.constant 2 : i32
    %dma_wait3A_516 = arith.constant 0 : i32
    %dma_wait3A_517 = arith.constant 0 : i32
    %dma_wait3A_518 = tpu.memref_slice %arg9[%dma_wait3A_514, %dma_wait3A_516, %dma_wait3A_517] : memref<4x256x32xf32, #tpu.memory_space<vmem>> -> memref<1x128x32xf32, #tpu.memory_space<vmem>>
    %dma_wait3A_519 = tpu.memref_squeeze %dma_wait3A_518 : memref<1x128x32xf32, #tpu.memory_space<vmem>> -> memref<128x32xf32, #tpu.memory_space<vmem>>
    %dma_wait3A_520 = arith.constant 512 : i32
    %dma_wait3A_521 = tpu.memref_slice %arg7[%dma_wait3A_513, %dma_wait3A_520] : memref<2x1024xi32, #tpu.memory_space<vmem>> -> memref<1x128xi32, #tpu.memory_space<vmem>>
    %dma_wait3A_522 = tpu.memref_squeeze %dma_wait3A_521 : memref<1x128xi32, #tpu.memory_space<vmem>> -> memref<128xi32, #tpu.memory_space<vmem>>
    %dma_wait3A_523 = arith.constant 0 : i32
    %dma_wait3A_524 = arith.constant 0 : i32
    %dma_wait3A_525 = tpu.memref_slice %arg4[%dma_wait3A_523, %dma_wait3A_524] : memref<100000x32xf32, #tpu.memory_space<hbm>> -> memref<100000x32xf32, #tpu.memory_space<hbm>>
    %dma_wait3A_526 = tpu.memref_slice %arg12[%dma_wait3A_515] : memref<4x!tpu.dma_semaphore, #tpu.memory_space<semaphore_mem>> -> memref<1x!tpu.dma_semaphore, #tpu.memory_space<semaphore_mem>>
    %dma_wait3A_527 = tpu.memref_squeeze %dma_wait3A_526 : memref<1x!tpu.dma_semaphore, #tpu.memory_space<semaphore_mem>> -> memref<!tpu.dma_semaphore, #tpu.memory_space<semaphore_mem>>
    tpu.wait_indirect_dma semaphore(%dma_wait3A_527 : memref<!tpu.dma_semaphore, #tpu.memory_space<semaphore_mem>>) src(%dma_wait3A_525 : memref<100000x32xf32, #tpu.memory_space<hbm>>) dst(%dma_wait3A_519 : memref<128x32xf32, #tpu.memory_space<vmem>>)
    %dma_wait3A_528 = arith.constant 0 : i32
    %dma_wait3A_529 = arith.constant 2 : i32
    %dma_wait3A_530 = arith.constant 2 : i32
    %dma_wait3A_531 = arith.constant 0 : i32
    %dma_wait3A_532 = arith.constant 0 : i32
    %dma_wait3A_533 = tpu.memref_slice %arg10[%dma_wait3A_529, %dma_wait3A_531, %dma_wait3A_532] : memref<4x256x32xf32, #tpu.memory_space<vmem>> -> memref<1x128x32xf32, #tpu.memory_space<vmem>>
    %dma_wait3A_534 = tpu.memref_squeeze %dma_wait3A_533 : memref<1x128x32xf32, #tpu.memory_space<vmem>> -> memref<128x32xf32, #tpu.memory_space<vmem>>
    %dma_wait3A_535 = arith.constant 512 : i32
    %dma_wait3A_536 = tpu.memref_slice %arg8[%dma_wait3A_528, %dma_wait3A_535] : memref<2x1024xi32, #tpu.memory_space<vmem>> -> memref<1x128xi32, #tpu.memory_space<vmem>>
    %dma_wait3A_537 = tpu.memref_squeeze %dma_wait3A_536 : memref<1x128xi32, #tpu.memory_space<vmem>> -> memref<128xi32, #tpu.memory_space<vmem>>
    %dma_wait3A_538 = arith.constant 0 : i32
    %dma_wait3A_539 = arith.constant 0 : i32
    %dma_wait3A_540 = tpu.memref_slice %arg5[%dma_wait3A_538, %dma_wait3A_539] : memref<1000x32xf32, #tpu.memory_space<hbm>> -> memref<1000x32xf32, #tpu.memory_space<hbm>>
    %dma_wait3A_541 = tpu.memref_slice %arg12[%dma_wait3A_530] : memref<4x!tpu.dma_semaphore, #tpu.memory_space<semaphore_mem>> -> memref<1x!tpu.dma_semaphore, #tpu.memory_space<semaphore_mem>>
    %dma_wait3A_542 = tpu.memref_squeeze %dma_wait3A_541 : memref<1x!tpu.dma_semaphore, #tpu.memory_space<semaphore_mem>> -> memref<!tpu.dma_semaphore, #tpu.memory_space<semaphore_mem>>
    tpu.wait_indirect_dma semaphore(%dma_wait3A_542 : memref<!tpu.dma_semaphore, #tpu.memory_space<semaphore_mem>>) src(%dma_wait3A_540 : memref<1000x32xf32, #tpu.memory_space<hbm>>) dst(%dma_wait3A_534 : memref<128x32xf32, #tpu.memory_space<vmem>>)
    %dma_wait3A_543 = arith.constant 0 : i32
    %dma_wait3A_544 = arith.constant 2 : i32
    %dma_wait3A_545 = arith.constant 2 : i32
    %dma_wait3A_546 = arith.constant 128 : i32
    %dma_wait3A_547 = arith.constant 0 : i32
    %dma_wait3A_548 = tpu.memref_slice %arg9[%dma_wait3A_544, %dma_wait3A_546, %dma_wait3A_547] : memref<4x256x32xf32, #tpu.memory_space<vmem>> -> memref<1x128x32xf32, #tpu.memory_space<vmem>>
    %dma_wait3A_549 = tpu.memref_squeeze %dma_wait3A_548 : memref<1x128x32xf32, #tpu.memory_space<vmem>> -> memref<128x32xf32, #tpu.memory_space<vmem>>
    %dma_wait3A_550 = arith.constant 640 : i32
    %dma_wait3A_551 = tpu.memref_slice %arg7[%dma_wait3A_543, %dma_wait3A_550] : memref<2x1024xi32, #tpu.memory_space<vmem>> -> memref<1x128xi32, #tpu.memory_space<vmem>>
    %dma_wait3A_552 = tpu.memref_squeeze %dma_wait3A_551 : memref<1x128xi32, #tpu.memory_space<vmem>> -> memref<128xi32, #tpu.memory_space<vmem>>
    %dma_wait3A_553 = arith.constant 0 : i32
    %dma_wait3A_554 = arith.constant 0 : i32
    %dma_wait3A_555 = tpu.memref_slice %arg4[%dma_wait3A_553, %dma_wait3A_554] : memref<100000x32xf32, #tpu.memory_space<hbm>> -> memref<100000x32xf32, #tpu.memory_space<hbm>>
    %dma_wait3A_556 = tpu.memref_slice %arg12[%dma_wait3A_545] : memref<4x!tpu.dma_semaphore, #tpu.memory_space<semaphore_mem>> -> memref<1x!tpu.dma_semaphore, #tpu.memory_space<semaphore_mem>>
    %dma_wait3A_557 = tpu.memref_squeeze %dma_wait3A_556 : memref<1x!tpu.dma_semaphore, #tpu.memory_space<semaphore_mem>> -> memref<!tpu.dma_semaphore, #tpu.memory_space<semaphore_mem>>
    tpu.wait_indirect_dma semaphore(%dma_wait3A_557 : memref<!tpu.dma_semaphore, #tpu.memory_space<semaphore_mem>>) src(%dma_wait3A_555 : memref<100000x32xf32, #tpu.memory_space<hbm>>) dst(%dma_wait3A_549 : memref<128x32xf32, #tpu.memory_space<vmem>>)
    %dma_wait3A_558 = arith.constant 0 : i32
    %dma_wait3A_559 = arith.constant 2 : i32
    %dma_wait3A_560 = arith.constant 2 : i32
    %dma_wait3A_561 = arith.constant 128 : i32
    %dma_wait3A_562 = arith.constant 0 : i32
    %dma_wait3A_563 = tpu.memref_slice %arg10[%dma_wait3A_559, %dma_wait3A_561, %dma_wait3A_562] : memref<4x256x32xf32, #tpu.memory_space<vmem>> -> memref<1x128x32xf32, #tpu.memory_space<vmem>>
    %dma_wait3A_564 = tpu.memref_squeeze %dma_wait3A_563 : memref<1x128x32xf32, #tpu.memory_space<vmem>> -> memref<128x32xf32, #tpu.memory_space<vmem>>
    %dma_wait3A_565 = arith.constant 640 : i32
    %dma_wait3A_566 = tpu.memref_slice %arg8[%dma_wait3A_558, %dma_wait3A_565] : memref<2x1024xi32, #tpu.memory_space<vmem>> -> memref<1x128xi32, #tpu.memory_space<vmem>>
    %dma_wait3A_567 = tpu.memref_squeeze %dma_wait3A_566 : memref<1x128xi32, #tpu.memory_space<vmem>> -> memref<128xi32, #tpu.memory_space<vmem>>
    %dma_wait3A_568 = arith.constant 0 : i32
    %dma_wait3A_569 = arith.constant 0 : i32
    %dma_wait3A_570 = tpu.memref_slice %arg5[%dma_wait3A_568, %dma_wait3A_569] : memref<1000x32xf32, #tpu.memory_space<hbm>> -> memref<1000x32xf32, #tpu.memory_space<hbm>>
    %dma_wait3A_571 = tpu.memref_slice %arg12[%dma_wait3A_560] : memref<4x!tpu.dma_semaphore, #tpu.memory_space<semaphore_mem>> -> memref<1x!tpu.dma_semaphore, #tpu.memory_space<semaphore_mem>>
    %dma_wait3A_572 = tpu.memref_squeeze %dma_wait3A_571 : memref<1x!tpu.dma_semaphore, #tpu.memory_space<semaphore_mem>> -> memref<!tpu.dma_semaphore, #tpu.memory_space<semaphore_mem>>
    tpu.wait_indirect_dma semaphore(%dma_wait3A_572 : memref<!tpu.dma_semaphore, #tpu.memory_space<semaphore_mem>>) src(%dma_wait3A_570 : memref<1000x32xf32, #tpu.memory_space<hbm>>) dst(%dma_wait3A_564 : memref<128x32xf32, #tpu.memory_space<vmem>>)
    %add3A_573 = arith.constant 0 : i32
    %add3A_574 = arith.addi %mul3A_2, %add3A_573 : i32
    %add3A_575 = arith.constant 512 : i32
    %add3A_576 = arith.addi %add3A_574, %add3A_575 : i32
    %dma_start3A_577 = arith.constant 2 : i32
    %dma_start3A_578 = arith.constant 2 : i32
    %dma_start3A_579 = arith.constant 0 : i32
    %dma_start3A_580 = arith.constant 0 : i32
    %dma_start3A_581 = tpu.memref_slice %arg9[%dma_start3A_577, %dma_start3A_579, %dma_start3A_580] : memref<4x256x32xf32, #tpu.memory_space<vmem>> -> memref<1x256x32xf32, #tpu.memory_space<vmem>>
    %dma_start3A_582 = tpu.memref_squeeze %dma_start3A_581 : memref<1x256x32xf32, #tpu.memory_space<vmem>> -> memref<256x32xf32, #tpu.memory_space<vmem>>
    %dma_start3A_583 = arith.constant 0 : i32
    %dma_start3A_584 = tpu.memref_slice %arg6[%add3A_576, %dma_start3A_583] : memref<3276800x64xf32, #tpu.memory_space<hbm>> -> memref<256x32xf32, #tpu.memory_space<hbm>>
    %dma_start3A_585 = tpu.memref_slice %arg13[%dma_start3A_578] : memref<4x!tpu.dma_semaphore, #tpu.memory_space<semaphore_mem>> -> memref<1x!tpu.dma_semaphore, #tpu.memory_space<semaphore_mem>>
    %dma_start3A_586 = tpu.memref_squeeze %dma_start3A_585 : memref<1x!tpu.dma_semaphore, #tpu.memory_space<semaphore_mem>> -> memref<!tpu.dma_semaphore, #tpu.memory_space<semaphore_mem>>
    %dma_start3A_587 = arith.constant 0 : i32
    %dma_start3A_588 = tpu.memref_slice %arg6[%add3A_576, %dma_start3A_587] : memref<3276800x64xf32, #tpu.memory_space<hbm>> -> memref<256x32xf32, #tpu.memory_space<hbm>>
    %dma_start3A_589 = arith.constant 0 : i32
    %dma_start3A_590 = arith.constant 0 : i32
    %dma_start3A_591 = tpu.memref_slice %arg9[%dma_start3A_577, %dma_start3A_589, %dma_start3A_590] : memref<4x256x32xf32, #tpu.memory_space<vmem>> -> memref<1x256x32xf32, #tpu.memory_space<vmem>>
    %dma_start3A_592 = tpu.memref_squeeze %dma_start3A_591 : memref<1x256x32xf32, #tpu.memory_space<vmem>> -> memref<256x32xf32, #tpu.memory_space<vmem>>
    tpu.enqueue_dma source(%dma_start3A_592 : memref<256x32xf32, #tpu.memory_space<vmem>>) target(%dma_start3A_588 : memref<256x32xf32, #tpu.memory_space<hbm>>) target_semaphore(%dma_start3A_586 : memref<!tpu.dma_semaphore, #tpu.memory_space<semaphore_mem>>)
    %dma_start3A_593 = arith.constant 2 : i32
    %dma_start3A_594 = arith.constant 2 : i32
    %dma_start3A_595 = arith.constant 0 : i32
    %dma_start3A_596 = arith.constant 0 : i32
    %dma_start3A_597 = tpu.memref_slice %arg10[%dma_start3A_593, %dma_start3A_595, %dma_start3A_596] : memref<4x256x32xf32, #tpu.memory_space<vmem>> -> memref<1x256x32xf32, #tpu.memory_space<vmem>>
    %dma_start3A_598 = tpu.memref_squeeze %dma_start3A_597 : memref<1x256x32xf32, #tpu.memory_space<vmem>> -> memref<256x32xf32, #tpu.memory_space<vmem>>
    %dma_start3A_599 = arith.constant 32 : i32
    %dma_start3A_600 = tpu.memref_slice %arg6[%add3A_576, %dma_start3A_599] : memref<3276800x64xf32, #tpu.memory_space<hbm>> -> memref<256x32xf32, #tpu.memory_space<hbm>>
    %dma_start3A_601 = tpu.memref_slice %arg13[%dma_start3A_594] : memref<4x!tpu.dma_semaphore, #tpu.memory_space<semaphore_mem>> -> memref<1x!tpu.dma_semaphore, #tpu.memory_space<semaphore_mem>>
    %dma_start3A_602 = tpu.memref_squeeze %dma_start3A_601 : memref<1x!tpu.dma_semaphore, #tpu.memory_space<semaphore_mem>> -> memref<!tpu.dma_semaphore, #tpu.memory_space<semaphore_mem>>
    %dma_start3A_603 = arith.constant 32 : i32
    %dma_start3A_604 = tpu.memref_slice %arg6[%add3A_576, %dma_start3A_603] : memref<3276800x64xf32, #tpu.memory_space<hbm>> -> memref<256x32xf32, #tpu.memory_space<hbm>>
    %dma_start3A_605 = arith.constant 0 : i32
    %dma_start3A_606 = arith.constant 0 : i32
    %dma_start3A_607 = tpu.memref_slice %arg10[%dma_start3A_593, %dma_start3A_605, %dma_start3A_606] : memref<4x256x32xf32, #tpu.memory_space<vmem>> -> memref<1x256x32xf32, #tpu.memory_space<vmem>>
    %dma_start3A_608 = tpu.memref_squeeze %dma_start3A_607 : memref<1x256x32xf32, #tpu.memory_space<vmem>> -> memref<256x32xf32, #tpu.memory_space<vmem>>
    tpu.enqueue_dma source(%dma_start3A_608 : memref<256x32xf32, #tpu.memory_space<vmem>>) target(%dma_start3A_604 : memref<256x32xf32, #tpu.memory_space<hbm>>) target_semaphore(%dma_start3A_602 : memref<!tpu.dma_semaphore, #tpu.memory_space<semaphore_mem>>)
    %dma_wait3A_609 = arith.constant 0 : i32
    %dma_wait3A_610 = arith.constant 3 : i32
    %dma_wait3A_611 = arith.constant 3 : i32
    %dma_wait3A_612 = arith.constant 0 : i32
    %dma_wait3A_613 = arith.constant 0 : i32
    %dma_wait3A_614 = tpu.memref_slice %arg9[%dma_wait3A_610, %dma_wait3A_612, %dma_wait3A_613] : memref<4x256x32xf32, #tpu.memory_space<vmem>> -> memref<1x128x32xf32, #tpu.memory_space<vmem>>
    %dma_wait3A_615 = tpu.memref_squeeze %dma_wait3A_614 : memref<1x128x32xf32, #tpu.memory_space<vmem>> -> memref<128x32xf32, #tpu.memory_space<vmem>>
    %dma_wait3A_616 = arith.constant 768 : i32
    %dma_wait3A_617 = tpu.memref_slice %arg7[%dma_wait3A_609, %dma_wait3A_616] : memref<2x1024xi32, #tpu.memory_space<vmem>> -> memref<1x128xi32, #tpu.memory_space<vmem>>
    %dma_wait3A_618 = tpu.memref_squeeze %dma_wait3A_617 : memref<1x128xi32, #tpu.memory_space<vmem>> -> memref<128xi32, #tpu.memory_space<vmem>>
    %dma_wait3A_619 = arith.constant 0 : i32
    %dma_wait3A_620 = arith.constant 0 : i32
    %dma_wait3A_621 = tpu.memref_slice %arg4[%dma_wait3A_619, %dma_wait3A_620] : memref<100000x32xf32, #tpu.memory_space<hbm>> -> memref<100000x32xf32, #tpu.memory_space<hbm>>
    %dma_wait3A_622 = tpu.memref_slice %arg12[%dma_wait3A_611] : memref<4x!tpu.dma_semaphore, #tpu.memory_space<semaphore_mem>> -> memref<1x!tpu.dma_semaphore, #tpu.memory_space<semaphore_mem>>
    %dma_wait3A_623 = tpu.memref_squeeze %dma_wait3A_622 : memref<1x!tpu.dma_semaphore, #tpu.memory_space<semaphore_mem>> -> memref<!tpu.dma_semaphore, #tpu.memory_space<semaphore_mem>>
    tpu.wait_indirect_dma semaphore(%dma_wait3A_623 : memref<!tpu.dma_semaphore, #tpu.memory_space<semaphore_mem>>) src(%dma_wait3A_621 : memref<100000x32xf32, #tpu.memory_space<hbm>>) dst(%dma_wait3A_615 : memref<128x32xf32, #tpu.memory_space<vmem>>)
    %dma_wait3A_624 = arith.constant 0 : i32
    %dma_wait3A_625 = arith.constant 3 : i32
    %dma_wait3A_626 = arith.constant 3 : i32
    %dma_wait3A_627 = arith.constant 0 : i32
    %dma_wait3A_628 = arith.constant 0 : i32
    %dma_wait3A_629 = tpu.memref_slice %arg10[%dma_wait3A_625, %dma_wait3A_627, %dma_wait3A_628] : memref<4x256x32xf32, #tpu.memory_space<vmem>> -> memref<1x128x32xf32, #tpu.memory_space<vmem>>
    %dma_wait3A_630 = tpu.memref_squeeze %dma_wait3A_629 : memref<1x128x32xf32, #tpu.memory_space<vmem>> -> memref<128x32xf32, #tpu.memory_space<vmem>>
    %dma_wait3A_631 = arith.constant 768 : i32
    %dma_wait3A_632 = tpu.memref_slice %arg8[%dma_wait3A_624, %dma_wait3A_631] : memref<2x1024xi32, #tpu.memory_space<vmem>> -> memref<1x128xi32, #tpu.memory_space<vmem>>
    %dma_wait3A_633 = tpu.memref_squeeze %dma_wait3A_632 : memref<1x128xi32, #tpu.memory_space<vmem>> -> memref<128xi32, #tpu.memory_space<vmem>>
    %dma_wait3A_634 = arith.constant 0 : i32
    %dma_wait3A_635 = arith.constant 0 : i32
    %dma_wait3A_636 = tpu.memref_slice %arg5[%dma_wait3A_634, %dma_wait3A_635] : memref<1000x32xf32, #tpu.memory_space<hbm>> -> memref<1000x32xf32, #tpu.memory_space<hbm>>
    %dma_wait3A_637 = tpu.memref_slice %arg12[%dma_wait3A_626] : memref<4x!tpu.dma_semaphore, #tpu.memory_space<semaphore_mem>> -> memref<1x!tpu.dma_semaphore, #tpu.memory_space<semaphore_mem>>
    %dma_wait3A_638 = tpu.memref_squeeze %dma_wait3A_637 : memref<1x!tpu.dma_semaphore, #tpu.memory_space<semaphore_mem>> -> memref<!tpu.dma_semaphore, #tpu.memory_space<semaphore_mem>>
    tpu.wait_indirect_dma semaphore(%dma_wait3A_638 : memref<!tpu.dma_semaphore, #tpu.memory_space<semaphore_mem>>) src(%dma_wait3A_636 : memref<1000x32xf32, #tpu.memory_space<hbm>>) dst(%dma_wait3A_630 : memref<128x32xf32, #tpu.memory_space<vmem>>)
    %dma_wait3A_639 = arith.constant 0 : i32
    %dma_wait3A_640 = arith.constant 3 : i32
    %dma_wait3A_641 = arith.constant 3 : i32
    %dma_wait3A_642 = arith.constant 128 : i32
    %dma_wait3A_643 = arith.constant 0 : i32
    %dma_wait3A_644 = tpu.memref_slice %arg9[%dma_wait3A_640, %dma_wait3A_642, %dma_wait3A_643] : memref<4x256x32xf32, #tpu.memory_space<vmem>> -> memref<1x128x32xf32, #tpu.memory_space<vmem>>
    %dma_wait3A_645 = tpu.memref_squeeze %dma_wait3A_644 : memref<1x128x32xf32, #tpu.memory_space<vmem>> -> memref<128x32xf32, #tpu.memory_space<vmem>>
    %dma_wait3A_646 = arith.constant 896 : i32
    %dma_wait3A_647 = tpu.memref_slice %arg7[%dma_wait3A_639, %dma_wait3A_646] : memref<2x1024xi32, #tpu.memory_space<vmem>> -> memref<1x128xi32, #tpu.memory_space<vmem>>
    %dma_wait3A_648 = tpu.memref_squeeze %dma_wait3A_647 : memref<1x128xi32, #tpu.memory_space<vmem>> -> memref<128xi32, #tpu.memory_space<vmem>>
    %dma_wait3A_649 = arith.constant 0 : i32
    %dma_wait3A_650 = arith.constant 0 : i32
    %dma_wait3A_651 = tpu.memref_slice %arg4[%dma_wait3A_649, %dma_wait3A_650] : memref<100000x32xf32, #tpu.memory_space<hbm>> -> memref<100000x32xf32, #tpu.memory_space<hbm>>
    %dma_wait3A_652 = tpu.memref_slice %arg12[%dma_wait3A_641] : memref<4x!tpu.dma_semaphore, #tpu.memory_space<semaphore_mem>> -> memref<1x!tpu.dma_semaphore, #tpu.memory_space<semaphore_mem>>
    %dma_wait3A_653 = tpu.memref_squeeze %dma_wait3A_652 : memref<1x!tpu.dma_semaphore, #tpu.memory_space<semaphore_mem>> -> memref<!tpu.dma_semaphore, #tpu.memory_space<semaphore_mem>>
    tpu.wait_indirect_dma semaphore(%dma_wait3A_653 : memref<!tpu.dma_semaphore, #tpu.memory_space<semaphore_mem>>) src(%dma_wait3A_651 : memref<100000x32xf32, #tpu.memory_space<hbm>>) dst(%dma_wait3A_645 : memref<128x32xf32, #tpu.memory_space<vmem>>)
    %dma_wait3A_654 = arith.constant 0 : i32
    %dma_wait3A_655 = arith.constant 3 : i32
    %dma_wait3A_656 = arith.constant 3 : i32
    %dma_wait3A_657 = arith.constant 128 : i32
    %dma_wait3A_658 = arith.constant 0 : i32
    %dma_wait3A_659 = tpu.memref_slice %arg10[%dma_wait3A_655, %dma_wait3A_657, %dma_wait3A_658] : memref<4x256x32xf32, #tpu.memory_space<vmem>> -> memref<1x128x32xf32, #tpu.memory_space<vmem>>
    %dma_wait3A_660 = tpu.memref_squeeze %dma_wait3A_659 : memref<1x128x32xf32, #tpu.memory_space<vmem>> -> memref<128x32xf32, #tpu.memory_space<vmem>>
    %dma_wait3A_661 = arith.constant 896 : i32
    %dma_wait3A_662 = tpu.memref_slice %arg8[%dma_wait3A_654, %dma_wait3A_661] : memref<2x1024xi32, #tpu.memory_space<vmem>> -> memref<1x128xi32, #tpu.memory_space<vmem>>
    %dma_wait3A_663 = tpu.memref_squeeze %dma_wait3A_662 : memref<1x128xi32, #tpu.memory_space<vmem>> -> memref<128xi32, #tpu.memory_space<vmem>>
    %dma_wait3A_664 = arith.constant 0 : i32
    %dma_wait3A_665 = arith.constant 0 : i32
    %dma_wait3A_666 = tpu.memref_slice %arg5[%dma_wait3A_664, %dma_wait3A_665] : memref<1000x32xf32, #tpu.memory_space<hbm>> -> memref<1000x32xf32, #tpu.memory_space<hbm>>
    %dma_wait3A_667 = tpu.memref_slice %arg12[%dma_wait3A_656] : memref<4x!tpu.dma_semaphore, #tpu.memory_space<semaphore_mem>> -> memref<1x!tpu.dma_semaphore, #tpu.memory_space<semaphore_mem>>
    %dma_wait3A_668 = tpu.memref_squeeze %dma_wait3A_667 : memref<1x!tpu.dma_semaphore, #tpu.memory_space<semaphore_mem>> -> memref<!tpu.dma_semaphore, #tpu.memory_space<semaphore_mem>>
    tpu.wait_indirect_dma semaphore(%dma_wait3A_668 : memref<!tpu.dma_semaphore, #tpu.memory_space<semaphore_mem>>) src(%dma_wait3A_666 : memref<1000x32xf32, #tpu.memory_space<hbm>>) dst(%dma_wait3A_660 : memref<128x32xf32, #tpu.memory_space<vmem>>)
    %add3A_669 = arith.constant 0 : i32
    %add3A_670 = arith.addi %mul3A_2, %add3A_669 : i32
    %add3A_671 = arith.constant 768 : i32
    %add3A_672 = arith.addi %add3A_670, %add3A_671 : i32
    %dma_start3A_673 = arith.constant 3 : i32
    %dma_start3A_674 = arith.constant 3 : i32
    %dma_start3A_675 = arith.constant 0 : i32
    %dma_start3A_676 = arith.constant 0 : i32
    %dma_start3A_677 = tpu.memref_slice %arg9[%dma_start3A_673, %dma_start3A_675, %dma_start3A_676] : memref<4x256x32xf32, #tpu.memory_space<vmem>> -> memref<1x256x32xf32, #tpu.memory_space<vmem>>
    %dma_start3A_678 = tpu.memref_squeeze %dma_start3A_677 : memref<1x256x32xf32, #tpu.memory_space<vmem>> -> memref<256x32xf32, #tpu.memory_space<vmem>>
    %dma_start3A_679 = arith.constant 0 : i32
    %dma_start3A_680 = tpu.memref_slice %arg6[%add3A_672, %dma_start3A_679] : memref<3276800x64xf32, #tpu.memory_space<hbm>> -> memref<256x32xf32, #tpu.memory_space<hbm>>
    %dma_start3A_681 = tpu.memref_slice %arg13[%dma_start3A_674] : memref<4x!tpu.dma_semaphore, #tpu.memory_space<semaphore_mem>> -> memref<1x!tpu.dma_semaphore, #tpu.memory_space<semaphore_mem>>
    %dma_start3A_682 = tpu.memref_squeeze %dma_start3A_681 : memref<1x!tpu.dma_semaphore, #tpu.memory_space<semaphore_mem>> -> memref<!tpu.dma_semaphore, #tpu.memory_space<semaphore_mem>>
    %dma_start3A_683 = arith.constant 0 : i32
    %dma_start3A_684 = tpu.memref_slice %arg6[%add3A_672, %dma_start3A_683] : memref<3276800x64xf32, #tpu.memory_space<hbm>> -> memref<256x32xf32, #tpu.memory_space<hbm>>
    %dma_start3A_685 = arith.constant 0 : i32
    %dma_start3A_686 = arith.constant 0 : i32
    %dma_start3A_687 = tpu.memref_slice %arg9[%dma_start3A_673, %dma_start3A_685, %dma_start3A_686] : memref<4x256x32xf32, #tpu.memory_space<vmem>> -> memref<1x256x32xf32, #tpu.memory_space<vmem>>
    %dma_start3A_688 = tpu.memref_squeeze %dma_start3A_687 : memref<1x256x32xf32, #tpu.memory_space<vmem>> -> memref<256x32xf32, #tpu.memory_space<vmem>>
    tpu.enqueue_dma source(%dma_start3A_688 : memref<256x32xf32, #tpu.memory_space<vmem>>) target(%dma_start3A_684 : memref<256x32xf32, #tpu.memory_space<hbm>>) target_semaphore(%dma_start3A_682 : memref<!tpu.dma_semaphore, #tpu.memory_space<semaphore_mem>>)
    %dma_start3A_689 = arith.constant 3 : i32
    %dma_start3A_690 = arith.constant 3 : i32
    %dma_start3A_691 = arith.constant 0 : i32
    %dma_start3A_692 = arith.constant 0 : i32
    %dma_start3A_693 = tpu.memref_slice %arg10[%dma_start3A_689, %dma_start3A_691, %dma_start3A_692] : memref<4x256x32xf32, #tpu.memory_space<vmem>> -> memref<1x256x32xf32, #tpu.memory_space<vmem>>
    %dma_start3A_694 = tpu.memref_squeeze %dma_start3A_693 : memref<1x256x32xf32, #tpu.memory_space<vmem>> -> memref<256x32xf32, #tpu.memory_space<vmem>>
    %dma_start3A_695 = arith.constant 32 : i32
    %dma_start3A_696 = tpu.memref_slice %arg6[%add3A_672, %dma_start3A_695] : memref<3276800x64xf32, #tpu.memory_space<hbm>> -> memref<256x32xf32, #tpu.memory_space<hbm>>
    %dma_start3A_697 = tpu.memref_slice %arg13[%dma_start3A_690] : memref<4x!tpu.dma_semaphore, #tpu.memory_space<semaphore_mem>> -> memref<1x!tpu.dma_semaphore, #tpu.memory_space<semaphore_mem>>
    %dma_start3A_698 = tpu.memref_squeeze %dma_start3A_697 : memref<1x!tpu.dma_semaphore, #tpu.memory_space<semaphore_mem>> -> memref<!tpu.dma_semaphore, #tpu.memory_space<semaphore_mem>>
    %dma_start3A_699 = arith.constant 32 : i32
    %dma_start3A_700 = tpu.memref_slice %arg6[%add3A_672, %dma_start3A_699] : memref<3276800x64xf32, #tpu.memory_space<hbm>> -> memref<256x32xf32, #tpu.memory_space<hbm>>
    %dma_start3A_701 = arith.constant 0 : i32
    %dma_start3A_702 = arith.constant 0 : i32
    %dma_start3A_703 = tpu.memref_slice %arg10[%dma_start3A_689, %dma_start3A_701, %dma_start3A_702] : memref<4x256x32xf32, #tpu.memory_space<vmem>> -> memref<1x256x32xf32, #tpu.memory_space<vmem>>
    %dma_start3A_704 = tpu.memref_squeeze %dma_start3A_703 : memref<1x256x32xf32, #tpu.memory_space<vmem>> -> memref<256x32xf32, #tpu.memory_space<vmem>>
    tpu.enqueue_dma source(%dma_start3A_704 : memref<256x32xf32, #tpu.memory_space<vmem>>) target(%dma_start3A_700 : memref<256x32xf32, #tpu.memory_space<hbm>>) target_semaphore(%dma_start3A_698 : memref<!tpu.dma_semaphore, #tpu.memory_space<semaphore_mem>>)
    %scan3A = arith.constant 0 : i32
    %scan3A_705 = arith.constant 1 : i32
    %scan3A_706 = arith.constant 99 : i32
    %scan3A_707 = arith.addi %scan3A_705, %scan3A_706 : i32
    %scan3A_708 = arith.constant 1 : i32
    scf.for %scan3A_882 = %scan3A_705 to %scan3A_707 step %scan3A_708  : i32 {
      %rem3A = arith.constant 2 : i32
      %rem3A_883 = arith.remsi %scan3A_882, %rem3A : i32
      %sub3A = arith.constant 1 : i32
      %sub3A_884 = arith.subi %sub3A, %rem3A_883 : i32
      %add3A_885 = arith.constant 1 : i32
      %add3A_886 = arith.addi %scan3A_882, %add3A_885 : i32
      %min3A = arith.constant 99 : i32
      %min3A_887 = arith.minsi %add3A_886, %min3A : i32
      %mul3A_888 = arith.constant 1024 : i32
      %mul3A_889 = arith.muli %min3A_887, %mul3A_888 : i32
      %add3A_890 = arith.addi %mul3A_2, %mul3A_889 : i32
      %dma_start3A_891 = arith.constant 0 : i32
      %dma_start3A_892 = tpu.memref_slice %arg7[%sub3A_884, %dma_start3A_891] : memref<2x1024xi32, #tpu.memory_space<vmem>> -> memref<1x1024xi32, #tpu.memory_space<vmem>>
      %dma_start3A_893 = tpu.memref_squeeze %dma_start3A_892 : memref<1x1024xi32, #tpu.memory_space<vmem>> -> memref<1024xi32, #tpu.memory_space<vmem>>
      %dma_start3A_894 = tpu.memref_slice %arg2[%add3A_890] : memref<3276800xi32, #tpu.memory_space<hbm>> -> memref<1024xi32, #tpu.memory_space<hbm>>
      %dma_start3A_895 = tpu.memref_slice %arg11[%sub3A_884] : memref<2x!tpu.dma_semaphore, #tpu.memory_space<semaphore_mem>> -> memref<1x!tpu.dma_semaphore, #tpu.memory_space<semaphore_mem>>
      %dma_start3A_896 = tpu.memref_squeeze %dma_start3A_895 : memref<1x!tpu.dma_semaphore, #tpu.memory_space<semaphore_mem>> -> memref<!tpu.dma_semaphore, #tpu.memory_space<semaphore_mem>>
      %dma_start3A_897 = arith.constant 0 : i32
      %dma_start3A_898 = tpu.memref_slice %arg7[%sub3A_884, %dma_start3A_897] : memref<2x1024xi32, #tpu.memory_space<vmem>> -> memref<1x1024xi32, #tpu.memory_space<vmem>>
      %dma_start3A_899 = tpu.memref_squeeze %dma_start3A_898 : memref<1x1024xi32, #tpu.memory_space<vmem>> -> memref<1024xi32, #tpu.memory_space<vmem>>
      %dma_start3A_900 = tpu.memref_slice %arg2[%add3A_890] : memref<3276800xi32, #tpu.memory_space<hbm>> -> memref<1024xi32, #tpu.memory_space<hbm>>
      tpu.enqueue_dma source(%dma_start3A_900 : memref<1024xi32, #tpu.memory_space<hbm>>) target(%dma_start3A_899 : memref<1024xi32, #tpu.memory_space<vmem>>) target_semaphore(%dma_start3A_896 : memref<!tpu.dma_semaphore, #tpu.memory_space<semaphore_mem>>)
      %dma_start3A_901 = arith.constant 0 : i32
      %dma_start3A_902 = tpu.memref_slice %arg8[%sub3A_884, %dma_start3A_901] : memref<2x1024xi32, #tpu.memory_space<vmem>> -> memref<1x1024xi32, #tpu.memory_space<vmem>>
      %dma_start3A_903 = tpu.memref_squeeze %dma_start3A_902 : memref<1x1024xi32, #tpu.memory_space<vmem>> -> memref<1024xi32, #tpu.memory_space<vmem>>
      %dma_start3A_904 = tpu.memref_slice %arg3[%add3A_890] : memref<3276800xi32, #tpu.memory_space<hbm>> -> memref<1024xi32, #tpu.memory_space<hbm>>
      %dma_start3A_905 = tpu.memref_slice %arg11[%sub3A_884] : memref<2x!tpu.dma_semaphore, #tpu.memory_space<semaphore_mem>> -> memref<1x!tpu.dma_semaphore, #tpu.memory_space<semaphore_mem>>
      %dma_start3A_906 = tpu.memref_squeeze %dma_start3A_905 : memref<1x!tpu.dma_semaphore, #tpu.memory_space<semaphore_mem>> -> memref<!tpu.dma_semaphore, #tpu.memory_space<semaphore_mem>>
      %dma_start3A_907 = arith.constant 0 : i32
      %dma_start3A_908 = tpu.memref_slice %arg8[%sub3A_884, %dma_start3A_907] : memref<2x1024xi32, #tpu.memory_space<vmem>> -> memref<1x1024xi32, #tpu.memory_space<vmem>>
      %dma_start3A_909 = tpu.memref_squeeze %dma_start3A_908 : memref<1x1024xi32, #tpu.memory_space<vmem>> -> memref<1024xi32, #tpu.memory_space<vmem>>
      %dma_start3A_910 = tpu.memref_slice %arg3[%add3A_890] : memref<3276800xi32, #tpu.memory_space<hbm>> -> memref<1024xi32, #tpu.memory_space<hbm>>
      tpu.enqueue_dma source(%dma_start3A_910 : memref<1024xi32, #tpu.memory_space<hbm>>) target(%dma_start3A_909 : memref<1024xi32, #tpu.memory_space<vmem>>) target_semaphore(%dma_start3A_906 : memref<!tpu.dma_semaphore, #tpu.memory_space<semaphore_mem>>)
      %dma_wait3A_911 = arith.constant 0 : i32
      %dma_wait3A_912 = tpu.memref_slice %arg7[%rem3A_883, %dma_wait3A_911] : memref<2x1024xi32, #tpu.memory_space<vmem>> -> memref<1x1024xi32, #tpu.memory_space<vmem>>
      %dma_wait3A_913 = tpu.memref_squeeze %dma_wait3A_912 : memref<1x1024xi32, #tpu.memory_space<vmem>> -> memref<1024xi32, #tpu.memory_space<vmem>>
      %dma_wait3A_914 = arith.constant 0 : i32
      %dma_wait3A_915 = tpu.memref_slice %arg2[%dma_wait3A_914] : memref<3276800xi32, #tpu.memory_space<hbm>> -> memref<1024xi32, #tpu.memory_space<hbm>>
      %dma_wait3A_916 = tpu.memref_slice %arg11[%rem3A_883] : memref<2x!tpu.dma_semaphore, #tpu.memory_space<semaphore_mem>> -> memref<1x!tpu.dma_semaphore, #tpu.memory_space<semaphore_mem>>
      %dma_wait3A_917 = tpu.memref_squeeze %dma_wait3A_916 : memref<1x!tpu.dma_semaphore, #tpu.memory_space<semaphore_mem>> -> memref<!tpu.dma_semaphore, #tpu.memory_space<semaphore_mem>>
      %dma_wait3A_918 = arith.constant 0 : i32
      %dma_wait3A_919 = tpu.memref_slice %arg7[%rem3A_883, %dma_wait3A_918] : memref<2x1024xi32, #tpu.memory_space<vmem>> -> memref<1x1024xi32, #tpu.memory_space<vmem>>
      %dma_wait3A_920 = tpu.memref_squeeze %dma_wait3A_919 : memref<1x1024xi32, #tpu.memory_space<vmem>> -> memref<1024xi32, #tpu.memory_space<vmem>>
      %dma_wait3A_921 = arith.constant 0 : i32
      %dma_wait3A_922 = tpu.memref_slice %arg2[%dma_wait3A_921] : memref<3276800xi32, #tpu.memory_space<hbm>> -> memref<1024xi32, #tpu.memory_space<hbm>>
      tpu.wait_dma2 semaphore(%dma_wait3A_917 : memref<!tpu.dma_semaphore, #tpu.memory_space<semaphore_mem>>) src(%dma_wait3A_922 : memref<1024xi32, #tpu.memory_space<hbm>>) dst(%dma_wait3A_920 : memref<1024xi32, #tpu.memory_space<vmem>>)
      %dma_wait3A_923 = arith.constant 0 : i32
      %dma_wait3A_924 = tpu.memref_slice %arg8[%rem3A_883, %dma_wait3A_923] : memref<2x1024xi32, #tpu.memory_space<vmem>> -> memref<1x1024xi32, #tpu.memory_space<vmem>>
      %dma_wait3A_925 = tpu.memref_squeeze %dma_wait3A_924 : memref<1x1024xi32, #tpu.memory_space<vmem>> -> memref<1024xi32, #tpu.memory_space<vmem>>
      %dma_wait3A_926 = arith.constant 0 : i32
      %dma_wait3A_927 = tpu.memref_slice %arg3[%dma_wait3A_926] : memref<3276800xi32, #tpu.memory_space<hbm>> -> memref<1024xi32, #tpu.memory_space<hbm>>
      %dma_wait3A_928 = tpu.memref_slice %arg11[%rem3A_883] : memref<2x!tpu.dma_semaphore, #tpu.memory_space<semaphore_mem>> -> memref<1x!tpu.dma_semaphore, #tpu.memory_space<semaphore_mem>>
      %dma_wait3A_929 = tpu.memref_squeeze %dma_wait3A_928 : memref<1x!tpu.dma_semaphore, #tpu.memory_space<semaphore_mem>> -> memref<!tpu.dma_semaphore, #tpu.memory_space<semaphore_mem>>
      %dma_wait3A_930 = arith.constant 0 : i32
      %dma_wait3A_931 = tpu.memref_slice %arg8[%rem3A_883, %dma_wait3A_930] : memref<2x1024xi32, #tpu.memory_space<vmem>> -> memref<1x1024xi32, #tpu.memory_space<vmem>>
      %dma_wait3A_932 = tpu.memref_squeeze %dma_wait3A_931 : memref<1x1024xi32, #tpu.memory_space<vmem>> -> memref<1024xi32, #tpu.memory_space<vmem>>
      %dma_wait3A_933 = arith.constant 0 : i32
      %dma_wait3A_934 = tpu.memref_slice %arg3[%dma_wait3A_933] : memref<3276800xi32, #tpu.memory_space<hbm>> -> memref<1024xi32, #tpu.memory_space<hbm>>
      tpu.wait_dma2 semaphore(%dma_wait3A_929 : memref<!tpu.dma_semaphore, #tpu.memory_space<semaphore_mem>>) src(%dma_wait3A_934 : memref<1024xi32, #tpu.memory_space<hbm>>) dst(%dma_wait3A_932 : memref<1024xi32, #tpu.memory_space<vmem>>)
      %dma_wait3A_935 = arith.constant 0 : i32
      %dma_wait3A_936 = arith.constant 0 : i32
      %dma_wait3A_937 = arith.constant 0 : i32
      %dma_wait3A_938 = arith.constant 0 : i32
      %dma_wait3A_939 = tpu.memref_slice %arg9[%dma_wait3A_935, %dma_wait3A_937, %dma_wait3A_938] : memref<4x256x32xf32, #tpu.memory_space<vmem>> -> memref<1x256x32xf32, #tpu.memory_space<vmem>>
      %dma_wait3A_940 = tpu.memref_squeeze %dma_wait3A_939 : memref<1x256x32xf32, #tpu.memory_space<vmem>> -> memref<256x32xf32, #tpu.memory_space<vmem>>
      %dma_wait3A_941 = arith.constant 0 : i32
      %dma_wait3A_942 = arith.constant 0 : i32
      %dma_wait3A_943 = tpu.memref_slice %arg6[%dma_wait3A_941, %dma_wait3A_942] : memref<3276800x64xf32, #tpu.memory_space<hbm>> -> memref<256x32xf32, #tpu.memory_space<hbm>>
      %dma_wait3A_944 = tpu.memref_slice %arg13[%dma_wait3A_936] : memref<4x!tpu.dma_semaphore, #tpu.memory_space<semaphore_mem>> -> memref<1x!tpu.dma_semaphore, #tpu.memory_space<semaphore_mem>>
      %dma_wait3A_945 = tpu.memref_squeeze %dma_wait3A_944 : memref<1x!tpu.dma_semaphore, #tpu.memory_space<semaphore_mem>> -> memref<!tpu.dma_semaphore, #tpu.memory_space<semaphore_mem>>
      %dma_wait3A_946 = arith.constant 0 : i32
      %dma_wait3A_947 = arith.constant 0 : i32
      %dma_wait3A_948 = tpu.memref_slice %arg6[%dma_wait3A_946, %dma_wait3A_947] : memref<3276800x64xf32, #tpu.memory_space<hbm>> -> memref<256x32xf32, #tpu.memory_space<hbm>>
      %dma_wait3A_949 = arith.constant 0 : i32
      %dma_wait3A_950 = arith.constant 0 : i32
      %dma_wait3A_951 = tpu.memref_slice %arg9[%dma_wait3A_935, %dma_wait3A_949, %dma_wait3A_950] : memref<4x256x32xf32, #tpu.memory_space<vmem>> -> memref<1x256x32xf32, #tpu.memory_space<vmem>>
      %dma_wait3A_952 = tpu.memref_squeeze %dma_wait3A_951 : memref<1x256x32xf32, #tpu.memory_space<vmem>> -> memref<256x32xf32, #tpu.memory_space<vmem>>
      tpu.wait_dma2 semaphore(%dma_wait3A_945 : memref<!tpu.dma_semaphore, #tpu.memory_space<semaphore_mem>>) src(%dma_wait3A_952 : memref<256x32xf32, #tpu.memory_space<vmem>>) dst(%dma_wait3A_948 : memref<256x32xf32, #tpu.memory_space<hbm>>)
      %dma_wait3A_953 = arith.constant 0 : i32
      %dma_wait3A_954 = arith.constant 0 : i32
      %dma_wait3A_955 = arith.constant 0 : i32
      %dma_wait3A_956 = arith.constant 0 : i32
      %dma_wait3A_957 = tpu.memref_slice %arg9[%dma_wait3A_953, %dma_wait3A_955, %dma_wait3A_956] : memref<4x256x32xf32, #tpu.memory_space<vmem>> -> memref<1x256x32xf32, #tpu.memory_space<vmem>>
      %dma_wait3A_958 = tpu.memref_squeeze %dma_wait3A_957 : memref<1x256x32xf32, #tpu.memory_space<vmem>> -> memref<256x32xf32, #tpu.memory_space<vmem>>
      %dma_wait3A_959 = arith.constant 0 : i32
      %dma_wait3A_960 = arith.constant 32 : i32
      %dma_wait3A_961 = tpu.memref_slice %arg6[%dma_wait3A_959, %dma_wait3A_960] : memref<3276800x64xf32, #tpu.memory_space<hbm>> -> memref<256x32xf32, #tpu.memory_space<hbm>>
      %dma_wait3A_962 = tpu.memref_slice %arg13[%dma_wait3A_954] : memref<4x!tpu.dma_semaphore, #tpu.memory_space<semaphore_mem>> -> memref<1x!tpu.dma_semaphore, #tpu.memory_space<semaphore_mem>>
      %dma_wait3A_963 = tpu.memref_squeeze %dma_wait3A_962 : memref<1x!tpu.dma_semaphore, #tpu.memory_space<semaphore_mem>> -> memref<!tpu.dma_semaphore, #tpu.memory_space<semaphore_mem>>
      %dma_wait3A_964 = arith.constant 0 : i32
      %dma_wait3A_965 = arith.constant 32 : i32
      %dma_wait3A_966 = tpu.memref_slice %arg6[%dma_wait3A_964, %dma_wait3A_965] : memref<3276800x64xf32, #tpu.memory_space<hbm>> -> memref<256x32xf32, #tpu.memory_space<hbm>>
      %dma_wait3A_967 = arith.constant 0 : i32
      %dma_wait3A_968 = arith.constant 0 : i32
      %dma_wait3A_969 = tpu.memref_slice %arg9[%dma_wait3A_953, %dma_wait3A_967, %dma_wait3A_968] : memref<4x256x32xf32, #tpu.memory_space<vmem>> -> memref<1x256x32xf32, #tpu.memory_space<vmem>>
      %dma_wait3A_970 = tpu.memref_squeeze %dma_wait3A_969 : memref<1x256x32xf32, #tpu.memory_space<vmem>> -> memref<256x32xf32, #tpu.memory_space<vmem>>
      tpu.wait_dma2 semaphore(%dma_wait3A_963 : memref<!tpu.dma_semaphore, #tpu.memory_space<semaphore_mem>>) src(%dma_wait3A_970 : memref<256x32xf32, #tpu.memory_space<vmem>>) dst(%dma_wait3A_966 : memref<256x32xf32, #tpu.memory_space<hbm>>)
      %dma_start3A_971 = arith.constant 0 : i32
      %dma_start3A_972 = arith.constant 0 : i32
      %dma_start3A_973 = arith.constant 0 : i32
      %dma_start3A_974 = arith.constant 0 : i32
      %dma_start3A_975 = tpu.memref_slice %arg9[%dma_start3A_971, %dma_start3A_973, %dma_start3A_974] : memref<4x256x32xf32, #tpu.memory_space<vmem>> -> memref<1x128x32xf32, #tpu.memory_space<vmem>>
      %dma_start3A_976 = tpu.memref_squeeze %dma_start3A_975 : memref<1x128x32xf32, #tpu.memory_space<vmem>> -> memref<128x32xf32, #tpu.memory_space<vmem>>
      %dma_start3A_977 = arith.constant 0 : i32
      %dma_start3A_978 = tpu.memref_slice %arg7[%rem3A_883, %dma_start3A_977] : memref<2x1024xi32, #tpu.memory_space<vmem>> -> memref<1x128xi32, #tpu.memory_space<vmem>>
      %dma_start3A_979 = tpu.memref_squeeze %dma_start3A_978 : memref<1x128xi32, #tpu.memory_space<vmem>> -> memref<128xi32, #tpu.memory_space<vmem>>
      %dma_start3A_980 = arith.constant 0 : i32
      %dma_start3A_981 = arith.constant 0 : i32
      %dma_start3A_982 = tpu.memref_slice %arg4[%dma_start3A_980, %dma_start3A_981] : memref<100000x32xf32, #tpu.memory_space<hbm>> -> memref<100000x32xf32, #tpu.memory_space<hbm>>
      %dma_start3A_983 = tpu.memref_slice %arg12[%dma_start3A_972] : memref<4x!tpu.dma_semaphore, #tpu.memory_space<semaphore_mem>> -> memref<1x!tpu.dma_semaphore, #tpu.memory_space<semaphore_mem>>
      %dma_start3A_984 = tpu.memref_squeeze %dma_start3A_983 : memref<1x!tpu.dma_semaphore, #tpu.memory_space<semaphore_mem>> -> memref<!tpu.dma_semaphore, #tpu.memory_space<semaphore_mem>>
      tpu.enqueue_indirect_dma source(%dma_start3A_982 : memref<100000x32xf32, #tpu.memory_space<hbm>>) target(%dma_start3A_976 : memref<128x32xf32, #tpu.memory_space<vmem>>) offsets(%dma_start3A_979 : memref<128xi32, #tpu.memory_space<vmem>>) semaphore(%dma_start3A_984 : memref<!tpu.dma_semaphore, #tpu.memory_space<semaphore_mem>>)
      %dma_start3A_985 = arith.constant 0 : i32
      %dma_start3A_986 = arith.constant 0 : i32
      %dma_start3A_987 = arith.constant 0 : i32
      %dma_start3A_988 = arith.constant 0 : i32
      %dma_start3A_989 = tpu.memref_slice %arg10[%dma_start3A_985, %dma_start3A_987, %dma_start3A_988] : memref<4x256x32xf32, #tpu.memory_space<vmem>> -> memref<1x128x32xf32, #tpu.memory_space<vmem>>
      %dma_start3A_990 = tpu.memref_squeeze %dma_start3A_989 : memref<1x128x32xf32, #tpu.memory_space<vmem>> -> memref<128x32xf32, #tpu.memory_space<vmem>>
      %dma_start3A_991 = arith.constant 0 : i32
      %dma_start3A_992 = tpu.memref_slice %arg8[%rem3A_883, %dma_start3A_991] : memref<2x1024xi32, #tpu.memory_space<vmem>> -> memref<1x128xi32, #tpu.memory_space<vmem>>
      %dma_start3A_993 = tpu.memref_squeeze %dma_start3A_992 : memref<1x128xi32, #tpu.memory_space<vmem>> -> memref<128xi32, #tpu.memory_space<vmem>>
      %dma_start3A_994 = arith.constant 0 : i32
      %dma_start3A_995 = arith.constant 0 : i32
      %dma_start3A_996 = tpu.memref_slice %arg5[%dma_start3A_994, %dma_start3A_995] : memref<1000x32xf32, #tpu.memory_space<hbm>> -> memref<1000x32xf32, #tpu.memory_space<hbm>>
      %dma_start3A_997 = tpu.memref_slice %arg12[%dma_start3A_986] : memref<4x!tpu.dma_semaphore, #tpu.memory_space<semaphore_mem>> -> memref<1x!tpu.dma_semaphore, #tpu.memory_space<semaphore_mem>>
      %dma_start3A_998 = tpu.memref_squeeze %dma_start3A_997 : memref<1x!tpu.dma_semaphore, #tpu.memory_space<semaphore_mem>> -> memref<!tpu.dma_semaphore, #tpu.memory_space<semaphore_mem>>
      tpu.enqueue_indirect_dma source(%dma_start3A_996 : memref<1000x32xf32, #tpu.memory_space<hbm>>) target(%dma_start3A_990 : memref<128x32xf32, #tpu.memory_space<vmem>>) offsets(%dma_start3A_993 : memref<128xi32, #tpu.memory_space<vmem>>) semaphore(%dma_start3A_998 : memref<!tpu.dma_semaphore, #tpu.memory_space<semaphore_mem>>)
      %dma_start3A_999 = arith.constant 0 : i32
      %dma_start3A_1000 = arith.constant 0 : i32
      %dma_start3A_1001 = arith.constant 128 : i32
      %dma_start3A_1002 = arith.constant 0 : i32
      %dma_start3A_1003 = tpu.memref_slice %arg9[%dma_start3A_999, %dma_start3A_1001, %dma_start3A_1002] : memref<4x256x32xf32, #tpu.memory_space<vmem>> -> memref<1x128x32xf32, #tpu.memory_space<vmem>>
      %dma_start3A_1004 = tpu.memref_squeeze %dma_start3A_1003 : memref<1x128x32xf32, #tpu.memory_space<vmem>> -> memref<128x32xf32, #tpu.memory_space<vmem>>
      %dma_start3A_1005 = arith.constant 128 : i32
      %dma_start3A_1006 = tpu.memref_slice %arg7[%rem3A_883, %dma_start3A_1005] : memref<2x1024xi32, #tpu.memory_space<vmem>> -> memref<1x128xi32, #tpu.memory_space<vmem>>
      %dma_start3A_1007 = tpu.memref_squeeze %dma_start3A_1006 : memref<1x128xi32, #tpu.memory_space<vmem>> -> memref<128xi32, #tpu.memory_space<vmem>>
      %dma_start3A_1008 = arith.constant 0 : i32
      %dma_start3A_1009 = arith.constant 0 : i32
      %dma_start3A_1010 = tpu.memref_slice %arg4[%dma_start3A_1008, %dma_start3A_1009] : memref<100000x32xf32, #tpu.memory_space<hbm>> -> memref<100000x32xf32, #tpu.memory_space<hbm>>
      %dma_start3A_1011 = tpu.memref_slice %arg12[%dma_start3A_1000] : memref<4x!tpu.dma_semaphore, #tpu.memory_space<semaphore_mem>> -> memref<1x!tpu.dma_semaphore, #tpu.memory_space<semaphore_mem>>
      %dma_start3A_1012 = tpu.memref_squeeze %dma_start3A_1011 : memref<1x!tpu.dma_semaphore, #tpu.memory_space<semaphore_mem>> -> memref<!tpu.dma_semaphore, #tpu.memory_space<semaphore_mem>>
      tpu.enqueue_indirect_dma source(%dma_start3A_1010 : memref<100000x32xf32, #tpu.memory_space<hbm>>) target(%dma_start3A_1004 : memref<128x32xf32, #tpu.memory_space<vmem>>) offsets(%dma_start3A_1007 : memref<128xi32, #tpu.memory_space<vmem>>) semaphore(%dma_start3A_1012 : memref<!tpu.dma_semaphore, #tpu.memory_space<semaphore_mem>>)
      %dma_start3A_1013 = arith.constant 0 : i32
      %dma_start3A_1014 = arith.constant 0 : i32
      %dma_start3A_1015 = arith.constant 128 : i32
      %dma_start3A_1016 = arith.constant 0 : i32
      %dma_start3A_1017 = tpu.memref_slice %arg10[%dma_start3A_1013, %dma_start3A_1015, %dma_start3A_1016] : memref<4x256x32xf32, #tpu.memory_space<vmem>> -> memref<1x128x32xf32, #tpu.memory_space<vmem>>
      %dma_start3A_1018 = tpu.memref_squeeze %dma_start3A_1017 : memref<1x128x32xf32, #tpu.memory_space<vmem>> -> memref<128x32xf32, #tpu.memory_space<vmem>>
      %dma_start3A_1019 = arith.constant 128 : i32
      %dma_start3A_1020 = tpu.memref_slice %arg8[%rem3A_883, %dma_start3A_1019] : memref<2x1024xi32, #tpu.memory_space<vmem>> -> memref<1x128xi32, #tpu.memory_space<vmem>>
      %dma_start3A_1021 = tpu.memref_squeeze %dma_start3A_1020 : memref<1x128xi32, #tpu.memory_space<vmem>> -> memref<128xi32, #tpu.memory_space<vmem>>
      %dma_start3A_1022 = arith.constant 0 : i32
      %dma_start3A_1023 = arith.constant 0 : i32
      %dma_start3A_1024 = tpu.memref_slice %arg5[%dma_start3A_1022, %dma_start3A_1023] : memref<1000x32xf32, #tpu.memory_space<hbm>> -> memref<1000x32xf32, #tpu.memory_space<hbm>>
      %dma_start3A_1025 = tpu.memref_slice %arg12[%dma_start3A_1014] : memref<4x!tpu.dma_semaphore, #tpu.memory_space<semaphore_mem>> -> memref<1x!tpu.dma_semaphore, #tpu.memory_space<semaphore_mem>>
      %dma_start3A_1026 = tpu.memref_squeeze %dma_start3A_1025 : memref<1x!tpu.dma_semaphore, #tpu.memory_space<semaphore_mem>> -> memref<!tpu.dma_semaphore, #tpu.memory_space<semaphore_mem>>
      tpu.enqueue_indirect_dma source(%dma_start3A_1024 : memref<1000x32xf32, #tpu.memory_space<hbm>>) target(%dma_start3A_1018 : memref<128x32xf32, #tpu.memory_space<vmem>>) offsets(%dma_start3A_1021 : memref<128xi32, #tpu.memory_space<vmem>>) semaphore(%dma_start3A_1026 : memref<!tpu.dma_semaphore, #tpu.memory_space<semaphore_mem>>)
      %dma_wait3A_1027 = arith.constant 1 : i32
      %dma_wait3A_1028 = arith.constant 1 : i32
      %dma_wait3A_1029 = arith.constant 0 : i32
      %dma_wait3A_1030 = arith.constant 0 : i32
      %dma_wait3A_1031 = tpu.memref_slice %arg9[%dma_wait3A_1027, %dma_wait3A_1029, %dma_wait3A_1030] : memref<4x256x32xf32, #tpu.memory_space<vmem>> -> memref<1x256x32xf32, #tpu.memory_space<vmem>>
      %dma_wait3A_1032 = tpu.memref_squeeze %dma_wait3A_1031 : memref<1x256x32xf32, #tpu.memory_space<vmem>> -> memref<256x32xf32, #tpu.memory_space<vmem>>
      %dma_wait3A_1033 = arith.constant 0 : i32
      %dma_wait3A_1034 = arith.constant 0 : i32
      %dma_wait3A_1035 = tpu.memref_slice %arg6[%dma_wait3A_1033, %dma_wait3A_1034] : memref<3276800x64xf32, #tpu.memory_space<hbm>> -> memref<256x32xf32, #tpu.memory_space<hbm>>
      %dma_wait3A_1036 = tpu.memref_slice %arg13[%dma_wait3A_1028] : memref<4x!tpu.dma_semaphore, #tpu.memory_space<semaphore_mem>> -> memref<1x!tpu.dma_semaphore, #tpu.memory_space<semaphore_mem>>
      %dma_wait3A_1037 = tpu.memref_squeeze %dma_wait3A_1036 : memref<1x!tpu.dma_semaphore, #tpu.memory_space<semaphore_mem>> -> memref<!tpu.dma_semaphore, #tpu.memory_space<semaphore_mem>>
      %dma_wait3A_1038 = arith.constant 0 : i32
      %dma_wait3A_1039 = arith.constant 0 : i32
      %dma_wait3A_1040 = tpu.memref_slice %arg6[%dma_wait3A_1038, %dma_wait3A_1039] : memref<3276800x64xf32, #tpu.memory_space<hbm>> -> memref<256x32xf32, #tpu.memory_space<hbm>>
      %dma_wait3A_1041 = arith.constant 0 : i32
      %dma_wait3A_1042 = arith.constant 0 : i32
      %dma_wait3A_1043 = tpu.memref_slice %arg9[%dma_wait3A_1027, %dma_wait3A_1041, %dma_wait3A_1042] : memref<4x256x32xf32, #tpu.memory_space<vmem>> -> memref<1x256x32xf32, #tpu.memory_space<vmem>>
      %dma_wait3A_1044 = tpu.memref_squeeze %dma_wait3A_1043 : memref<1x256x32xf32, #tpu.memory_space<vmem>> -> memref<256x32xf32, #tpu.memory_space<vmem>>
      tpu.wait_dma2 semaphore(%dma_wait3A_1037 : memref<!tpu.dma_semaphore, #tpu.memory_space<semaphore_mem>>) src(%dma_wait3A_1044 : memref<256x32xf32, #tpu.memory_space<vmem>>) dst(%dma_wait3A_1040 : memref<256x32xf32, #tpu.memory_space<hbm>>)
      %dma_wait3A_1045 = arith.constant 1 : i32
      %dma_wait3A_1046 = arith.constant 1 : i32
      %dma_wait3A_1047 = arith.constant 0 : i32
      %dma_wait3A_1048 = arith.constant 0 : i32
      %dma_wait3A_1049 = tpu.memref_slice %arg9[%dma_wait3A_1045, %dma_wait3A_1047, %dma_wait3A_1048] : memref<4x256x32xf32, #tpu.memory_space<vmem>> -> memref<1x256x32xf32, #tpu.memory_space<vmem>>
      %dma_wait3A_1050 = tpu.memref_squeeze %dma_wait3A_1049 : memref<1x256x32xf32, #tpu.memory_space<vmem>> -> memref<256x32xf32, #tpu.memory_space<vmem>>
      %dma_wait3A_1051 = arith.constant 0 : i32
      %dma_wait3A_1052 = arith.constant 32 : i32
      %dma_wait3A_1053 = tpu.memref_slice %arg6[%dma_wait3A_1051, %dma_wait3A_1052] : memref<3276800x64xf32, #tpu.memory_space<hbm>> -> memref<256x32xf32, #tpu.memory_space<hbm>>
      %dma_wait3A_1054 = tpu.memref_slice %arg13[%dma_wait3A_1046] : memref<4x!tpu.dma_semaphore, #tpu.memory_space<semaphore_mem>> -> memref<1x!tpu.dma_semaphore, #tpu.memory_space<semaphore_mem>>
      %dma_wait3A_1055 = tpu.memref_squeeze %dma_wait3A_1054 : memref<1x!tpu.dma_semaphore, #tpu.memory_space<semaphore_mem>> -> memref<!tpu.dma_semaphore, #tpu.memory_space<semaphore_mem>>
      %dma_wait3A_1056 = arith.constant 0 : i32
      %dma_wait3A_1057 = arith.constant 32 : i32
      %dma_wait3A_1058 = tpu.memref_slice %arg6[%dma_wait3A_1056, %dma_wait3A_1057] : memref<3276800x64xf32, #tpu.memory_space<hbm>> -> memref<256x32xf32, #tpu.memory_space<hbm>>
      %dma_wait3A_1059 = arith.constant 0 : i32
      %dma_wait3A_1060 = arith.constant 0 : i32
      %dma_wait3A_1061 = tpu.memref_slice %arg9[%dma_wait3A_1045, %dma_wait3A_1059, %dma_wait3A_1060] : memref<4x256x32xf32, #tpu.memory_space<vmem>> -> memref<1x256x32xf32, #tpu.memory_space<vmem>>
      %dma_wait3A_1062 = tpu.memref_squeeze %dma_wait3A_1061 : memref<1x256x32xf32, #tpu.memory_space<vmem>> -> memref<256x32xf32, #tpu.memory_space<vmem>>
      tpu.wait_dma2 semaphore(%dma_wait3A_1055 : memref<!tpu.dma_semaphore, #tpu.memory_space<semaphore_mem>>) src(%dma_wait3A_1062 : memref<256x32xf32, #tpu.memory_space<vmem>>) dst(%dma_wait3A_1058 : memref<256x32xf32, #tpu.memory_space<hbm>>)
      %dma_start3A_1063 = arith.constant 1 : i32
      %dma_start3A_1064 = arith.constant 1 : i32
      %dma_start3A_1065 = arith.constant 0 : i32
      %dma_start3A_1066 = arith.constant 0 : i32
      %dma_start3A_1067 = tpu.memref_slice %arg9[%dma_start3A_1063, %dma_start3A_1065, %dma_start3A_1066] : memref<4x256x32xf32, #tpu.memory_space<vmem>> -> memref<1x128x32xf32, #tpu.memory_space<vmem>>
      %dma_start3A_1068 = tpu.memref_squeeze %dma_start3A_1067 : memref<1x128x32xf32, #tpu.memory_space<vmem>> -> memref<128x32xf32, #tpu.memory_space<vmem>>
      %dma_start3A_1069 = arith.constant 256 : i32
      %dma_start3A_1070 = tpu.memref_slice %arg7[%rem3A_883, %dma_start3A_1069] : memref<2x1024xi32, #tpu.memory_space<vmem>> -> memref<1x128xi32, #tpu.memory_space<vmem>>
      %dma_start3A_1071 = tpu.memref_squeeze %dma_start3A_1070 : memref<1x128xi32, #tpu.memory_space<vmem>> -> memref<128xi32, #tpu.memory_space<vmem>>
      %dma_start3A_1072 = arith.constant 0 : i32
      %dma_start3A_1073 = arith.constant 0 : i32
      %dma_start3A_1074 = tpu.memref_slice %arg4[%dma_start3A_1072, %dma_start3A_1073] : memref<100000x32xf32, #tpu.memory_space<hbm>> -> memref<100000x32xf32, #tpu.memory_space<hbm>>
      %dma_start3A_1075 = tpu.memref_slice %arg12[%dma_start3A_1064] : memref<4x!tpu.dma_semaphore, #tpu.memory_space<semaphore_mem>> -> memref<1x!tpu.dma_semaphore, #tpu.memory_space<semaphore_mem>>
      %dma_start3A_1076 = tpu.memref_squeeze %dma_start3A_1075 : memref<1x!tpu.dma_semaphore, #tpu.memory_space<semaphore_mem>> -> memref<!tpu.dma_semaphore, #tpu.memory_space<semaphore_mem>>
      tpu.enqueue_indirect_dma source(%dma_start3A_1074 : memref<100000x32xf32, #tpu.memory_space<hbm>>) target(%dma_start3A_1068 : memref<128x32xf32, #tpu.memory_space<vmem>>) offsets(%dma_start3A_1071 : memref<128xi32, #tpu.memory_space<vmem>>) semaphore(%dma_start3A_1076 : memref<!tpu.dma_semaphore, #tpu.memory_space<semaphore_mem>>)
      %dma_start3A_1077 = arith.constant 1 : i32
      %dma_start3A_1078 = arith.constant 1 : i32
      %dma_start3A_1079 = arith.constant 0 : i32
      %dma_start3A_1080 = arith.constant 0 : i32
      %dma_start3A_1081 = tpu.memref_slice %arg10[%dma_start3A_1077, %dma_start3A_1079, %dma_start3A_1080] : memref<4x256x32xf32, #tpu.memory_space<vmem>> -> memref<1x128x32xf32, #tpu.memory_space<vmem>>
      %dma_start3A_1082 = tpu.memref_squeeze %dma_start3A_1081 : memref<1x128x32xf32, #tpu.memory_space<vmem>> -> memref<128x32xf32, #tpu.memory_space<vmem>>
      %dma_start3A_1083 = arith.constant 256 : i32
      %dma_start3A_1084 = tpu.memref_slice %arg8[%rem3A_883, %dma_start3A_1083] : memref<2x1024xi32, #tpu.memory_space<vmem>> -> memref<1x128xi32, #tpu.memory_space<vmem>>
      %dma_start3A_1085 = tpu.memref_squeeze %dma_start3A_1084 : memref<1x128xi32, #tpu.memory_space<vmem>> -> memref<128xi32, #tpu.memory_space<vmem>>
      %dma_start3A_1086 = arith.constant 0 : i32
      %dma_start3A_1087 = arith.constant 0 : i32
      %dma_start3A_1088 = tpu.memref_slice %arg5[%dma_start3A_1086, %dma_start3A_1087] : memref<1000x32xf32, #tpu.memory_space<hbm>> -> memref<1000x32xf32, #tpu.memory_space<hbm>>
      %dma_start3A_1089 = tpu.memref_slice %arg12[%dma_start3A_1078] : memref<4x!tpu.dma_semaphore, #tpu.memory_space<semaphore_mem>> -> memref<1x!tpu.dma_semaphore, #tpu.memory_space<semaphore_mem>>
      %dma_start3A_1090 = tpu.memref_squeeze %dma_start3A_1089 : memref<1x!tpu.dma_semaphore, #tpu.memory_space<semaphore_mem>> -> memref<!tpu.dma_semaphore, #tpu.memory_space<semaphore_mem>>
      tpu.enqueue_indirect_dma source(%dma_start3A_1088 : memref<1000x32xf32, #tpu.memory_space<hbm>>) target(%dma_start3A_1082 : memref<128x32xf32, #tpu.memory_space<vmem>>) offsets(%dma_start3A_1085 : memref<128xi32, #tpu.memory_space<vmem>>) semaphore(%dma_start3A_1090 : memref<!tpu.dma_semaphore, #tpu.memory_space<semaphore_mem>>)
      %dma_start3A_1091 = arith.constant 1 : i32
      %dma_start3A_1092 = arith.constant 1 : i32
      %dma_start3A_1093 = arith.constant 128 : i32
      %dma_start3A_1094 = arith.constant 0 : i32
      %dma_start3A_1095 = tpu.memref_slice %arg9[%dma_start3A_1091, %dma_start3A_1093, %dma_start3A_1094] : memref<4x256x32xf32, #tpu.memory_space<vmem>> -> memref<1x128x32xf32, #tpu.memory_space<vmem>>
      %dma_start3A_1096 = tpu.memref_squeeze %dma_start3A_1095 : memref<1x128x32xf32, #tpu.memory_space<vmem>> -> memref<128x32xf32, #tpu.memory_space<vmem>>
      %dma_start3A_1097 = arith.constant 384 : i32
      %dma_start3A_1098 = tpu.memref_slice %arg7[%rem3A_883, %dma_start3A_1097] : memref<2x1024xi32, #tpu.memory_space<vmem>> -> memref<1x128xi32, #tpu.memory_space<vmem>>
      %dma_start3A_1099 = tpu.memref_squeeze %dma_start3A_1098 : memref<1x128xi32, #tpu.memory_space<vmem>> -> memref<128xi32, #tpu.memory_space<vmem>>
      %dma_start3A_1100 = arith.constant 0 : i32
      %dma_start3A_1101 = arith.constant 0 : i32
      %dma_start3A_1102 = tpu.memref_slice %arg4[%dma_start3A_1100, %dma_start3A_1101] : memref<100000x32xf32, #tpu.memory_space<hbm>> -> memref<100000x32xf32, #tpu.memory_space<hbm>>
      %dma_start3A_1103 = tpu.memref_slice %arg12[%dma_start3A_1092] : memref<4x!tpu.dma_semaphore, #tpu.memory_space<semaphore_mem>> -> memref<1x!tpu.dma_semaphore, #tpu.memory_space<semaphore_mem>>
      %dma_start3A_1104 = tpu.memref_squeeze %dma_start3A_1103 : memref<1x!tpu.dma_semaphore, #tpu.memory_space<semaphore_mem>> -> memref<!tpu.dma_semaphore, #tpu.memory_space<semaphore_mem>>
      tpu.enqueue_indirect_dma source(%dma_start3A_1102 : memref<100000x32xf32, #tpu.memory_space<hbm>>) target(%dma_start3A_1096 : memref<128x32xf32, #tpu.memory_space<vmem>>) offsets(%dma_start3A_1099 : memref<128xi32, #tpu.memory_space<vmem>>) semaphore(%dma_start3A_1104 : memref<!tpu.dma_semaphore, #tpu.memory_space<semaphore_mem>>)
      %dma_start3A_1105 = arith.constant 1 : i32
      %dma_start3A_1106 = arith.constant 1 : i32
      %dma_start3A_1107 = arith.constant 128 : i32
      %dma_start3A_1108 = arith.constant 0 : i32
      %dma_start3A_1109 = tpu.memref_slice %arg10[%dma_start3A_1105, %dma_start3A_1107, %dma_start3A_1108] : memref<4x256x32xf32, #tpu.memory_space<vmem>> -> memref<1x128x32xf32, #tpu.memory_space<vmem>>
      %dma_start3A_1110 = tpu.memref_squeeze %dma_start3A_1109 : memref<1x128x32xf32, #tpu.memory_space<vmem>> -> memref<128x32xf32, #tpu.memory_space<vmem>>
      %dma_start3A_1111 = arith.constant 384 : i32
      %dma_start3A_1112 = tpu.memref_slice %arg8[%rem3A_883, %dma_start3A_1111] : memref<2x1024xi32, #tpu.memory_space<vmem>> -> memref<1x128xi32, #tpu.memory_space<vmem>>
      %dma_start3A_1113 = tpu.memref_squeeze %dma_start3A_1112 : memref<1x128xi32, #tpu.memory_space<vmem>> -> memref<128xi32, #tpu.memory_space<vmem>>
      %dma_start3A_1114 = arith.constant 0 : i32
      %dma_start3A_1115 = arith.constant 0 : i32
      %dma_start3A_1116 = tpu.memref_slice %arg5[%dma_start3A_1114, %dma_start3A_1115] : memref<1000x32xf32, #tpu.memory_space<hbm>> -> memref<1000x32xf32, #tpu.memory_space<hbm>>
      %dma_start3A_1117 = tpu.memref_slice %arg12[%dma_start3A_1106] : memref<4x!tpu.dma_semaphore, #tpu.memory_space<semaphore_mem>> -> memref<1x!tpu.dma_semaphore, #tpu.memory_space<semaphore_mem>>
      %dma_start3A_1118 = tpu.memref_squeeze %dma_start3A_1117 : memref<1x!tpu.dma_semaphore, #tpu.memory_space<semaphore_mem>> -> memref<!tpu.dma_semaphore, #tpu.memory_space<semaphore_mem>>
      tpu.enqueue_indirect_dma source(%dma_start3A_1116 : memref<1000x32xf32, #tpu.memory_space<hbm>>) target(%dma_start3A_1110 : memref<128x32xf32, #tpu.memory_space<vmem>>) offsets(%dma_start3A_1113 : memref<128xi32, #tpu.memory_space<vmem>>) semaphore(%dma_start3A_1118 : memref<!tpu.dma_semaphore, #tpu.memory_space<semaphore_mem>>)
      %dma_wait3A_1119 = arith.constant 2 : i32
      %dma_wait3A_1120 = arith.constant 2 : i32
      %dma_wait3A_1121 = arith.constant 0 : i32
      %dma_wait3A_1122 = arith.constant 0 : i32
      %dma_wait3A_1123 = tpu.memref_slice %arg9[%dma_wait3A_1119, %dma_wait3A_1121, %dma_wait3A_1122] : memref<4x256x32xf32, #tpu.memory_space<vmem>> -> memref<1x256x32xf32, #tpu.memory_space<vmem>>
      %dma_wait3A_1124 = tpu.memref_squeeze %dma_wait3A_1123 : memref<1x256x32xf32, #tpu.memory_space<vmem>> -> memref<256x32xf32, #tpu.memory_space<vmem>>
      %dma_wait3A_1125 = arith.constant 0 : i32
      %dma_wait3A_1126 = arith.constant 0 : i32
      %dma_wait3A_1127 = tpu.memref_slice %arg6[%dma_wait3A_1125, %dma_wait3A_1126] : memref<3276800x64xf32, #tpu.memory_space<hbm>> -> memref<256x32xf32, #tpu.memory_space<hbm>>
      %dma_wait3A_1128 = tpu.memref_slice %arg13[%dma_wait3A_1120] : memref<4x!tpu.dma_semaphore, #tpu.memory_space<semaphore_mem>> -> memref<1x!tpu.dma_semaphore, #tpu.memory_space<semaphore_mem>>
      %dma_wait3A_1129 = tpu.memref_squeeze %dma_wait3A_1128 : memref<1x!tpu.dma_semaphore, #tpu.memory_space<semaphore_mem>> -> memref<!tpu.dma_semaphore, #tpu.memory_space<semaphore_mem>>
      %dma_wait3A_1130 = arith.constant 0 : i32
      %dma_wait3A_1131 = arith.constant 0 : i32
      %dma_wait3A_1132 = tpu.memref_slice %arg6[%dma_wait3A_1130, %dma_wait3A_1131] : memref<3276800x64xf32, #tpu.memory_space<hbm>> -> memref<256x32xf32, #tpu.memory_space<hbm>>
      %dma_wait3A_1133 = arith.constant 0 : i32
      %dma_wait3A_1134 = arith.constant 0 : i32
      %dma_wait3A_1135 = tpu.memref_slice %arg9[%dma_wait3A_1119, %dma_wait3A_1133, %dma_wait3A_1134] : memref<4x256x32xf32, #tpu.memory_space<vmem>> -> memref<1x256x32xf32, #tpu.memory_space<vmem>>
      %dma_wait3A_1136 = tpu.memref_squeeze %dma_wait3A_1135 : memref<1x256x32xf32, #tpu.memory_space<vmem>> -> memref<256x32xf32, #tpu.memory_space<vmem>>
      tpu.wait_dma2 semaphore(%dma_wait3A_1129 : memref<!tpu.dma_semaphore, #tpu.memory_space<semaphore_mem>>) src(%dma_wait3A_1136 : memref<256x32xf32, #tpu.memory_space<vmem>>) dst(%dma_wait3A_1132 : memref<256x32xf32, #tpu.memory_space<hbm>>)
      %dma_wait3A_1137 = arith.constant 2 : i32
      %dma_wait3A_1138 = arith.constant 2 : i32
      %dma_wait3A_1139 = arith.constant 0 : i32
      %dma_wait3A_1140 = arith.constant 0 : i32
      %dma_wait3A_1141 = tpu.memref_slice %arg9[%dma_wait3A_1137, %dma_wait3A_1139, %dma_wait3A_1140] : memref<4x256x32xf32, #tpu.memory_space<vmem>> -> memref<1x256x32xf32, #tpu.memory_space<vmem>>
      %dma_wait3A_1142 = tpu.memref_squeeze %dma_wait3A_1141 : memref<1x256x32xf32, #tpu.memory_space<vmem>> -> memref<256x32xf32, #tpu.memory_space<vmem>>
      %dma_wait3A_1143 = arith.constant 0 : i32
      %dma_wait3A_1144 = arith.constant 32 : i32
      %dma_wait3A_1145 = tpu.memref_slice %arg6[%dma_wait3A_1143, %dma_wait3A_1144] : memref<3276800x64xf32, #tpu.memory_space<hbm>> -> memref<256x32xf32, #tpu.memory_space<hbm>>
      %dma_wait3A_1146 = tpu.memref_slice %arg13[%dma_wait3A_1138] : memref<4x!tpu.dma_semaphore, #tpu.memory_space<semaphore_mem>> -> memref<1x!tpu.dma_semaphore, #tpu.memory_space<semaphore_mem>>
      %dma_wait3A_1147 = tpu.memref_squeeze %dma_wait3A_1146 : memref<1x!tpu.dma_semaphore, #tpu.memory_space<semaphore_mem>> -> memref<!tpu.dma_semaphore, #tpu.memory_space<semaphore_mem>>
      %dma_wait3A_1148 = arith.constant 0 : i32
      %dma_wait3A_1149 = arith.constant 32 : i32
      %dma_wait3A_1150 = tpu.memref_slice %arg6[%dma_wait3A_1148, %dma_wait3A_1149] : memref<3276800x64xf32, #tpu.memory_space<hbm>> -> memref<256x32xf32, #tpu.memory_space<hbm>>
      %dma_wait3A_1151 = arith.constant 0 : i32
      %dma_wait3A_1152 = arith.constant 0 : i32
      %dma_wait3A_1153 = tpu.memref_slice %arg9[%dma_wait3A_1137, %dma_wait3A_1151, %dma_wait3A_1152] : memref<4x256x32xf32, #tpu.memory_space<vmem>> -> memref<1x256x32xf32, #tpu.memory_space<vmem>>
      %dma_wait3A_1154 = tpu.memref_squeeze %dma_wait3A_1153 : memref<1x256x32xf32, #tpu.memory_space<vmem>> -> memref<256x32xf32, #tpu.memory_space<vmem>>
      tpu.wait_dma2 semaphore(%dma_wait3A_1147 : memref<!tpu.dma_semaphore, #tpu.memory_space<semaphore_mem>>) src(%dma_wait3A_1154 : memref<256x32xf32, #tpu.memory_space<vmem>>) dst(%dma_wait3A_1150 : memref<256x32xf32, #tpu.memory_space<hbm>>)
      %dma_start3A_1155 = arith.constant 2 : i32
      %dma_start3A_1156 = arith.constant 2 : i32
      %dma_start3A_1157 = arith.constant 0 : i32
      %dma_start3A_1158 = arith.constant 0 : i32
      %dma_start3A_1159 = tpu.memref_slice %arg9[%dma_start3A_1155, %dma_start3A_1157, %dma_start3A_1158] : memref<4x256x32xf32, #tpu.memory_space<vmem>> -> memref<1x128x32xf32, #tpu.memory_space<vmem>>
      %dma_start3A_1160 = tpu.memref_squeeze %dma_start3A_1159 : memref<1x128x32xf32, #tpu.memory_space<vmem>> -> memref<128x32xf32, #tpu.memory_space<vmem>>
      %dma_start3A_1161 = arith.constant 512 : i32
      %dma_start3A_1162 = tpu.memref_slice %arg7[%rem3A_883, %dma_start3A_1161] : memref<2x1024xi32, #tpu.memory_space<vmem>> -> memref<1x128xi32, #tpu.memory_space<vmem>>
      %dma_start3A_1163 = tpu.memref_squeeze %dma_start3A_1162 : memref<1x128xi32, #tpu.memory_space<vmem>> -> memref<128xi32, #tpu.memory_space<vmem>>
      %dma_start3A_1164 = arith.constant 0 : i32
      %dma_start3A_1165 = arith.constant 0 : i32
      %dma_start3A_1166 = tpu.memref_slice %arg4[%dma_start3A_1164, %dma_start3A_1165] : memref<100000x32xf32, #tpu.memory_space<hbm>> -> memref<100000x32xf32, #tpu.memory_space<hbm>>
      %dma_start3A_1167 = tpu.memref_slice %arg12[%dma_start3A_1156] : memref<4x!tpu.dma_semaphore, #tpu.memory_space<semaphore_mem>> -> memref<1x!tpu.dma_semaphore, #tpu.memory_space<semaphore_mem>>
      %dma_start3A_1168 = tpu.memref_squeeze %dma_start3A_1167 : memref<1x!tpu.dma_semaphore, #tpu.memory_space<semaphore_mem>> -> memref<!tpu.dma_semaphore, #tpu.memory_space<semaphore_mem>>
      tpu.enqueue_indirect_dma source(%dma_start3A_1166 : memref<100000x32xf32, #tpu.memory_space<hbm>>) target(%dma_start3A_1160 : memref<128x32xf32, #tpu.memory_space<vmem>>) offsets(%dma_start3A_1163 : memref<128xi32, #tpu.memory_space<vmem>>) semaphore(%dma_start3A_1168 : memref<!tpu.dma_semaphore, #tpu.memory_space<semaphore_mem>>)
      %dma_start3A_1169 = arith.constant 2 : i32
      %dma_start3A_1170 = arith.constant 2 : i32
      %dma_start3A_1171 = arith.constant 0 : i32
      %dma_start3A_1172 = arith.constant 0 : i32
      %dma_start3A_1173 = tpu.memref_slice %arg10[%dma_start3A_1169, %dma_start3A_1171, %dma_start3A_1172] : memref<4x256x32xf32, #tpu.memory_space<vmem>> -> memref<1x128x32xf32, #tpu.memory_space<vmem>>
      %dma_start3A_1174 = tpu.memref_squeeze %dma_start3A_1173 : memref<1x128x32xf32, #tpu.memory_space<vmem>> -> memref<128x32xf32, #tpu.memory_space<vmem>>
      %dma_start3A_1175 = arith.constant 512 : i32
      %dma_start3A_1176 = tpu.memref_slice %arg8[%rem3A_883, %dma_start3A_1175] : memref<2x1024xi32, #tpu.memory_space<vmem>> -> memref<1x128xi32, #tpu.memory_space<vmem>>
      %dma_start3A_1177 = tpu.memref_squeeze %dma_start3A_1176 : memref<1x128xi32, #tpu.memory_space<vmem>> -> memref<128xi32, #tpu.memory_space<vmem>>
      %dma_start3A_1178 = arith.constant 0 : i32
      %dma_start3A_1179 = arith.constant 0 : i32
      %dma_start3A_1180 = tpu.memref_slice %arg5[%dma_start3A_1178, %dma_start3A_1179] : memref<1000x32xf32, #tpu.memory_space<hbm>> -> memref<1000x32xf32, #tpu.memory_space<hbm>>
      %dma_start3A_1181 = tpu.memref_slice %arg12[%dma_start3A_1170] : memref<4x!tpu.dma_semaphore, #tpu.memory_space<semaphore_mem>> -> memref<1x!tpu.dma_semaphore, #tpu.memory_space<semaphore_mem>>
      %dma_start3A_1182 = tpu.memref_squeeze %dma_start3A_1181 : memref<1x!tpu.dma_semaphore, #tpu.memory_space<semaphore_mem>> -> memref<!tpu.dma_semaphore, #tpu.memory_space<semaphore_mem>>
      tpu.enqueue_indirect_dma source(%dma_start3A_1180 : memref<1000x32xf32, #tpu.memory_space<hbm>>) target(%dma_start3A_1174 : memref<128x32xf32, #tpu.memory_space<vmem>>) offsets(%dma_start3A_1177 : memref<128xi32, #tpu.memory_space<vmem>>) semaphore(%dma_start3A_1182 : memref<!tpu.dma_semaphore, #tpu.memory_space<semaphore_mem>>)
      %dma_start3A_1183 = arith.constant 2 : i32
      %dma_start3A_1184 = arith.constant 2 : i32
      %dma_start3A_1185 = arith.constant 128 : i32
      %dma_start3A_1186 = arith.constant 0 : i32
      %dma_start3A_1187 = tpu.memref_slice %arg9[%dma_start3A_1183, %dma_start3A_1185, %dma_start3A_1186] : memref<4x256x32xf32, #tpu.memory_space<vmem>> -> memref<1x128x32xf32, #tpu.memory_space<vmem>>
      %dma_start3A_1188 = tpu.memref_squeeze %dma_start3A_1187 : memref<1x128x32xf32, #tpu.memory_space<vmem>> -> memref<128x32xf32, #tpu.memory_space<vmem>>
      %dma_start3A_1189 = arith.constant 640 : i32
      %dma_start3A_1190 = tpu.memref_slice %arg7[%rem3A_883, %dma_start3A_1189] : memref<2x1024xi32, #tpu.memory_space<vmem>> -> memref<1x128xi32, #tpu.memory_space<vmem>>
      %dma_start3A_1191 = tpu.memref_squeeze %dma_start3A_1190 : memref<1x128xi32, #tpu.memory_space<vmem>> -> memref<128xi32, #tpu.memory_space<vmem>>
      %dma_start3A_1192 = arith.constant 0 : i32
      %dma_start3A_1193 = arith.constant 0 : i32
      %dma_start3A_1194 = tpu.memref_slice %arg4[%dma_start3A_1192, %dma_start3A_1193] : memref<100000x32xf32, #tpu.memory_space<hbm>> -> memref<100000x32xf32, #tpu.memory_space<hbm>>
      %dma_start3A_1195 = tpu.memref_slice %arg12[%dma_start3A_1184] : memref<4x!tpu.dma_semaphore, #tpu.memory_space<semaphore_mem>> -> memref<1x!tpu.dma_semaphore, #tpu.memory_space<semaphore_mem>>
      %dma_start3A_1196 = tpu.memref_squeeze %dma_start3A_1195 : memref<1x!tpu.dma_semaphore, #tpu.memory_space<semaphore_mem>> -> memref<!tpu.dma_semaphore, #tpu.memory_space<semaphore_mem>>
      tpu.enqueue_indirect_dma source(%dma_start3A_1194 : memref<100000x32xf32, #tpu.memory_space<hbm>>) target(%dma_start3A_1188 : memref<128x32xf32, #tpu.memory_space<vmem>>) offsets(%dma_start3A_1191 : memref<128xi32, #tpu.memory_space<vmem>>) semaphore(%dma_start3A_1196 : memref<!tpu.dma_semaphore, #tpu.memory_space<semaphore_mem>>)
      %dma_start3A_1197 = arith.constant 2 : i32
      %dma_start3A_1198 = arith.constant 2 : i32
      %dma_start3A_1199 = arith.constant 128 : i32
      %dma_start3A_1200 = arith.constant 0 : i32
      %dma_start3A_1201 = tpu.memref_slice %arg10[%dma_start3A_1197, %dma_start3A_1199, %dma_start3A_1200] : memref<4x256x32xf32, #tpu.memory_space<vmem>> -> memref<1x128x32xf32, #tpu.memory_space<vmem>>
      %dma_start3A_1202 = tpu.memref_squeeze %dma_start3A_1201 : memref<1x128x32xf32, #tpu.memory_space<vmem>> -> memref<128x32xf32, #tpu.memory_space<vmem>>
      %dma_start3A_1203 = arith.constant 640 : i32
      %dma_start3A_1204 = tpu.memref_slice %arg8[%rem3A_883, %dma_start3A_1203] : memref<2x1024xi32, #tpu.memory_space<vmem>> -> memref<1x128xi32, #tpu.memory_space<vmem>>
      %dma_start3A_1205 = tpu.memref_squeeze %dma_start3A_1204 : memref<1x128xi32, #tpu.memory_space<vmem>> -> memref<128xi32, #tpu.memory_space<vmem>>
      %dma_start3A_1206 = arith.constant 0 : i32
      %dma_start3A_1207 = arith.constant 0 : i32
      %dma_start3A_1208 = tpu.memref_slice %arg5[%dma_start3A_1206, %dma_start3A_1207] : memref<1000x32xf32, #tpu.memory_space<hbm>> -> memref<1000x32xf32, #tpu.memory_space<hbm>>
      %dma_start3A_1209 = tpu.memref_slice %arg12[%dma_start3A_1198] : memref<4x!tpu.dma_semaphore, #tpu.memory_space<semaphore_mem>> -> memref<1x!tpu.dma_semaphore, #tpu.memory_space<semaphore_mem>>
      %dma_start3A_1210 = tpu.memref_squeeze %dma_start3A_1209 : memref<1x!tpu.dma_semaphore, #tpu.memory_space<semaphore_mem>> -> memref<!tpu.dma_semaphore, #tpu.memory_space<semaphore_mem>>
      tpu.enqueue_indirect_dma source(%dma_start3A_1208 : memref<1000x32xf32, #tpu.memory_space<hbm>>) target(%dma_start3A_1202 : memref<128x32xf32, #tpu.memory_space<vmem>>) offsets(%dma_start3A_1205 : memref<128xi32, #tpu.memory_space<vmem>>) semaphore(%dma_start3A_1210 : memref<!tpu.dma_semaphore, #tpu.memory_space<semaphore_mem>>)
      %dma_wait3A_1211 = arith.constant 3 : i32
      %dma_wait3A_1212 = arith.constant 3 : i32
      %dma_wait3A_1213 = arith.constant 0 : i32
      %dma_wait3A_1214 = arith.constant 0 : i32
      %dma_wait3A_1215 = tpu.memref_slice %arg9[%dma_wait3A_1211, %dma_wait3A_1213, %dma_wait3A_1214] : memref<4x256x32xf32, #tpu.memory_space<vmem>> -> memref<1x256x32xf32, #tpu.memory_space<vmem>>
      %dma_wait3A_1216 = tpu.memref_squeeze %dma_wait3A_1215 : memref<1x256x32xf32, #tpu.memory_space<vmem>> -> memref<256x32xf32, #tpu.memory_space<vmem>>
      %dma_wait3A_1217 = arith.constant 0 : i32
      %dma_wait3A_1218 = arith.constant 0 : i32
      %dma_wait3A_1219 = tpu.memref_slice %arg6[%dma_wait3A_1217, %dma_wait3A_1218] : memref<3276800x64xf32, #tpu.memory_space<hbm>> -> memref<256x32xf32, #tpu.memory_space<hbm>>
      %dma_wait3A_1220 = tpu.memref_slice %arg13[%dma_wait3A_1212] : memref<4x!tpu.dma_semaphore, #tpu.memory_space<semaphore_mem>> -> memref<1x!tpu.dma_semaphore, #tpu.memory_space<semaphore_mem>>
      %dma_wait3A_1221 = tpu.memref_squeeze %dma_wait3A_1220 : memref<1x!tpu.dma_semaphore, #tpu.memory_space<semaphore_mem>> -> memref<!tpu.dma_semaphore, #tpu.memory_space<semaphore_mem>>
      %dma_wait3A_1222 = arith.constant 0 : i32
      %dma_wait3A_1223 = arith.constant 0 : i32
      %dma_wait3A_1224 = tpu.memref_slice %arg6[%dma_wait3A_1222, %dma_wait3A_1223] : memref<3276800x64xf32, #tpu.memory_space<hbm>> -> memref<256x32xf32, #tpu.memory_space<hbm>>
      %dma_wait3A_1225 = arith.constant 0 : i32
      %dma_wait3A_1226 = arith.constant 0 : i32
      %dma_wait3A_1227 = tpu.memref_slice %arg9[%dma_wait3A_1211, %dma_wait3A_1225, %dma_wait3A_1226] : memref<4x256x32xf32, #tpu.memory_space<vmem>> -> memref<1x256x32xf32, #tpu.memory_space<vmem>>
      %dma_wait3A_1228 = tpu.memref_squeeze %dma_wait3A_1227 : memref<1x256x32xf32, #tpu.memory_space<vmem>> -> memref<256x32xf32, #tpu.memory_space<vmem>>
      tpu.wait_dma2 semaphore(%dma_wait3A_1221 : memref<!tpu.dma_semaphore, #tpu.memory_space<semaphore_mem>>) src(%dma_wait3A_1228 : memref<256x32xf32, #tpu.memory_space<vmem>>) dst(%dma_wait3A_1224 : memref<256x32xf32, #tpu.memory_space<hbm>>)
      %dma_wait3A_1229 = arith.constant 3 : i32
      %dma_wait3A_1230 = arith.constant 3 : i32
      %dma_wait3A_1231 = arith.constant 0 : i32
      %dma_wait3A_1232 = arith.constant 0 : i32
      %dma_wait3A_1233 = tpu.memref_slice %arg9[%dma_wait3A_1229, %dma_wait3A_1231, %dma_wait3A_1232] : memref<4x256x32xf32, #tpu.memory_space<vmem>> -> memref<1x256x32xf32, #tpu.memory_space<vmem>>
      %dma_wait3A_1234 = tpu.memref_squeeze %dma_wait3A_1233 : memref<1x256x32xf32, #tpu.memory_space<vmem>> -> memref<256x32xf32, #tpu.memory_space<vmem>>
      %dma_wait3A_1235 = arith.constant 0 : i32
      %dma_wait3A_1236 = arith.constant 32 : i32
      %dma_wait3A_1237 = tpu.memref_slice %arg6[%dma_wait3A_1235, %dma_wait3A_1236] : memref<3276800x64xf32, #tpu.memory_space<hbm>> -> memref<256x32xf32, #tpu.memory_space<hbm>>
      %dma_wait3A_1238 = tpu.memref_slice %arg13[%dma_wait3A_1230] : memref<4x!tpu.dma_semaphore, #tpu.memory_space<semaphore_mem>> -> memref<1x!tpu.dma_semaphore, #tpu.memory_space<semaphore_mem>>
      %dma_wait3A_1239 = tpu.memref_squeeze %dma_wait3A_1238 : memref<1x!tpu.dma_semaphore, #tpu.memory_space<semaphore_mem>> -> memref<!tpu.dma_semaphore, #tpu.memory_space<semaphore_mem>>
      %dma_wait3A_1240 = arith.constant 0 : i32
      %dma_wait3A_1241 = arith.constant 32 : i32
      %dma_wait3A_1242 = tpu.memref_slice %arg6[%dma_wait3A_1240, %dma_wait3A_1241] : memref<3276800x64xf32, #tpu.memory_space<hbm>> -> memref<256x32xf32, #tpu.memory_space<hbm>>
      %dma_wait3A_1243 = arith.constant 0 : i32
      %dma_wait3A_1244 = arith.constant 0 : i32
      %dma_wait3A_1245 = tpu.memref_slice %arg9[%dma_wait3A_1229, %dma_wait3A_1243, %dma_wait3A_1244] : memref<4x256x32xf32, #tpu.memory_space<vmem>> -> memref<1x256x32xf32, #tpu.memory_space<vmem>>
      %dma_wait3A_1246 = tpu.memref_squeeze %dma_wait3A_1245 : memref<1x256x32xf32, #tpu.memory_space<vmem>> -> memref<256x32xf32, #tpu.memory_space<vmem>>
      tpu.wait_dma2 semaphore(%dma_wait3A_1239 : memref<!tpu.dma_semaphore, #tpu.memory_space<semaphore_mem>>) src(%dma_wait3A_1246 : memref<256x32xf32, #tpu.memory_space<vmem>>) dst(%dma_wait3A_1242 : memref<256x32xf32, #tpu.memory_space<hbm>>)
      %dma_start3A_1247 = arith.constant 3 : i32
      %dma_start3A_1248 = arith.constant 3 : i32
      %dma_start3A_1249 = arith.constant 0 : i32
      %dma_start3A_1250 = arith.constant 0 : i32
      %dma_start3A_1251 = tpu.memref_slice %arg9[%dma_start3A_1247, %dma_start3A_1249, %dma_start3A_1250] : memref<4x256x32xf32, #tpu.memory_space<vmem>> -> memref<1x128x32xf32, #tpu.memory_space<vmem>>
      %dma_start3A_1252 = tpu.memref_squeeze %dma_start3A_1251 : memref<1x128x32xf32, #tpu.memory_space<vmem>> -> memref<128x32xf32, #tpu.memory_space<vmem>>
      %dma_start3A_1253 = arith.constant 768 : i32
      %dma_start3A_1254 = tpu.memref_slice %arg7[%rem3A_883, %dma_start3A_1253] : memref<2x1024xi32, #tpu.memory_space<vmem>> -> memref<1x128xi32, #tpu.memory_space<vmem>>
      %dma_start3A_1255 = tpu.memref_squeeze %dma_start3A_1254 : memref<1x128xi32, #tpu.memory_space<vmem>> -> memref<128xi32, #tpu.memory_space<vmem>>
      %dma_start3A_1256 = arith.constant 0 : i32
      %dma_start3A_1257 = arith.constant 0 : i32
      %dma_start3A_1258 = tpu.memref_slice %arg4[%dma_start3A_1256, %dma_start3A_1257] : memref<100000x32xf32, #tpu.memory_space<hbm>> -> memref<100000x32xf32, #tpu.memory_space<hbm>>
      %dma_start3A_1259 = tpu.memref_slice %arg12[%dma_start3A_1248] : memref<4x!tpu.dma_semaphore, #tpu.memory_space<semaphore_mem>> -> memref<1x!tpu.dma_semaphore, #tpu.memory_space<semaphore_mem>>
      %dma_start3A_1260 = tpu.memref_squeeze %dma_start3A_1259 : memref<1x!tpu.dma_semaphore, #tpu.memory_space<semaphore_mem>> -> memref<!tpu.dma_semaphore, #tpu.memory_space<semaphore_mem>>
      tpu.enqueue_indirect_dma source(%dma_start3A_1258 : memref<100000x32xf32, #tpu.memory_space<hbm>>) target(%dma_start3A_1252 : memref<128x32xf32, #tpu.memory_space<vmem>>) offsets(%dma_start3A_1255 : memref<128xi32, #tpu.memory_space<vmem>>) semaphore(%dma_start3A_1260 : memref<!tpu.dma_semaphore, #tpu.memory_space<semaphore_mem>>)
      %dma_start3A_1261 = arith.constant 3 : i32
      %dma_start3A_1262 = arith.constant 3 : i32
      %dma_start3A_1263 = arith.constant 0 : i32
      %dma_start3A_1264 = arith.constant 0 : i32
      %dma_start3A_1265 = tpu.memref_slice %arg10[%dma_start3A_1261, %dma_start3A_1263, %dma_start3A_1264] : memref<4x256x32xf32, #tpu.memory_space<vmem>> -> memref<1x128x32xf32, #tpu.memory_space<vmem>>
      %dma_start3A_1266 = tpu.memref_squeeze %dma_start3A_1265 : memref<1x128x32xf32, #tpu.memory_space<vmem>> -> memref<128x32xf32, #tpu.memory_space<vmem>>
      %dma_start3A_1267 = arith.constant 768 : i32
      %dma_start3A_1268 = tpu.memref_slice %arg8[%rem3A_883, %dma_start3A_1267] : memref<2x1024xi32, #tpu.memory_space<vmem>> -> memref<1x128xi32, #tpu.memory_space<vmem>>
      %dma_start3A_1269 = tpu.memref_squeeze %dma_start3A_1268 : memref<1x128xi32, #tpu.memory_space<vmem>> -> memref<128xi32, #tpu.memory_space<vmem>>
      %dma_start3A_1270 = arith.constant 0 : i32
      %dma_start3A_1271 = arith.constant 0 : i32
      %dma_start3A_1272 = tpu.memref_slice %arg5[%dma_start3A_1270, %dma_start3A_1271] : memref<1000x32xf32, #tpu.memory_space<hbm>> -> memref<1000x32xf32, #tpu.memory_space<hbm>>
      %dma_start3A_1273 = tpu.memref_slice %arg12[%dma_start3A_1262] : memref<4x!tpu.dma_semaphore, #tpu.memory_space<semaphore_mem>> -> memref<1x!tpu.dma_semaphore, #tpu.memory_space<semaphore_mem>>
      %dma_start3A_1274 = tpu.memref_squeeze %dma_start3A_1273 : memref<1x!tpu.dma_semaphore, #tpu.memory_space<semaphore_mem>> -> memref<!tpu.dma_semaphore, #tpu.memory_space<semaphore_mem>>
      tpu.enqueue_indirect_dma source(%dma_start3A_1272 : memref<1000x32xf32, #tpu.memory_space<hbm>>) target(%dma_start3A_1266 : memref<128x32xf32, #tpu.memory_space<vmem>>) offsets(%dma_start3A_1269 : memref<128xi32, #tpu.memory_space<vmem>>) semaphore(%dma_start3A_1274 : memref<!tpu.dma_semaphore, #tpu.memory_space<semaphore_mem>>)
      %dma_start3A_1275 = arith.constant 3 : i32
      %dma_start3A_1276 = arith.constant 3 : i32
      %dma_start3A_1277 = arith.constant 128 : i32
      %dma_start3A_1278 = arith.constant 0 : i32
      %dma_start3A_1279 = tpu.memref_slice %arg9[%dma_start3A_1275, %dma_start3A_1277, %dma_start3A_1278] : memref<4x256x32xf32, #tpu.memory_space<vmem>> -> memref<1x128x32xf32, #tpu.memory_space<vmem>>
      %dma_start3A_1280 = tpu.memref_squeeze %dma_start3A_1279 : memref<1x128x32xf32, #tpu.memory_space<vmem>> -> memref<128x32xf32, #tpu.memory_space<vmem>>
      %dma_start3A_1281 = arith.constant 896 : i32
      %dma_start3A_1282 = tpu.memref_slice %arg7[%rem3A_883, %dma_start3A_1281] : memref<2x1024xi32, #tpu.memory_space<vmem>> -> memref<1x128xi32, #tpu.memory_space<vmem>>
      %dma_start3A_1283 = tpu.memref_squeeze %dma_start3A_1282 : memref<1x128xi32, #tpu.memory_space<vmem>> -> memref<128xi32, #tpu.memory_space<vmem>>
      %dma_start3A_1284 = arith.constant 0 : i32
      %dma_start3A_1285 = arith.constant 0 : i32
      %dma_start3A_1286 = tpu.memref_slice %arg4[%dma_start3A_1284, %dma_start3A_1285] : memref<100000x32xf32, #tpu.memory_space<hbm>> -> memref<100000x32xf32, #tpu.memory_space<hbm>>
      %dma_start3A_1287 = tpu.memref_slice %arg12[%dma_start3A_1276] : memref<4x!tpu.dma_semaphore, #tpu.memory_space<semaphore_mem>> -> memref<1x!tpu.dma_semaphore, #tpu.memory_space<semaphore_mem>>
      %dma_start3A_1288 = tpu.memref_squeeze %dma_start3A_1287 : memref<1x!tpu.dma_semaphore, #tpu.memory_space<semaphore_mem>> -> memref<!tpu.dma_semaphore, #tpu.memory_space<semaphore_mem>>
      tpu.enqueue_indirect_dma source(%dma_start3A_1286 : memref<100000x32xf32, #tpu.memory_space<hbm>>) target(%dma_start3A_1280 : memref<128x32xf32, #tpu.memory_space<vmem>>) offsets(%dma_start3A_1283 : memref<128xi32, #tpu.memory_space<vmem>>) semaphore(%dma_start3A_1288 : memref<!tpu.dma_semaphore, #tpu.memory_space<semaphore_mem>>)
      %dma_start3A_1289 = arith.constant 3 : i32
      %dma_start3A_1290 = arith.constant 3 : i32
      %dma_start3A_1291 = arith.constant 128 : i32
      %dma_start3A_1292 = arith.constant 0 : i32
      %dma_start3A_1293 = tpu.memref_slice %arg10[%dma_start3A_1289, %dma_start3A_1291, %dma_start3A_1292] : memref<4x256x32xf32, #tpu.memory_space<vmem>> -> memref<1x128x32xf32, #tpu.memory_space<vmem>>
      %dma_start3A_1294 = tpu.memref_squeeze %dma_start3A_1293 : memref<1x128x32xf32, #tpu.memory_space<vmem>> -> memref<128x32xf32, #tpu.memory_space<vmem>>
      %dma_start3A_1295 = arith.constant 896 : i32
      %dma_start3A_1296 = tpu.memref_slice %arg8[%rem3A_883, %dma_start3A_1295] : memref<2x1024xi32, #tpu.memory_space<vmem>> -> memref<1x128xi32, #tpu.memory_space<vmem>>
      %dma_start3A_1297 = tpu.memref_squeeze %dma_start3A_1296 : memref<1x128xi32, #tpu.memory_space<vmem>> -> memref<128xi32, #tpu.memory_space<vmem>>
      %dma_start3A_1298 = arith.constant 0 : i32
      %dma_start3A_1299 = arith.constant 0 : i32
      %dma_start3A_1300 = tpu.memref_slice %arg5[%dma_start3A_1298, %dma_start3A_1299] : memref<1000x32xf32, #tpu.memory_space<hbm>> -> memref<1000x32xf32, #tpu.memory_space<hbm>>
      %dma_start3A_1301 = tpu.memref_slice %arg12[%dma_start3A_1290] : memref<4x!tpu.dma_semaphore, #tpu.memory_space<semaphore_mem>> -> memref<1x!tpu.dma_semaphore, #tpu.memory_space<semaphore_mem>>
      %dma_start3A_1302 = tpu.memref_squeeze %dma_start3A_1301 : memref<1x!tpu.dma_semaphore, #tpu.memory_space<semaphore_mem>> -> memref<!tpu.dma_semaphore, #tpu.memory_space<semaphore_mem>>
      tpu.enqueue_indirect_dma source(%dma_start3A_1300 : memref<1000x32xf32, #tpu.memory_space<hbm>>) target(%dma_start3A_1294 : memref<128x32xf32, #tpu.memory_space<vmem>>) offsets(%dma_start3A_1297 : memref<128xi32, #tpu.memory_space<vmem>>) semaphore(%dma_start3A_1302 : memref<!tpu.dma_semaphore, #tpu.memory_space<semaphore_mem>>)
      %dma_wait3A_1303 = arith.constant 0 : i32
      %dma_wait3A_1304 = arith.constant 0 : i32
      %dma_wait3A_1305 = arith.constant 0 : i32
      %dma_wait3A_1306 = arith.constant 0 : i32
      %dma_wait3A_1307 = tpu.memref_slice %arg9[%dma_wait3A_1303, %dma_wait3A_1305, %dma_wait3A_1306] : memref<4x256x32xf32, #tpu.memory_space<vmem>> -> memref<1x128x32xf32, #tpu.memory_space<vmem>>
      %dma_wait3A_1308 = tpu.memref_squeeze %dma_wait3A_1307 : memref<1x128x32xf32, #tpu.memory_space<vmem>> -> memref<128x32xf32, #tpu.memory_space<vmem>>
      %dma_wait3A_1309 = arith.constant 0 : i32
      %dma_wait3A_1310 = tpu.memref_slice %arg7[%rem3A_883, %dma_wait3A_1309] : memref<2x1024xi32, #tpu.memory_space<vmem>> -> memref<1x128xi32, #tpu.memory_space<vmem>>
      %dma_wait3A_1311 = tpu.memref_squeeze %dma_wait3A_1310 : memref<1x128xi32, #tpu.memory_space<vmem>> -> memref<128xi32, #tpu.memory_space<vmem>>
      %dma_wait3A_1312 = arith.constant 0 : i32
      %dma_wait3A_1313 = arith.constant 0 : i32
      %dma_wait3A_1314 = tpu.memref_slice %arg4[%dma_wait3A_1312, %dma_wait3A_1313] : memref<100000x32xf32, #tpu.memory_space<hbm>> -> memref<100000x32xf32, #tpu.memory_space<hbm>>
      %dma_wait3A_1315 = tpu.memref_slice %arg12[%dma_wait3A_1304] : memref<4x!tpu.dma_semaphore, #tpu.memory_space<semaphore_mem>> -> memref<1x!tpu.dma_semaphore, #tpu.memory_space<semaphore_mem>>
      %dma_wait3A_1316 = tpu.memref_squeeze %dma_wait3A_1315 : memref<1x!tpu.dma_semaphore, #tpu.memory_space<semaphore_mem>> -> memref<!tpu.dma_semaphore, #tpu.memory_space<semaphore_mem>>
      tpu.wait_indirect_dma semaphore(%dma_wait3A_1316 : memref<!tpu.dma_semaphore, #tpu.memory_space<semaphore_mem>>) src(%dma_wait3A_1314 : memref<100000x32xf32, #tpu.memory_space<hbm>>) dst(%dma_wait3A_1308 : memref<128x32xf32, #tpu.memory_space<vmem>>)
      %dma_wait3A_1317 = arith.constant 0 : i32
      %dma_wait3A_1318 = arith.constant 0 : i32
      %dma_wait3A_1319 = arith.constant 0 : i32
      %dma_wait3A_1320 = arith.constant 0 : i32
      %dma_wait3A_1321 = tpu.memref_slice %arg10[%dma_wait3A_1317, %dma_wait3A_1319, %dma_wait3A_1320] : memref<4x256x32xf32, #tpu.memory_space<vmem>> -> memref<1x128x32xf32, #tpu.memory_space<vmem>>
      %dma_wait3A_1322 = tpu.memref_squeeze %dma_wait3A_1321 : memref<1x128x32xf32, #tpu.memory_space<vmem>> -> memref<128x32xf32, #tpu.memory_space<vmem>>
      %dma_wait3A_1323 = arith.constant 0 : i32
      %dma_wait3A_1324 = tpu.memref_slice %arg8[%rem3A_883, %dma_wait3A_1323] : memref<2x1024xi32, #tpu.memory_space<vmem>> -> memref<1x128xi32, #tpu.memory_space<vmem>>
      %dma_wait3A_1325 = tpu.memref_squeeze %dma_wait3A_1324 : memref<1x128xi32, #tpu.memory_space<vmem>> -> memref<128xi32, #tpu.memory_space<vmem>>
      %dma_wait3A_1326 = arith.constant 0 : i32
      %dma_wait3A_1327 = arith.constant 0 : i32
      %dma_wait3A_1328 = tpu.memref_slice %arg5[%dma_wait3A_1326, %dma_wait3A_1327] : memref<1000x32xf32, #tpu.memory_space<hbm>> -> memref<1000x32xf32, #tpu.memory_space<hbm>>
      %dma_wait3A_1329 = tpu.memref_slice %arg12[%dma_wait3A_1318] : memref<4x!tpu.dma_semaphore, #tpu.memory_space<semaphore_mem>> -> memref<1x!tpu.dma_semaphore, #tpu.memory_space<semaphore_mem>>
      %dma_wait3A_1330 = tpu.memref_squeeze %dma_wait3A_1329 : memref<1x!tpu.dma_semaphore, #tpu.memory_space<semaphore_mem>> -> memref<!tpu.dma_semaphore, #tpu.memory_space<semaphore_mem>>
      tpu.wait_indirect_dma semaphore(%dma_wait3A_1330 : memref<!tpu.dma_semaphore, #tpu.memory_space<semaphore_mem>>) src(%dma_wait3A_1328 : memref<1000x32xf32, #tpu.memory_space<hbm>>) dst(%dma_wait3A_1322 : memref<128x32xf32, #tpu.memory_space<vmem>>)
      %dma_wait3A_1331 = arith.constant 0 : i32
      %dma_wait3A_1332 = arith.constant 0 : i32
      %dma_wait3A_1333 = arith.constant 128 : i32
      %dma_wait3A_1334 = arith.constant 0 : i32
      %dma_wait3A_1335 = tpu.memref_slice %arg9[%dma_wait3A_1331, %dma_wait3A_1333, %dma_wait3A_1334] : memref<4x256x32xf32, #tpu.memory_space<vmem>> -> memref<1x128x32xf32, #tpu.memory_space<vmem>>
      %dma_wait3A_1336 = tpu.memref_squeeze %dma_wait3A_1335 : memref<1x128x32xf32, #tpu.memory_space<vmem>> -> memref<128x32xf32, #tpu.memory_space<vmem>>
      %dma_wait3A_1337 = arith.constant 128 : i32
      %dma_wait3A_1338 = tpu.memref_slice %arg7[%rem3A_883, %dma_wait3A_1337] : memref<2x1024xi32, #tpu.memory_space<vmem>> -> memref<1x128xi32, #tpu.memory_space<vmem>>
      %dma_wait3A_1339 = tpu.memref_squeeze %dma_wait3A_1338 : memref<1x128xi32, #tpu.memory_space<vmem>> -> memref<128xi32, #tpu.memory_space<vmem>>
      %dma_wait3A_1340 = arith.constant 0 : i32
      %dma_wait3A_1341 = arith.constant 0 : i32
      %dma_wait3A_1342 = tpu.memref_slice %arg4[%dma_wait3A_1340, %dma_wait3A_1341] : memref<100000x32xf32, #tpu.memory_space<hbm>> -> memref<100000x32xf32, #tpu.memory_space<hbm>>
      %dma_wait3A_1343 = tpu.memref_slice %arg12[%dma_wait3A_1332] : memref<4x!tpu.dma_semaphore, #tpu.memory_space<semaphore_mem>> -> memref<1x!tpu.dma_semaphore, #tpu.memory_space<semaphore_mem>>
      %dma_wait3A_1344 = tpu.memref_squeeze %dma_wait3A_1343 : memref<1x!tpu.dma_semaphore, #tpu.memory_space<semaphore_mem>> -> memref<!tpu.dma_semaphore, #tpu.memory_space<semaphore_mem>>
      tpu.wait_indirect_dma semaphore(%dma_wait3A_1344 : memref<!tpu.dma_semaphore, #tpu.memory_space<semaphore_mem>>) src(%dma_wait3A_1342 : memref<100000x32xf32, #tpu.memory_space<hbm>>) dst(%dma_wait3A_1336 : memref<128x32xf32, #tpu.memory_space<vmem>>)
      %dma_wait3A_1345 = arith.constant 0 : i32
      %dma_wait3A_1346 = arith.constant 0 : i32
      %dma_wait3A_1347 = arith.constant 128 : i32
      %dma_wait3A_1348 = arith.constant 0 : i32
      %dma_wait3A_1349 = tpu.memref_slice %arg10[%dma_wait3A_1345, %dma_wait3A_1347, %dma_wait3A_1348] : memref<4x256x32xf32, #tpu.memory_space<vmem>> -> memref<1x128x32xf32, #tpu.memory_space<vmem>>
      %dma_wait3A_1350 = tpu.memref_squeeze %dma_wait3A_1349 : memref<1x128x32xf32, #tpu.memory_space<vmem>> -> memref<128x32xf32, #tpu.memory_space<vmem>>
      %dma_wait3A_1351 = arith.constant 128 : i32
      %dma_wait3A_1352 = tpu.memref_slice %arg8[%rem3A_883, %dma_wait3A_1351] : memref<2x1024xi32, #tpu.memory_space<vmem>> -> memref<1x128xi32, #tpu.memory_space<vmem>>
      %dma_wait3A_1353 = tpu.memref_squeeze %dma_wait3A_1352 : memref<1x128xi32, #tpu.memory_space<vmem>> -> memref<128xi32, #tpu.memory_space<vmem>>
      %dma_wait3A_1354 = arith.constant 0 : i32
      %dma_wait3A_1355 = arith.constant 0 : i32
      %dma_wait3A_1356 = tpu.memref_slice %arg5[%dma_wait3A_1354, %dma_wait3A_1355] : memref<1000x32xf32, #tpu.memory_space<hbm>> -> memref<1000x32xf32, #tpu.memory_space<hbm>>
      %dma_wait3A_1357 = tpu.memref_slice %arg12[%dma_wait3A_1346] : memref<4x!tpu.dma_semaphore, #tpu.memory_space<semaphore_mem>> -> memref<1x!tpu.dma_semaphore, #tpu.memory_space<semaphore_mem>>
      %dma_wait3A_1358 = tpu.memref_squeeze %dma_wait3A_1357 : memref<1x!tpu.dma_semaphore, #tpu.memory_space<semaphore_mem>> -> memref<!tpu.dma_semaphore, #tpu.memory_space<semaphore_mem>>
      tpu.wait_indirect_dma semaphore(%dma_wait3A_1358 : memref<!tpu.dma_semaphore, #tpu.memory_space<semaphore_mem>>) src(%dma_wait3A_1356 : memref<1000x32xf32, #tpu.memory_space<hbm>>) dst(%dma_wait3A_1350 : memref<128x32xf32, #tpu.memory_space<vmem>>)
      %mul3A_1359 = arith.constant 1024 : i32
      %mul3A_1360 = arith.muli %scan3A_882, %mul3A_1359 : i32
      %add3A_1361 = arith.addi %mul3A_2, %mul3A_1360 : i32
      %add3A_1362 = arith.constant 0 : i32
      %add3A_1363 = arith.addi %add3A_1361, %add3A_1362 : i32
      %dma_start3A_1364 = arith.constant 0 : i32
      %dma_start3A_1365 = arith.constant 0 : i32
      %dma_start3A_1366 = arith.constant 0 : i32
      %dma_start3A_1367 = arith.constant 0 : i32
      %dma_start3A_1368 = tpu.memref_slice %arg9[%dma_start3A_1364, %dma_start3A_1366, %dma_start3A_1367] : memref<4x256x32xf32, #tpu.memory_space<vmem>> -> memref<1x256x32xf32, #tpu.memory_space<vmem>>
      %dma_start3A_1369 = tpu.memref_squeeze %dma_start3A_1368 : memref<1x256x32xf32, #tpu.memory_space<vmem>> -> memref<256x32xf32, #tpu.memory_space<vmem>>
      %dma_start3A_1370 = arith.constant 0 : i32
      %dma_start3A_1371 = tpu.memref_slice %arg6[%add3A_1363, %dma_start3A_1370] : memref<3276800x64xf32, #tpu.memory_space<hbm>> -> memref<256x32xf32, #tpu.memory_space<hbm>>
      %dma_start3A_1372 = tpu.memref_slice %arg13[%dma_start3A_1365] : memref<4x!tpu.dma_semaphore, #tpu.memory_space<semaphore_mem>> -> memref<1x!tpu.dma_semaphore, #tpu.memory_space<semaphore_mem>>
      %dma_start3A_1373 = tpu.memref_squeeze %dma_start3A_1372 : memref<1x!tpu.dma_semaphore, #tpu.memory_space<semaphore_mem>> -> memref<!tpu.dma_semaphore, #tpu.memory_space<semaphore_mem>>
      %dma_start3A_1374 = arith.constant 0 : i32
      %dma_start3A_1375 = tpu.memref_slice %arg6[%add3A_1363, %dma_start3A_1374] : memref<3276800x64xf32, #tpu.memory_space<hbm>> -> memref<256x32xf32, #tpu.memory_space<hbm>>
      %dma_start3A_1376 = arith.constant 0 : i32
      %dma_start3A_1377 = arith.constant 0 : i32
      %dma_start3A_1378 = tpu.memref_slice %arg9[%dma_start3A_1364, %dma_start3A_1376, %dma_start3A_1377] : memref<4x256x32xf32, #tpu.memory_space<vmem>> -> memref<1x256x32xf32, #tpu.memory_space<vmem>>
      %dma_start3A_1379 = tpu.memref_squeeze %dma_start3A_1378 : memref<1x256x32xf32, #tpu.memory_space<vmem>> -> memref<256x32xf32, #tpu.memory_space<vmem>>
      tpu.enqueue_dma source(%dma_start3A_1379 : memref<256x32xf32, #tpu.memory_space<vmem>>) target(%dma_start3A_1375 : memref<256x32xf32, #tpu.memory_space<hbm>>) target_semaphore(%dma_start3A_1373 : memref<!tpu.dma_semaphore, #tpu.memory_space<semaphore_mem>>)
      %dma_start3A_1380 = arith.constant 0 : i32
      %dma_start3A_1381 = arith.constant 0 : i32
      %dma_start3A_1382 = arith.constant 0 : i32
      %dma_start3A_1383 = arith.constant 0 : i32
      %dma_start3A_1384 = tpu.memref_slice %arg10[%dma_start3A_1380, %dma_start3A_1382, %dma_start3A_1383] : memref<4x256x32xf32, #tpu.memory_space<vmem>> -> memref<1x256x32xf32, #tpu.memory_space<vmem>>
      %dma_start3A_1385 = tpu.memref_squeeze %dma_start3A_1384 : memref<1x256x32xf32, #tpu.memory_space<vmem>> -> memref<256x32xf32, #tpu.memory_space<vmem>>
      %dma_start3A_1386 = arith.constant 32 : i32
      %dma_start3A_1387 = tpu.memref_slice %arg6[%add3A_1363, %dma_start3A_1386] : memref<3276800x64xf32, #tpu.memory_space<hbm>> -> memref<256x32xf32, #tpu.memory_space<hbm>>
      %dma_start3A_1388 = tpu.memref_slice %arg13[%dma_start3A_1381] : memref<4x!tpu.dma_semaphore, #tpu.memory_space<semaphore_mem>> -> memref<1x!tpu.dma_semaphore, #tpu.memory_space<semaphore_mem>>
      %dma_start3A_1389 = tpu.memref_squeeze %dma_start3A_1388 : memref<1x!tpu.dma_semaphore, #tpu.memory_space<semaphore_mem>> -> memref<!tpu.dma_semaphore, #tpu.memory_space<semaphore_mem>>
      %dma_start3A_1390 = arith.constant 32 : i32
      %dma_start3A_1391 = tpu.memref_slice %arg6[%add3A_1363, %dma_start3A_1390] : memref<3276800x64xf32, #tpu.memory_space<hbm>> -> memref<256x32xf32, #tpu.memory_space<hbm>>
      %dma_start3A_1392 = arith.constant 0 : i32
      %dma_start3A_1393 = arith.constant 0 : i32
      %dma_start3A_1394 = tpu.memref_slice %arg10[%dma_start3A_1380, %dma_start3A_1392, %dma_start3A_1393] : memref<4x256x32xf32, #tpu.memory_space<vmem>> -> memref<1x256x32xf32, #tpu.memory_space<vmem>>
      %dma_start3A_1395 = tpu.memref_squeeze %dma_start3A_1394 : memref<1x256x32xf32, #tpu.memory_space<vmem>> -> memref<256x32xf32, #tpu.memory_space<vmem>>
      tpu.enqueue_dma source(%dma_start3A_1395 : memref<256x32xf32, #tpu.memory_space<vmem>>) target(%dma_start3A_1391 : memref<256x32xf32, #tpu.memory_space<hbm>>) target_semaphore(%dma_start3A_1389 : memref<!tpu.dma_semaphore, #tpu.memory_space<semaphore_mem>>)
      %dma_wait3A_1396 = arith.constant 1 : i32
      %dma_wait3A_1397 = arith.constant 1 : i32
      %dma_wait3A_1398 = arith.constant 0 : i32
      %dma_wait3A_1399 = arith.constant 0 : i32
      %dma_wait3A_1400 = tpu.memref_slice %arg9[%dma_wait3A_1396, %dma_wait3A_1398, %dma_wait3A_1399] : memref<4x256x32xf32, #tpu.memory_space<vmem>> -> memref<1x128x32xf32, #tpu.memory_space<vmem>>
      %dma_wait3A_1401 = tpu.memref_squeeze %dma_wait3A_1400 : memref<1x128x32xf32, #tpu.memory_space<vmem>> -> memref<128x32xf32, #tpu.memory_space<vmem>>
      %dma_wait3A_1402 = arith.constant 256 : i32
      %dma_wait3A_1403 = tpu.memref_slice %arg7[%rem3A_883, %dma_wait3A_1402] : memref<2x1024xi32, #tpu.memory_space<vmem>> -> memref<1x128xi32, #tpu.memory_space<vmem>>
      %dma_wait3A_1404 = tpu.memref_squeeze %dma_wait3A_1403 : memref<1x128xi32, #tpu.memory_space<vmem>> -> memref<128xi32, #tpu.memory_space<vmem>>
      %dma_wait3A_1405 = arith.constant 0 : i32
      %dma_wait3A_1406 = arith.constant 0 : i32
      %dma_wait3A_1407 = tpu.memref_slice %arg4[%dma_wait3A_1405, %dma_wait3A_1406] : memref<100000x32xf32, #tpu.memory_space<hbm>> -> memref<100000x32xf32, #tpu.memory_space<hbm>>
      %dma_wait3A_1408 = tpu.memref_slice %arg12[%dma_wait3A_1397] : memref<4x!tpu.dma_semaphore, #tpu.memory_space<semaphore_mem>> -> memref<1x!tpu.dma_semaphore, #tpu.memory_space<semaphore_mem>>
      %dma_wait3A_1409 = tpu.memref_squeeze %dma_wait3A_1408 : memref<1x!tpu.dma_semaphore, #tpu.memory_space<semaphore_mem>> -> memref<!tpu.dma_semaphore, #tpu.memory_space<semaphore_mem>>
      tpu.wait_indirect_dma semaphore(%dma_wait3A_1409 : memref<!tpu.dma_semaphore, #tpu.memory_space<semaphore_mem>>) src(%dma_wait3A_1407 : memref<100000x32xf32, #tpu.memory_space<hbm>>) dst(%dma_wait3A_1401 : memref<128x32xf32, #tpu.memory_space<vmem>>)
      %dma_wait3A_1410 = arith.constant 1 : i32
      %dma_wait3A_1411 = arith.constant 1 : i32
      %dma_wait3A_1412 = arith.constant 0 : i32
      %dma_wait3A_1413 = arith.constant 0 : i32
      %dma_wait3A_1414 = tpu.memref_slice %arg10[%dma_wait3A_1410, %dma_wait3A_1412, %dma_wait3A_1413] : memref<4x256x32xf32, #tpu.memory_space<vmem>> -> memref<1x128x32xf32, #tpu.memory_space<vmem>>
      %dma_wait3A_1415 = tpu.memref_squeeze %dma_wait3A_1414 : memref<1x128x32xf32, #tpu.memory_space<vmem>> -> memref<128x32xf32, #tpu.memory_space<vmem>>
      %dma_wait3A_1416 = arith.constant 256 : i32
      %dma_wait3A_1417 = tpu.memref_slice %arg8[%rem3A_883, %dma_wait3A_1416] : memref<2x1024xi32, #tpu.memory_space<vmem>> -> memref<1x128xi32, #tpu.memory_space<vmem>>
      %dma_wait3A_1418 = tpu.memref_squeeze %dma_wait3A_1417 : memref<1x128xi32, #tpu.memory_space<vmem>> -> memref<128xi32, #tpu.memory_space<vmem>>
      %dma_wait3A_1419 = arith.constant 0 : i32
      %dma_wait3A_1420 = arith.constant 0 : i32
      %dma_wait3A_1421 = tpu.memref_slice %arg5[%dma_wait3A_1419, %dma_wait3A_1420] : memref<1000x32xf32, #tpu.memory_space<hbm>> -> memref<1000x32xf32, #tpu.memory_space<hbm>>
      %dma_wait3A_1422 = tpu.memref_slice %arg12[%dma_wait3A_1411] : memref<4x!tpu.dma_semaphore, #tpu.memory_space<semaphore_mem>> -> memref<1x!tpu.dma_semaphore, #tpu.memory_space<semaphore_mem>>
      %dma_wait3A_1423 = tpu.memref_squeeze %dma_wait3A_1422 : memref<1x!tpu.dma_semaphore, #tpu.memory_space<semaphore_mem>> -> memref<!tpu.dma_semaphore, #tpu.memory_space<semaphore_mem>>
      tpu.wait_indirect_dma semaphore(%dma_wait3A_1423 : memref<!tpu.dma_semaphore, #tpu.memory_space<semaphore_mem>>) src(%dma_wait3A_1421 : memref<1000x32xf32, #tpu.memory_space<hbm>>) dst(%dma_wait3A_1415 : memref<128x32xf32, #tpu.memory_space<vmem>>)
      %dma_wait3A_1424 = arith.constant 1 : i32
      %dma_wait3A_1425 = arith.constant 1 : i32
      %dma_wait3A_1426 = arith.constant 128 : i32
      %dma_wait3A_1427 = arith.constant 0 : i32
      %dma_wait3A_1428 = tpu.memref_slice %arg9[%dma_wait3A_1424, %dma_wait3A_1426, %dma_wait3A_1427] : memref<4x256x32xf32, #tpu.memory_space<vmem>> -> memref<1x128x32xf32, #tpu.memory_space<vmem>>
      %dma_wait3A_1429 = tpu.memref_squeeze %dma_wait3A_1428 : memref<1x128x32xf32, #tpu.memory_space<vmem>> -> memref<128x32xf32, #tpu.memory_space<vmem>>
      %dma_wait3A_1430 = arith.constant 384 : i32
      %dma_wait3A_1431 = tpu.memref_slice %arg7[%rem3A_883, %dma_wait3A_1430] : memref<2x1024xi32, #tpu.memory_space<vmem>> -> memref<1x128xi32, #tpu.memory_space<vmem>>
      %dma_wait3A_1432 = tpu.memref_squeeze %dma_wait3A_1431 : memref<1x128xi32, #tpu.memory_space<vmem>> -> memref<128xi32, #tpu.memory_space<vmem>>
      %dma_wait3A_1433 = arith.constant 0 : i32
      %dma_wait3A_1434 = arith.constant 0 : i32
      %dma_wait3A_1435 = tpu.memref_slice %arg4[%dma_wait3A_1433, %dma_wait3A_1434] : memref<100000x32xf32, #tpu.memory_space<hbm>> -> memref<100000x32xf32, #tpu.memory_space<hbm>>
      %dma_wait3A_1436 = tpu.memref_slice %arg12[%dma_wait3A_1425] : memref<4x!tpu.dma_semaphore, #tpu.memory_space<semaphore_mem>> -> memref<1x!tpu.dma_semaphore, #tpu.memory_space<semaphore_mem>>
      %dma_wait3A_1437 = tpu.memref_squeeze %dma_wait3A_1436 : memref<1x!tpu.dma_semaphore, #tpu.memory_space<semaphore_mem>> -> memref<!tpu.dma_semaphore, #tpu.memory_space<semaphore_mem>>
      tpu.wait_indirect_dma semaphore(%dma_wait3A_1437 : memref<!tpu.dma_semaphore, #tpu.memory_space<semaphore_mem>>) src(%dma_wait3A_1435 : memref<100000x32xf32, #tpu.memory_space<hbm>>) dst(%dma_wait3A_1429 : memref<128x32xf32, #tpu.memory_space<vmem>>)
      %dma_wait3A_1438 = arith.constant 1 : i32
      %dma_wait3A_1439 = arith.constant 1 : i32
      %dma_wait3A_1440 = arith.constant 128 : i32
      %dma_wait3A_1441 = arith.constant 0 : i32
      %dma_wait3A_1442 = tpu.memref_slice %arg10[%dma_wait3A_1438, %dma_wait3A_1440, %dma_wait3A_1441] : memref<4x256x32xf32, #tpu.memory_space<vmem>> -> memref<1x128x32xf32, #tpu.memory_space<vmem>>
      %dma_wait3A_1443 = tpu.memref_squeeze %dma_wait3A_1442 : memref<1x128x32xf32, #tpu.memory_space<vmem>> -> memref<128x32xf32, #tpu.memory_space<vmem>>
      %dma_wait3A_1444 = arith.constant 384 : i32
      %dma_wait3A_1445 = tpu.memref_slice %arg8[%rem3A_883, %dma_wait3A_1444] : memref<2x1024xi32, #tpu.memory_space<vmem>> -> memref<1x128xi32, #tpu.memory_space<vmem>>
      %dma_wait3A_1446 = tpu.memref_squeeze %dma_wait3A_1445 : memref<1x128xi32, #tpu.memory_space<vmem>> -> memref<128xi32, #tpu.memory_space<vmem>>
      %dma_wait3A_1447 = arith.constant 0 : i32
      %dma_wait3A_1448 = arith.constant 0 : i32
      %dma_wait3A_1449 = tpu.memref_slice %arg5[%dma_wait3A_1447, %dma_wait3A_1448] : memref<1000x32xf32, #tpu.memory_space<hbm>> -> memref<1000x32xf32, #tpu.memory_space<hbm>>
      %dma_wait3A_1450 = tpu.memref_slice %arg12[%dma_wait3A_1439] : memref<4x!tpu.dma_semaphore, #tpu.memory_space<semaphore_mem>> -> memref<1x!tpu.dma_semaphore, #tpu.memory_space<semaphore_mem>>
      %dma_wait3A_1451 = tpu.memref_squeeze %dma_wait3A_1450 : memref<1x!tpu.dma_semaphore, #tpu.memory_space<semaphore_mem>> -> memref<!tpu.dma_semaphore, #tpu.memory_space<semaphore_mem>>
      tpu.wait_indirect_dma semaphore(%dma_wait3A_1451 : memref<!tpu.dma_semaphore, #tpu.memory_space<semaphore_mem>>) src(%dma_wait3A_1449 : memref<1000x32xf32, #tpu.memory_space<hbm>>) dst(%dma_wait3A_1443 : memref<128x32xf32, #tpu.memory_space<vmem>>)
      %mul3A_1452 = arith.constant 1024 : i32
      %mul3A_1453 = arith.muli %scan3A_882, %mul3A_1452 : i32
      %add3A_1454 = arith.addi %mul3A_2, %mul3A_1453 : i32
      %add3A_1455 = arith.constant 256 : i32
      %add3A_1456 = arith.addi %add3A_1454, %add3A_1455 : i32
      %dma_start3A_1457 = arith.constant 1 : i32
      %dma_start3A_1458 = arith.constant 1 : i32
      %dma_start3A_1459 = arith.constant 0 : i32
      %dma_start3A_1460 = arith.constant 0 : i32
      %dma_start3A_1461 = tpu.memref_slice %arg9[%dma_start3A_1457, %dma_start3A_1459, %dma_start3A_1460] : memref<4x256x32xf32, #tpu.memory_space<vmem>> -> memref<1x256x32xf32, #tpu.memory_space<vmem>>
      %dma_start3A_1462 = tpu.memref_squeeze %dma_start3A_1461 : memref<1x256x32xf32, #tpu.memory_space<vmem>> -> memref<256x32xf32, #tpu.memory_space<vmem>>
      %dma_start3A_1463 = arith.constant 0 : i32
      %dma_start3A_1464 = tpu.memref_slice %arg6[%add3A_1456, %dma_start3A_1463] : memref<3276800x64xf32, #tpu.memory_space<hbm>> -> memref<256x32xf32, #tpu.memory_space<hbm>>
      %dma_start3A_1465 = tpu.memref_slice %arg13[%dma_start3A_1458] : memref<4x!tpu.dma_semaphore, #tpu.memory_space<semaphore_mem>> -> memref<1x!tpu.dma_semaphore, #tpu.memory_space<semaphore_mem>>
      %dma_start3A_1466 = tpu.memref_squeeze %dma_start3A_1465 : memref<1x!tpu.dma_semaphore, #tpu.memory_space<semaphore_mem>> -> memref<!tpu.dma_semaphore, #tpu.memory_space<semaphore_mem>>
      %dma_start3A_1467 = arith.constant 0 : i32
      %dma_start3A_1468 = tpu.memref_slice %arg6[%add3A_1456, %dma_start3A_1467] : memref<3276800x64xf32, #tpu.memory_space<hbm>> -> memref<256x32xf32, #tpu.memory_space<hbm>>
      %dma_start3A_1469 = arith.constant 0 : i32
      %dma_start3A_1470 = arith.constant 0 : i32
      %dma_start3A_1471 = tpu.memref_slice %arg9[%dma_start3A_1457, %dma_start3A_1469, %dma_start3A_1470] : memref<4x256x32xf32, #tpu.memory_space<vmem>> -> memref<1x256x32xf32, #tpu.memory_space<vmem>>
      %dma_start3A_1472 = tpu.memref_squeeze %dma_start3A_1471 : memref<1x256x32xf32, #tpu.memory_space<vmem>> -> memref<256x32xf32, #tpu.memory_space<vmem>>
      tpu.enqueue_dma source(%dma_start3A_1472 : memref<256x32xf32, #tpu.memory_space<vmem>>) target(%dma_start3A_1468 : memref<256x32xf32, #tpu.memory_space<hbm>>) target_semaphore(%dma_start3A_1466 : memref<!tpu.dma_semaphore, #tpu.memory_space<semaphore_mem>>)
      %dma_start3A_1473 = arith.constant 1 : i32
      %dma_start3A_1474 = arith.constant 1 : i32
      %dma_start3A_1475 = arith.constant 0 : i32
      %dma_start3A_1476 = arith.constant 0 : i32
      %dma_start3A_1477 = tpu.memref_slice %arg10[%dma_start3A_1473, %dma_start3A_1475, %dma_start3A_1476] : memref<4x256x32xf32, #tpu.memory_space<vmem>> -> memref<1x256x32xf32, #tpu.memory_space<vmem>>
      %dma_start3A_1478 = tpu.memref_squeeze %dma_start3A_1477 : memref<1x256x32xf32, #tpu.memory_space<vmem>> -> memref<256x32xf32, #tpu.memory_space<vmem>>
      %dma_start3A_1479 = arith.constant 32 : i32
      %dma_start3A_1480 = tpu.memref_slice %arg6[%add3A_1456, %dma_start3A_1479] : memref<3276800x64xf32, #tpu.memory_space<hbm>> -> memref<256x32xf32, #tpu.memory_space<hbm>>
      %dma_start3A_1481 = tpu.memref_slice %arg13[%dma_start3A_1474] : memref<4x!tpu.dma_semaphore, #tpu.memory_space<semaphore_mem>> -> memref<1x!tpu.dma_semaphore, #tpu.memory_space<semaphore_mem>>
      %dma_start3A_1482 = tpu.memref_squeeze %dma_start3A_1481 : memref<1x!tpu.dma_semaphore, #tpu.memory_space<semaphore_mem>> -> memref<!tpu.dma_semaphore, #tpu.memory_space<semaphore_mem>>
      %dma_start3A_1483 = arith.constant 32 : i32
      %dma_start3A_1484 = tpu.memref_slice %arg6[%add3A_1456, %dma_start3A_1483] : memref<3276800x64xf32, #tpu.memory_space<hbm>> -> memref<256x32xf32, #tpu.memory_space<hbm>>
      %dma_start3A_1485 = arith.constant 0 : i32
      %dma_start3A_1486 = arith.constant 0 : i32
      %dma_start3A_1487 = tpu.memref_slice %arg10[%dma_start3A_1473, %dma_start3A_1485, %dma_start3A_1486] : memref<4x256x32xf32, #tpu.memory_space<vmem>> -> memref<1x256x32xf32, #tpu.memory_space<vmem>>
      %dma_start3A_1488 = tpu.memref_squeeze %dma_start3A_1487 : memref<1x256x32xf32, #tpu.memory_space<vmem>> -> memref<256x32xf32, #tpu.memory_space<vmem>>
      tpu.enqueue_dma source(%dma_start3A_1488 : memref<256x32xf32, #tpu.memory_space<vmem>>) target(%dma_start3A_1484 : memref<256x32xf32, #tpu.memory_space<hbm>>) target_semaphore(%dma_start3A_1482 : memref<!tpu.dma_semaphore, #tpu.memory_space<semaphore_mem>>)
      %dma_wait3A_1489 = arith.constant 2 : i32
      %dma_wait3A_1490 = arith.constant 2 : i32
      %dma_wait3A_1491 = arith.constant 0 : i32
      %dma_wait3A_1492 = arith.constant 0 : i32
      %dma_wait3A_1493 = tpu.memref_slice %arg9[%dma_wait3A_1489, %dma_wait3A_1491, %dma_wait3A_1492] : memref<4x256x32xf32, #tpu.memory_space<vmem>> -> memref<1x128x32xf32, #tpu.memory_space<vmem>>
      %dma_wait3A_1494 = tpu.memref_squeeze %dma_wait3A_1493 : memref<1x128x32xf32, #tpu.memory_space<vmem>> -> memref<128x32xf32, #tpu.memory_space<vmem>>
      %dma_wait3A_1495 = arith.constant 512 : i32
      %dma_wait3A_1496 = tpu.memref_slice %arg7[%rem3A_883, %dma_wait3A_1495] : memref<2x1024xi32, #tpu.memory_space<vmem>> -> memref<1x128xi32, #tpu.memory_space<vmem>>
      %dma_wait3A_1497 = tpu.memref_squeeze %dma_wait3A_1496 : memref<1x128xi32, #tpu.memory_space<vmem>> -> memref<128xi32, #tpu.memory_space<vmem>>
      %dma_wait3A_1498 = arith.constant 0 : i32
      %dma_wait3A_1499 = arith.constant 0 : i32
      %dma_wait3A_1500 = tpu.memref_slice %arg4[%dma_wait3A_1498, %dma_wait3A_1499] : memref<100000x32xf32, #tpu.memory_space<hbm>> -> memref<100000x32xf32, #tpu.memory_space<hbm>>
      %dma_wait3A_1501 = tpu.memref_slice %arg12[%dma_wait3A_1490] : memref<4x!tpu.dma_semaphore, #tpu.memory_space<semaphore_mem>> -> memref<1x!tpu.dma_semaphore, #tpu.memory_space<semaphore_mem>>
      %dma_wait3A_1502 = tpu.memref_squeeze %dma_wait3A_1501 : memref<1x!tpu.dma_semaphore, #tpu.memory_space<semaphore_mem>> -> memref<!tpu.dma_semaphore, #tpu.memory_space<semaphore_mem>>
      tpu.wait_indirect_dma semaphore(%dma_wait3A_1502 : memref<!tpu.dma_semaphore, #tpu.memory_space<semaphore_mem>>) src(%dma_wait3A_1500 : memref<100000x32xf32, #tpu.memory_space<hbm>>) dst(%dma_wait3A_1494 : memref<128x32xf32, #tpu.memory_space<vmem>>)
      %dma_wait3A_1503 = arith.constant 2 : i32
      %dma_wait3A_1504 = arith.constant 2 : i32
      %dma_wait3A_1505 = arith.constant 0 : i32
      %dma_wait3A_1506 = arith.constant 0 : i32
      %dma_wait3A_1507 = tpu.memref_slice %arg10[%dma_wait3A_1503, %dma_wait3A_1505, %dma_wait3A_1506] : memref<4x256x32xf32, #tpu.memory_space<vmem>> -> memref<1x128x32xf32, #tpu.memory_space<vmem>>
      %dma_wait3A_1508 = tpu.memref_squeeze %dma_wait3A_1507 : memref<1x128x32xf32, #tpu.memory_space<vmem>> -> memref<128x32xf32, #tpu.memory_space<vmem>>
      %dma_wait3A_1509 = arith.constant 512 : i32
      %dma_wait3A_1510 = tpu.memref_slice %arg8[%rem3A_883, %dma_wait3A_1509] : memref<2x1024xi32, #tpu.memory_space<vmem>> -> memref<1x128xi32, #tpu.memory_space<vmem>>
      %dma_wait3A_1511 = tpu.memref_squeeze %dma_wait3A_1510 : memref<1x128xi32, #tpu.memory_space<vmem>> -> memref<128xi32, #tpu.memory_space<vmem>>
      %dma_wait3A_1512 = arith.constant 0 : i32
      %dma_wait3A_1513 = arith.constant 0 : i32
      %dma_wait3A_1514 = tpu.memref_slice %arg5[%dma_wait3A_1512, %dma_wait3A_1513] : memref<1000x32xf32, #tpu.memory_space<hbm>> -> memref<1000x32xf32, #tpu.memory_space<hbm>>
      %dma_wait3A_1515 = tpu.memref_slice %arg12[%dma_wait3A_1504] : memref<4x!tpu.dma_semaphore, #tpu.memory_space<semaphore_mem>> -> memref<1x!tpu.dma_semaphore, #tpu.memory_space<semaphore_mem>>
      %dma_wait3A_1516 = tpu.memref_squeeze %dma_wait3A_1515 : memref<1x!tpu.dma_semaphore, #tpu.memory_space<semaphore_mem>> -> memref<!tpu.dma_semaphore, #tpu.memory_space<semaphore_mem>>
      tpu.wait_indirect_dma semaphore(%dma_wait3A_1516 : memref<!tpu.dma_semaphore, #tpu.memory_space<semaphore_mem>>) src(%dma_wait3A_1514 : memref<1000x32xf32, #tpu.memory_space<hbm>>) dst(%dma_wait3A_1508 : memref<128x32xf32, #tpu.memory_space<vmem>>)
      %dma_wait3A_1517 = arith.constant 2 : i32
      %dma_wait3A_1518 = arith.constant 2 : i32
      %dma_wait3A_1519 = arith.constant 128 : i32
      %dma_wait3A_1520 = arith.constant 0 : i32
      %dma_wait3A_1521 = tpu.memref_slice %arg9[%dma_wait3A_1517, %dma_wait3A_1519, %dma_wait3A_1520] : memref<4x256x32xf32, #tpu.memory_space<vmem>> -> memref<1x128x32xf32, #tpu.memory_space<vmem>>
      %dma_wait3A_1522 = tpu.memref_squeeze %dma_wait3A_1521 : memref<1x128x32xf32, #tpu.memory_space<vmem>> -> memref<128x32xf32, #tpu.memory_space<vmem>>
      %dma_wait3A_1523 = arith.constant 640 : i32
      %dma_wait3A_1524 = tpu.memref_slice %arg7[%rem3A_883, %dma_wait3A_1523] : memref<2x1024xi32, #tpu.memory_space<vmem>> -> memref<1x128xi32, #tpu.memory_space<vmem>>
      %dma_wait3A_1525 = tpu.memref_squeeze %dma_wait3A_1524 : memref<1x128xi32, #tpu.memory_space<vmem>> -> memref<128xi32, #tpu.memory_space<vmem>>
      %dma_wait3A_1526 = arith.constant 0 : i32
      %dma_wait3A_1527 = arith.constant 0 : i32
      %dma_wait3A_1528 = tpu.memref_slice %arg4[%dma_wait3A_1526, %dma_wait3A_1527] : memref<100000x32xf32, #tpu.memory_space<hbm>> -> memref<100000x32xf32, #tpu.memory_space<hbm>>
      %dma_wait3A_1529 = tpu.memref_slice %arg12[%dma_wait3A_1518] : memref<4x!tpu.dma_semaphore, #tpu.memory_space<semaphore_mem>> -> memref<1x!tpu.dma_semaphore, #tpu.memory_space<semaphore_mem>>
      %dma_wait3A_1530 = tpu.memref_squeeze %dma_wait3A_1529 : memref<1x!tpu.dma_semaphore, #tpu.memory_space<semaphore_mem>> -> memref<!tpu.dma_semaphore, #tpu.memory_space<semaphore_mem>>
      tpu.wait_indirect_dma semaphore(%dma_wait3A_1530 : memref<!tpu.dma_semaphore, #tpu.memory_space<semaphore_mem>>) src(%dma_wait3A_1528 : memref<100000x32xf32, #tpu.memory_space<hbm>>) dst(%dma_wait3A_1522 : memref<128x32xf32, #tpu.memory_space<vmem>>)
      %dma_wait3A_1531 = arith.constant 2 : i32
      %dma_wait3A_1532 = arith.constant 2 : i32
      %dma_wait3A_1533 = arith.constant 128 : i32
      %dma_wait3A_1534 = arith.constant 0 : i32
      %dma_wait3A_1535 = tpu.memref_slice %arg10[%dma_wait3A_1531, %dma_wait3A_1533, %dma_wait3A_1534] : memref<4x256x32xf32, #tpu.memory_space<vmem>> -> memref<1x128x32xf32, #tpu.memory_space<vmem>>
      %dma_wait3A_1536 = tpu.memref_squeeze %dma_wait3A_1535 : memref<1x128x32xf32, #tpu.memory_space<vmem>> -> memref<128x32xf32, #tpu.memory_space<vmem>>
      %dma_wait3A_1537 = arith.constant 640 : i32
      %dma_wait3A_1538 = tpu.memref_slice %arg8[%rem3A_883, %dma_wait3A_1537] : memref<2x1024xi32, #tpu.memory_space<vmem>> -> memref<1x128xi32, #tpu.memory_space<vmem>>
      %dma_wait3A_1539 = tpu.memref_squeeze %dma_wait3A_1538 : memref<1x128xi32, #tpu.memory_space<vmem>> -> memref<128xi32, #tpu.memory_space<vmem>>
      %dma_wait3A_1540 = arith.constant 0 : i32
      %dma_wait3A_1541 = arith.constant 0 : i32
      %dma_wait3A_1542 = tpu.memref_slice %arg5[%dma_wait3A_1540, %dma_wait3A_1541] : memref<1000x32xf32, #tpu.memory_space<hbm>> -> memref<1000x32xf32, #tpu.memory_space<hbm>>
      %dma_wait3A_1543 = tpu.memref_slice %arg12[%dma_wait3A_1532] : memref<4x!tpu.dma_semaphore, #tpu.memory_space<semaphore_mem>> -> memref<1x!tpu.dma_semaphore, #tpu.memory_space<semaphore_mem>>
      %dma_wait3A_1544 = tpu.memref_squeeze %dma_wait3A_1543 : memref<1x!tpu.dma_semaphore, #tpu.memory_space<semaphore_mem>> -> memref<!tpu.dma_semaphore, #tpu.memory_space<semaphore_mem>>
      tpu.wait_indirect_dma semaphore(%dma_wait3A_1544 : memref<!tpu.dma_semaphore, #tpu.memory_space<semaphore_mem>>) src(%dma_wait3A_1542 : memref<1000x32xf32, #tpu.memory_space<hbm>>) dst(%dma_wait3A_1536 : memref<128x32xf32, #tpu.memory_space<vmem>>)
      %mul3A_1545 = arith.constant 1024 : i32
      %mul3A_1546 = arith.muli %scan3A_882, %mul3A_1545 : i32
      %add3A_1547 = arith.addi %mul3A_2, %mul3A_1546 : i32
      %add3A_1548 = arith.constant 512 : i32
      %add3A_1549 = arith.addi %add3A_1547, %add3A_1548 : i32
      %dma_start3A_1550 = arith.constant 2 : i32
      %dma_start3A_1551 = arith.constant 2 : i32
      %dma_start3A_1552 = arith.constant 0 : i32
      %dma_start3A_1553 = arith.constant 0 : i32
      %dma_start3A_1554 = tpu.memref_slice %arg9[%dma_start3A_1550, %dma_start3A_1552, %dma_start3A_1553] : memref<4x256x32xf32, #tpu.memory_space<vmem>> -> memref<1x256x32xf32, #tpu.memory_space<vmem>>
      %dma_start3A_1555 = tpu.memref_squeeze %dma_start3A_1554 : memref<1x256x32xf32, #tpu.memory_space<vmem>> -> memref<256x32xf32, #tpu.memory_space<vmem>>
      %dma_start3A_1556 = arith.constant 0 : i32
      %dma_start3A_1557 = tpu.memref_slice %arg6[%add3A_1549, %dma_start3A_1556] : memref<3276800x64xf32, #tpu.memory_space<hbm>> -> memref<256x32xf32, #tpu.memory_space<hbm>>
      %dma_start3A_1558 = tpu.memref_slice %arg13[%dma_start3A_1551] : memref<4x!tpu.dma_semaphore, #tpu.memory_space<semaphore_mem>> -> memref<1x!tpu.dma_semaphore, #tpu.memory_space<semaphore_mem>>
      %dma_start3A_1559 = tpu.memref_squeeze %dma_start3A_1558 : memref<1x!tpu.dma_semaphore, #tpu.memory_space<semaphore_mem>> -> memref<!tpu.dma_semaphore, #tpu.memory_space<semaphore_mem>>
      %dma_start3A_1560 = arith.constant 0 : i32
      %dma_start3A_1561 = tpu.memref_slice %arg6[%add3A_1549, %dma_start3A_1560] : memref<3276800x64xf32, #tpu.memory_space<hbm>> -> memref<256x32xf32, #tpu.memory_space<hbm>>
      %dma_start3A_1562 = arith.constant 0 : i32
      %dma_start3A_1563 = arith.constant 0 : i32
      %dma_start3A_1564 = tpu.memref_slice %arg9[%dma_start3A_1550, %dma_start3A_1562, %dma_start3A_1563] : memref<4x256x32xf32, #tpu.memory_space<vmem>> -> memref<1x256x32xf32, #tpu.memory_space<vmem>>
      %dma_start3A_1565 = tpu.memref_squeeze %dma_start3A_1564 : memref<1x256x32xf32, #tpu.memory_space<vmem>> -> memref<256x32xf32, #tpu.memory_space<vmem>>
      tpu.enqueue_dma source(%dma_start3A_1565 : memref<256x32xf32, #tpu.memory_space<vmem>>) target(%dma_start3A_1561 : memref<256x32xf32, #tpu.memory_space<hbm>>) target_semaphore(%dma_start3A_1559 : memref<!tpu.dma_semaphore, #tpu.memory_space<semaphore_mem>>)
      %dma_start3A_1566 = arith.constant 2 : i32
      %dma_start3A_1567 = arith.constant 2 : i32
      %dma_start3A_1568 = arith.constant 0 : i32
      %dma_start3A_1569 = arith.constant 0 : i32
      %dma_start3A_1570 = tpu.memref_slice %arg10[%dma_start3A_1566, %dma_start3A_1568, %dma_start3A_1569] : memref<4x256x32xf32, #tpu.memory_space<vmem>> -> memref<1x256x32xf32, #tpu.memory_space<vmem>>
      %dma_start3A_1571 = tpu.memref_squeeze %dma_start3A_1570 : memref<1x256x32xf32, #tpu.memory_space<vmem>> -> memref<256x32xf32, #tpu.memory_space<vmem>>
      %dma_start3A_1572 = arith.constant 32 : i32
      %dma_start3A_1573 = tpu.memref_slice %arg6[%add3A_1549, %dma_start3A_1572] : memref<3276800x64xf32, #tpu.memory_space<hbm>> -> memref<256x32xf32, #tpu.memory_space<hbm>>
      %dma_start3A_1574 = tpu.memref_slice %arg13[%dma_start3A_1567] : memref<4x!tpu.dma_semaphore, #tpu.memory_space<semaphore_mem>> -> memref<1x!tpu.dma_semaphore, #tpu.memory_space<semaphore_mem>>
      %dma_start3A_1575 = tpu.memref_squeeze %dma_start3A_1574 : memref<1x!tpu.dma_semaphore, #tpu.memory_space<semaphore_mem>> -> memref<!tpu.dma_semaphore, #tpu.memory_space<semaphore_mem>>
      %dma_start3A_1576 = arith.constant 32 : i32
      %dma_start3A_1577 = tpu.memref_slice %arg6[%add3A_1549, %dma_start3A_1576] : memref<3276800x64xf32, #tpu.memory_space<hbm>> -> memref<256x32xf32, #tpu.memory_space<hbm>>
      %dma_start3A_1578 = arith.constant 0 : i32
      %dma_start3A_1579 = arith.constant 0 : i32
      %dma_start3A_1580 = tpu.memref_slice %arg10[%dma_start3A_1566, %dma_start3A_1578, %dma_start3A_1579] : memref<4x256x32xf32, #tpu.memory_space<vmem>> -> memref<1x256x32xf32, #tpu.memory_space<vmem>>
      %dma_start3A_1581 = tpu.memref_squeeze %dma_start3A_1580 : memref<1x256x32xf32, #tpu.memory_space<vmem>> -> memref<256x32xf32, #tpu.memory_space<vmem>>
      tpu.enqueue_dma source(%dma_start3A_1581 : memref<256x32xf32, #tpu.memory_space<vmem>>) target(%dma_start3A_1577 : memref<256x32xf32, #tpu.memory_space<hbm>>) target_semaphore(%dma_start3A_1575 : memref<!tpu.dma_semaphore, #tpu.memory_space<semaphore_mem>>)
      %dma_wait3A_1582 = arith.constant 3 : i32
      %dma_wait3A_1583 = arith.constant 3 : i32
      %dma_wait3A_1584 = arith.constant 0 : i32
      %dma_wait3A_1585 = arith.constant 0 : i32
      %dma_wait3A_1586 = tpu.memref_slice %arg9[%dma_wait3A_1582, %dma_wait3A_1584, %dma_wait3A_1585] : memref<4x256x32xf32, #tpu.memory_space<vmem>> -> memref<1x128x32xf32, #tpu.memory_space<vmem>>
      %dma_wait3A_1587 = tpu.memref_squeeze %dma_wait3A_1586 : memref<1x128x32xf32, #tpu.memory_space<vmem>> -> memref<128x32xf32, #tpu.memory_space<vmem>>
      %dma_wait3A_1588 = arith.constant 768 : i32
      %dma_wait3A_1589 = tpu.memref_slice %arg7[%rem3A_883, %dma_wait3A_1588] : memref<2x1024xi32, #tpu.memory_space<vmem>> -> memref<1x128xi32, #tpu.memory_space<vmem>>
      %dma_wait3A_1590 = tpu.memref_squeeze %dma_wait3A_1589 : memref<1x128xi32, #tpu.memory_space<vmem>> -> memref<128xi32, #tpu.memory_space<vmem>>
      %dma_wait3A_1591 = arith.constant 0 : i32
      %dma_wait3A_1592 = arith.constant 0 : i32
      %dma_wait3A_1593 = tpu.memref_slice %arg4[%dma_wait3A_1591, %dma_wait3A_1592] : memref<100000x32xf32, #tpu.memory_space<hbm>> -> memref<100000x32xf32, #tpu.memory_space<hbm>>
      %dma_wait3A_1594 = tpu.memref_slice %arg12[%dma_wait3A_1583] : memref<4x!tpu.dma_semaphore, #tpu.memory_space<semaphore_mem>> -> memref<1x!tpu.dma_semaphore, #tpu.memory_space<semaphore_mem>>
      %dma_wait3A_1595 = tpu.memref_squeeze %dma_wait3A_1594 : memref<1x!tpu.dma_semaphore, #tpu.memory_space<semaphore_mem>> -> memref<!tpu.dma_semaphore, #tpu.memory_space<semaphore_mem>>
      tpu.wait_indirect_dma semaphore(%dma_wait3A_1595 : memref<!tpu.dma_semaphore, #tpu.memory_space<semaphore_mem>>) src(%dma_wait3A_1593 : memref<100000x32xf32, #tpu.memory_space<hbm>>) dst(%dma_wait3A_1587 : memref<128x32xf32, #tpu.memory_space<vmem>>)
      %dma_wait3A_1596 = arith.constant 3 : i32
      %dma_wait3A_1597 = arith.constant 3 : i32
      %dma_wait3A_1598 = arith.constant 0 : i32
      %dma_wait3A_1599 = arith.constant 0 : i32
      %dma_wait3A_1600 = tpu.memref_slice %arg10[%dma_wait3A_1596, %dma_wait3A_1598, %dma_wait3A_1599] : memref<4x256x32xf32, #tpu.memory_space<vmem>> -> memref<1x128x32xf32, #tpu.memory_space<vmem>>
      %dma_wait3A_1601 = tpu.memref_squeeze %dma_wait3A_1600 : memref<1x128x32xf32, #tpu.memory_space<vmem>> -> memref<128x32xf32, #tpu.memory_space<vmem>>
      %dma_wait3A_1602 = arith.constant 768 : i32
      %dma_wait3A_1603 = tpu.memref_slice %arg8[%rem3A_883, %dma_wait3A_1602] : memref<2x1024xi32, #tpu.memory_space<vmem>> -> memref<1x128xi32, #tpu.memory_space<vmem>>
      %dma_wait3A_1604 = tpu.memref_squeeze %dma_wait3A_1603 : memref<1x128xi32, #tpu.memory_space<vmem>> -> memref<128xi32, #tpu.memory_space<vmem>>
      %dma_wait3A_1605 = arith.constant 0 : i32
      %dma_wait3A_1606 = arith.constant 0 : i32
      %dma_wait3A_1607 = tpu.memref_slice %arg5[%dma_wait3A_1605, %dma_wait3A_1606] : memref<1000x32xf32, #tpu.memory_space<hbm>> -> memref<1000x32xf32, #tpu.memory_space<hbm>>
      %dma_wait3A_1608 = tpu.memref_slice %arg12[%dma_wait3A_1597] : memref<4x!tpu.dma_semaphore, #tpu.memory_space<semaphore_mem>> -> memref<1x!tpu.dma_semaphore, #tpu.memory_space<semaphore_mem>>
      %dma_wait3A_1609 = tpu.memref_squeeze %dma_wait3A_1608 : memref<1x!tpu.dma_semaphore, #tpu.memory_space<semaphore_mem>> -> memref<!tpu.dma_semaphore, #tpu.memory_space<semaphore_mem>>
      tpu.wait_indirect_dma semaphore(%dma_wait3A_1609 : memref<!tpu.dma_semaphore, #tpu.memory_space<semaphore_mem>>) src(%dma_wait3A_1607 : memref<1000x32xf32, #tpu.memory_space<hbm>>) dst(%dma_wait3A_1601 : memref<128x32xf32, #tpu.memory_space<vmem>>)
      %dma_wait3A_1610 = arith.constant 3 : i32
      %dma_wait3A_1611 = arith.constant 3 : i32
      %dma_wait3A_1612 = arith.constant 128 : i32
      %dma_wait3A_1613 = arith.constant 0 : i32
      %dma_wait3A_1614 = tpu.memref_slice %arg9[%dma_wait3A_1610, %dma_wait3A_1612, %dma_wait3A_1613] : memref<4x256x32xf32, #tpu.memory_space<vmem>> -> memref<1x128x32xf32, #tpu.memory_space<vmem>>
      %dma_wait3A_1615 = tpu.memref_squeeze %dma_wait3A_1614 : memref<1x128x32xf32, #tpu.memory_space<vmem>> -> memref<128x32xf32, #tpu.memory_space<vmem>>
      %dma_wait3A_1616 = arith.constant 896 : i32
      %dma_wait3A_1617 = tpu.memref_slice %arg7[%rem3A_883, %dma_wait3A_1616] : memref<2x1024xi32, #tpu.memory_space<vmem>> -> memref<1x128xi32, #tpu.memory_space<vmem>>
      %dma_wait3A_1618 = tpu.memref_squeeze %dma_wait3A_1617 : memref<1x128xi32, #tpu.memory_space<vmem>> -> memref<128xi32, #tpu.memory_space<vmem>>
      %dma_wait3A_1619 = arith.constant 0 : i32
      %dma_wait3A_1620 = arith.constant 0 : i32
      %dma_wait3A_1621 = tpu.memref_slice %arg4[%dma_wait3A_1619, %dma_wait3A_1620] : memref<100000x32xf32, #tpu.memory_space<hbm>> -> memref<100000x32xf32, #tpu.memory_space<hbm>>
      %dma_wait3A_1622 = tpu.memref_slice %arg12[%dma_wait3A_1611] : memref<4x!tpu.dma_semaphore, #tpu.memory_space<semaphore_mem>> -> memref<1x!tpu.dma_semaphore, #tpu.memory_space<semaphore_mem>>
      %dma_wait3A_1623 = tpu.memref_squeeze %dma_wait3A_1622 : memref<1x!tpu.dma_semaphore, #tpu.memory_space<semaphore_mem>> -> memref<!tpu.dma_semaphore, #tpu.memory_space<semaphore_mem>>
      tpu.wait_indirect_dma semaphore(%dma_wait3A_1623 : memref<!tpu.dma_semaphore, #tpu.memory_space<semaphore_mem>>) src(%dma_wait3A_1621 : memref<100000x32xf32, #tpu.memory_space<hbm>>) dst(%dma_wait3A_1615 : memref<128x32xf32, #tpu.memory_space<vmem>>)
      %dma_wait3A_1624 = arith.constant 3 : i32
      %dma_wait3A_1625 = arith.constant 3 : i32
      %dma_wait3A_1626 = arith.constant 128 : i32
      %dma_wait3A_1627 = arith.constant 0 : i32
      %dma_wait3A_1628 = tpu.memref_slice %arg10[%dma_wait3A_1624, %dma_wait3A_1626, %dma_wait3A_1627] : memref<4x256x32xf32, #tpu.memory_space<vmem>> -> memref<1x128x32xf32, #tpu.memory_space<vmem>>
      %dma_wait3A_1629 = tpu.memref_squeeze %dma_wait3A_1628 : memref<1x128x32xf32, #tpu.memory_space<vmem>> -> memref<128x32xf32, #tpu.memory_space<vmem>>
      %dma_wait3A_1630 = arith.constant 896 : i32
      %dma_wait3A_1631 = tpu.memref_slice %arg8[%rem3A_883, %dma_wait3A_1630] : memref<2x1024xi32, #tpu.memory_space<vmem>> -> memref<1x128xi32, #tpu.memory_space<vmem>>
      %dma_wait3A_1632 = tpu.memref_squeeze %dma_wait3A_1631 : memref<1x128xi32, #tpu.memory_space<vmem>> -> memref<128xi32, #tpu.memory_space<vmem>>
      %dma_wait3A_1633 = arith.constant 0 : i32
      %dma_wait3A_1634 = arith.constant 0 : i32
      %dma_wait3A_1635 = tpu.memref_slice %arg5[%dma_wait3A_1633, %dma_wait3A_1634] : memref<1000x32xf32, #tpu.memory_space<hbm>> -> memref<1000x32xf32, #tpu.memory_space<hbm>>
      %dma_wait3A_1636 = tpu.memref_slice %arg12[%dma_wait3A_1625] : memref<4x!tpu.dma_semaphore, #tpu.memory_space<semaphore_mem>> -> memref<1x!tpu.dma_semaphore, #tpu.memory_space<semaphore_mem>>
      %dma_wait3A_1637 = tpu.memref_squeeze %dma_wait3A_1636 : memref<1x!tpu.dma_semaphore, #tpu.memory_space<semaphore_mem>> -> memref<!tpu.dma_semaphore, #tpu.memory_space<semaphore_mem>>
      tpu.wait_indirect_dma semaphore(%dma_wait3A_1637 : memref<!tpu.dma_semaphore, #tpu.memory_space<semaphore_mem>>) src(%dma_wait3A_1635 : memref<1000x32xf32, #tpu.memory_space<hbm>>) dst(%dma_wait3A_1629 : memref<128x32xf32, #tpu.memory_space<vmem>>)
      %mul3A_1638 = arith.constant 1024 : i32
      %mul3A_1639 = arith.muli %scan3A_882, %mul3A_1638 : i32
      %add3A_1640 = arith.addi %mul3A_2, %mul3A_1639 : i32
      %add3A_1641 = arith.constant 768 : i32
      %add3A_1642 = arith.addi %add3A_1640, %add3A_1641 : i32
      %dma_start3A_1643 = arith.constant 3 : i32
      %dma_start3A_1644 = arith.constant 3 : i32
      %dma_start3A_1645 = arith.constant 0 : i32
      %dma_start3A_1646 = arith.constant 0 : i32
      %dma_start3A_1647 = tpu.memref_slice %arg9[%dma_start3A_1643, %dma_start3A_1645, %dma_start3A_1646] : memref<4x256x32xf32, #tpu.memory_space<vmem>> -> memref<1x256x32xf32, #tpu.memory_space<vmem>>
      %dma_start3A_1648 = tpu.memref_squeeze %dma_start3A_1647 : memref<1x256x32xf32, #tpu.memory_space<vmem>> -> memref<256x32xf32, #tpu.memory_space<vmem>>
      %dma_start3A_1649 = arith.constant 0 : i32
      %dma_start3A_1650 = tpu.memref_slice %arg6[%add3A_1642, %dma_start3A_1649] : memref<3276800x64xf32, #tpu.memory_space<hbm>> -> memref<256x32xf32, #tpu.memory_space<hbm>>
      %dma_start3A_1651 = tpu.memref_slice %arg13[%dma_start3A_1644] : memref<4x!tpu.dma_semaphore, #tpu.memory_space<semaphore_mem>> -> memref<1x!tpu.dma_semaphore, #tpu.memory_space<semaphore_mem>>
      %dma_start3A_1652 = tpu.memref_squeeze %dma_start3A_1651 : memref<1x!tpu.dma_semaphore, #tpu.memory_space<semaphore_mem>> -> memref<!tpu.dma_semaphore, #tpu.memory_space<semaphore_mem>>
      %dma_start3A_1653 = arith.constant 0 : i32
      %dma_start3A_1654 = tpu.memref_slice %arg6[%add3A_1642, %dma_start3A_1653] : memref<3276800x64xf32, #tpu.memory_space<hbm>> -> memref<256x32xf32, #tpu.memory_space<hbm>>
      %dma_start3A_1655 = arith.constant 0 : i32
      %dma_start3A_1656 = arith.constant 0 : i32
      %dma_start3A_1657 = tpu.memref_slice %arg9[%dma_start3A_1643, %dma_start3A_1655, %dma_start3A_1656] : memref<4x256x32xf32, #tpu.memory_space<vmem>> -> memref<1x256x32xf32, #tpu.memory_space<vmem>>
      %dma_start3A_1658 = tpu.memref_squeeze %dma_start3A_1657 : memref<1x256x32xf32, #tpu.memory_space<vmem>> -> memref<256x32xf32, #tpu.memory_space<vmem>>
      tpu.enqueue_dma source(%dma_start3A_1658 : memref<256x32xf32, #tpu.memory_space<vmem>>) target(%dma_start3A_1654 : memref<256x32xf32, #tpu.memory_space<hbm>>) target_semaphore(%dma_start3A_1652 : memref<!tpu.dma_semaphore, #tpu.memory_space<semaphore_mem>>)
      %dma_start3A_1659 = arith.constant 3 : i32
      %dma_start3A_1660 = arith.constant 3 : i32
      %dma_start3A_1661 = arith.constant 0 : i32
      %dma_start3A_1662 = arith.constant 0 : i32
      %dma_start3A_1663 = tpu.memref_slice %arg10[%dma_start3A_1659, %dma_start3A_1661, %dma_start3A_1662] : memref<4x256x32xf32, #tpu.memory_space<vmem>> -> memref<1x256x32xf32, #tpu.memory_space<vmem>>
      %dma_start3A_1664 = tpu.memref_squeeze %dma_start3A_1663 : memref<1x256x32xf32, #tpu.memory_space<vmem>> -> memref<256x32xf32, #tpu.memory_space<vmem>>
      %dma_start3A_1665 = arith.constant 32 : i32
      %dma_start3A_1666 = tpu.memref_slice %arg6[%add3A_1642, %dma_start3A_1665] : memref<3276800x64xf32, #tpu.memory_space<hbm>> -> memref<256x32xf32, #tpu.memory_space<hbm>>
      %dma_start3A_1667 = tpu.memref_slice %arg13[%dma_start3A_1660] : memref<4x!tpu.dma_semaphore, #tpu.memory_space<semaphore_mem>> -> memref<1x!tpu.dma_semaphore, #tpu.memory_space<semaphore_mem>>
      %dma_start3A_1668 = tpu.memref_squeeze %dma_start3A_1667 : memref<1x!tpu.dma_semaphore, #tpu.memory_space<semaphore_mem>> -> memref<!tpu.dma_semaphore, #tpu.memory_space<semaphore_mem>>
      %dma_start3A_1669 = arith.constant 32 : i32
      %dma_start3A_1670 = tpu.memref_slice %arg6[%add3A_1642, %dma_start3A_1669] : memref<3276800x64xf32, #tpu.memory_space<hbm>> -> memref<256x32xf32, #tpu.memory_space<hbm>>
      %dma_start3A_1671 = arith.constant 0 : i32
      %dma_start3A_1672 = arith.constant 0 : i32
      %dma_start3A_1673 = tpu.memref_slice %arg10[%dma_start3A_1659, %dma_start3A_1671, %dma_start3A_1672] : memref<4x256x32xf32, #tpu.memory_space<vmem>> -> memref<1x256x32xf32, #tpu.memory_space<vmem>>
      %dma_start3A_1674 = tpu.memref_squeeze %dma_start3A_1673 : memref<1x256x32xf32, #tpu.memory_space<vmem>> -> memref<256x32xf32, #tpu.memory_space<vmem>>
      tpu.enqueue_dma source(%dma_start3A_1674 : memref<256x32xf32, #tpu.memory_space<vmem>>) target(%dma_start3A_1670 : memref<256x32xf32, #tpu.memory_space<hbm>>) target_semaphore(%dma_start3A_1668 : memref<!tpu.dma_semaphore, #tpu.memory_space<semaphore_mem>>)
    }
    %scan3A_709 = arith.constant 99 : i32
    %dma_wait3A_710 = arith.constant 0 : i32
    %dma_wait3A_711 = arith.constant 0 : i32
    %dma_wait3A_712 = arith.constant 0 : i32
    %dma_wait3A_713 = tpu.memref_slice %arg7[%dma_wait3A_710, %dma_wait3A_712] : memref<2x1024xi32, #tpu.memory_space<vmem>> -> memref<1x1024xi32, #tpu.memory_space<vmem>>
    %dma_wait3A_714 = tpu.memref_squeeze %dma_wait3A_713 : memref<1x1024xi32, #tpu.memory_space<vmem>> -> memref<1024xi32, #tpu.memory_space<vmem>>
    %dma_wait3A_715 = arith.constant 0 : i32
    %dma_wait3A_716 = tpu.memref_slice %arg2[%dma_wait3A_715] : memref<3276800xi32, #tpu.memory_space<hbm>> -> memref<1024xi32, #tpu.memory_space<hbm>>
    %dma_wait3A_717 = tpu.memref_slice %arg11[%dma_wait3A_711] : memref<2x!tpu.dma_semaphore, #tpu.memory_space<semaphore_mem>> -> memref<1x!tpu.dma_semaphore, #tpu.memory_space<semaphore_mem>>
    %dma_wait3A_718 = tpu.memref_squeeze %dma_wait3A_717 : memref<1x!tpu.dma_semaphore, #tpu.memory_space<semaphore_mem>> -> memref<!tpu.dma_semaphore, #tpu.memory_space<semaphore_mem>>
    %dma_wait3A_719 = arith.constant 0 : i32
    %dma_wait3A_720 = tpu.memref_slice %arg7[%dma_wait3A_710, %dma_wait3A_719] : memref<2x1024xi32, #tpu.memory_space<vmem>> -> memref<1x1024xi32, #tpu.memory_space<vmem>>
    %dma_wait3A_721 = tpu.memref_squeeze %dma_wait3A_720 : memref<1x1024xi32, #tpu.memory_space<vmem>> -> memref<1024xi32, #tpu.memory_space<vmem>>
    %dma_wait3A_722 = arith.constant 0 : i32
    %dma_wait3A_723 = tpu.memref_slice %arg2[%dma_wait3A_722] : memref<3276800xi32, #tpu.memory_space<hbm>> -> memref<1024xi32, #tpu.memory_space<hbm>>
    tpu.wait_dma2 semaphore(%dma_wait3A_718 : memref<!tpu.dma_semaphore, #tpu.memory_space<semaphore_mem>>) src(%dma_wait3A_723 : memref<1024xi32, #tpu.memory_space<hbm>>) dst(%dma_wait3A_721 : memref<1024xi32, #tpu.memory_space<vmem>>)
    %dma_wait3A_724 = arith.constant 0 : i32
    %dma_wait3A_725 = arith.constant 0 : i32
    %dma_wait3A_726 = arith.constant 0 : i32
    %dma_wait3A_727 = tpu.memref_slice %arg8[%dma_wait3A_724, %dma_wait3A_726] : memref<2x1024xi32, #tpu.memory_space<vmem>> -> memref<1x1024xi32, #tpu.memory_space<vmem>>
    %dma_wait3A_728 = tpu.memref_squeeze %dma_wait3A_727 : memref<1x1024xi32, #tpu.memory_space<vmem>> -> memref<1024xi32, #tpu.memory_space<vmem>>
    %dma_wait3A_729 = arith.constant 0 : i32
    %dma_wait3A_730 = tpu.memref_slice %arg3[%dma_wait3A_729] : memref<3276800xi32, #tpu.memory_space<hbm>> -> memref<1024xi32, #tpu.memory_space<hbm>>
    %dma_wait3A_731 = tpu.memref_slice %arg11[%dma_wait3A_725] : memref<2x!tpu.dma_semaphore, #tpu.memory_space<semaphore_mem>> -> memref<1x!tpu.dma_semaphore, #tpu.memory_space<semaphore_mem>>
    %dma_wait3A_732 = tpu.memref_squeeze %dma_wait3A_731 : memref<1x!tpu.dma_semaphore, #tpu.memory_space<semaphore_mem>> -> memref<!tpu.dma_semaphore, #tpu.memory_space<semaphore_mem>>
    %dma_wait3A_733 = arith.constant 0 : i32
    %dma_wait3A_734 = tpu.memref_slice %arg8[%dma_wait3A_724, %dma_wait3A_733] : memref<2x1024xi32, #tpu.memory_space<vmem>> -> memref<1x1024xi32, #tpu.memory_space<vmem>>
    %dma_wait3A_735 = tpu.memref_squeeze %dma_wait3A_734 : memref<1x1024xi32, #tpu.memory_space<vmem>> -> memref<1024xi32, #tpu.memory_space<vmem>>
    %dma_wait3A_736 = arith.constant 0 : i32
    %dma_wait3A_737 = tpu.memref_slice %arg3[%dma_wait3A_736] : memref<3276800xi32, #tpu.memory_space<hbm>> -> memref<1024xi32, #tpu.memory_space<hbm>>
    tpu.wait_dma2 semaphore(%dma_wait3A_732 : memref<!tpu.dma_semaphore, #tpu.memory_space<semaphore_mem>>) src(%dma_wait3A_737 : memref<1024xi32, #tpu.memory_space<hbm>>) dst(%dma_wait3A_735 : memref<1024xi32, #tpu.memory_space<vmem>>)
    %dma_wait3A_738 = arith.constant 0 : i32
    %dma_wait3A_739 = arith.constant 0 : i32
    %dma_wait3A_740 = arith.constant 0 : i32
    %dma_wait3A_741 = arith.constant 0 : i32
    %dma_wait3A_742 = tpu.memref_slice %arg9[%dma_wait3A_738, %dma_wait3A_740, %dma_wait3A_741] : memref<4x256x32xf32, #tpu.memory_space<vmem>> -> memref<1x256x32xf32, #tpu.memory_space<vmem>>
    %dma_wait3A_743 = tpu.memref_squeeze %dma_wait3A_742 : memref<1x256x32xf32, #tpu.memory_space<vmem>> -> memref<256x32xf32, #tpu.memory_space<vmem>>
    %dma_wait3A_744 = arith.constant 0 : i32
    %dma_wait3A_745 = arith.constant 0 : i32
    %dma_wait3A_746 = tpu.memref_slice %arg6[%dma_wait3A_744, %dma_wait3A_745] : memref<3276800x64xf32, #tpu.memory_space<hbm>> -> memref<256x32xf32, #tpu.memory_space<hbm>>
    %dma_wait3A_747 = tpu.memref_slice %arg13[%dma_wait3A_739] : memref<4x!tpu.dma_semaphore, #tpu.memory_space<semaphore_mem>> -> memref<1x!tpu.dma_semaphore, #tpu.memory_space<semaphore_mem>>
    %dma_wait3A_748 = tpu.memref_squeeze %dma_wait3A_747 : memref<1x!tpu.dma_semaphore, #tpu.memory_space<semaphore_mem>> -> memref<!tpu.dma_semaphore, #tpu.memory_space<semaphore_mem>>
    %dma_wait3A_749 = arith.constant 0 : i32
    %dma_wait3A_750 = arith.constant 0 : i32
    %dma_wait3A_751 = tpu.memref_slice %arg6[%dma_wait3A_749, %dma_wait3A_750] : memref<3276800x64xf32, #tpu.memory_space<hbm>> -> memref<256x32xf32, #tpu.memory_space<hbm>>
    %dma_wait3A_752 = arith.constant 0 : i32
    %dma_wait3A_753 = arith.constant 0 : i32
    %dma_wait3A_754 = tpu.memref_slice %arg9[%dma_wait3A_738, %dma_wait3A_752, %dma_wait3A_753] : memref<4x256x32xf32, #tpu.memory_space<vmem>> -> memref<1x256x32xf32, #tpu.memory_space<vmem>>
    %dma_wait3A_755 = tpu.memref_squeeze %dma_wait3A_754 : memref<1x256x32xf32, #tpu.memory_space<vmem>> -> memref<256x32xf32, #tpu.memory_space<vmem>>
    tpu.wait_dma2 semaphore(%dma_wait3A_748 : memref<!tpu.dma_semaphore, #tpu.memory_space<semaphore_mem>>) src(%dma_wait3A_755 : memref<256x32xf32, #tpu.memory_space<vmem>>) dst(%dma_wait3A_751 : memref<256x32xf32, #tpu.memory_space<hbm>>)
    %dma_wait3A_756 = arith.constant 0 : i32
    %dma_wait3A_757 = arith.constant 0 : i32
    %dma_wait3A_758 = arith.constant 0 : i32
    %dma_wait3A_759 = arith.constant 0 : i32
    %dma_wait3A_760 = tpu.memref_slice %arg9[%dma_wait3A_756, %dma_wait3A_758, %dma_wait3A_759] : memref<4x256x32xf32, #tpu.memory_space<vmem>> -> memref<1x256x32xf32, #tpu.memory_space<vmem>>
    %dma_wait3A_761 = tpu.memref_squeeze %dma_wait3A_760 : memref<1x256x32xf32, #tpu.memory_space<vmem>> -> memref<256x32xf32, #tpu.memory_space<vmem>>
    %dma_wait3A_762 = arith.constant 0 : i32
    %dma_wait3A_763 = arith.constant 32 : i32
    %dma_wait3A_764 = tpu.memref_slice %arg6[%dma_wait3A_762, %dma_wait3A_763] : memref<3276800x64xf32, #tpu.memory_space<hbm>> -> memref<256x32xf32, #tpu.memory_space<hbm>>
    %dma_wait3A_765 = tpu.memref_slice %arg13[%dma_wait3A_757] : memref<4x!tpu.dma_semaphore, #tpu.memory_space<semaphore_mem>> -> memref<1x!tpu.dma_semaphore, #tpu.memory_space<semaphore_mem>>
    %dma_wait3A_766 = tpu.memref_squeeze %dma_wait3A_765 : memref<1x!tpu.dma_semaphore, #tpu.memory_space<semaphore_mem>> -> memref<!tpu.dma_semaphore, #tpu.memory_space<semaphore_mem>>
    %dma_wait3A_767 = arith.constant 0 : i32
    %dma_wait3A_768 = arith.constant 32 : i32
    %dma_wait3A_769 = tpu.memref_slice %arg6[%dma_wait3A_767, %dma_wait3A_768] : memref<3276800x64xf32, #tpu.memory_space<hbm>> -> memref<256x32xf32, #tpu.memory_space<hbm>>
    %dma_wait3A_770 = arith.constant 0 : i32
    %dma_wait3A_771 = arith.constant 0 : i32
    %dma_wait3A_772 = tpu.memref_slice %arg9[%dma_wait3A_756, %dma_wait3A_770, %dma_wait3A_771] : memref<4x256x32xf32, #tpu.memory_space<vmem>> -> memref<1x256x32xf32, #tpu.memory_space<vmem>>
    %dma_wait3A_773 = tpu.memref_squeeze %dma_wait3A_772 : memref<1x256x32xf32, #tpu.memory_space<vmem>> -> memref<256x32xf32, #tpu.memory_space<vmem>>
    tpu.wait_dma2 semaphore(%dma_wait3A_766 : memref<!tpu.dma_semaphore, #tpu.memory_space<semaphore_mem>>) src(%dma_wait3A_773 : memref<256x32xf32, #tpu.memory_space<vmem>>) dst(%dma_wait3A_769 : memref<256x32xf32, #tpu.memory_space<hbm>>)
    %dma_wait3A_774 = arith.constant 1 : i32
    %dma_wait3A_775 = arith.constant 1 : i32
    %dma_wait3A_776 = arith.constant 0 : i32
    %dma_wait3A_777 = arith.constant 0 : i32
    %dma_wait3A_778 = tpu.memref_slice %arg9[%dma_wait3A_774, %dma_wait3A_776, %dma_wait3A_777] : memref<4x256x32xf32, #tpu.memory_space<vmem>> -> memref<1x256x32xf32, #tpu.memory_space<vmem>>
    %dma_wait3A_779 = tpu.memref_squeeze %dma_wait3A_778 : memref<1x256x32xf32, #tpu.memory_space<vmem>> -> memref<256x32xf32, #tpu.memory_space<vmem>>
    %dma_wait3A_780 = arith.constant 0 : i32
    %dma_wait3A_781 = arith.constant 0 : i32
    %dma_wait3A_782 = tpu.memref_slice %arg6[%dma_wait3A_780, %dma_wait3A_781] : memref<3276800x64xf32, #tpu.memory_space<hbm>> -> memref<256x32xf32, #tpu.memory_space<hbm>>
    %dma_wait3A_783 = tpu.memref_slice %arg13[%dma_wait3A_775] : memref<4x!tpu.dma_semaphore, #tpu.memory_space<semaphore_mem>> -> memref<1x!tpu.dma_semaphore, #tpu.memory_space<semaphore_mem>>
    %dma_wait3A_784 = tpu.memref_squeeze %dma_wait3A_783 : memref<1x!tpu.dma_semaphore, #tpu.memory_space<semaphore_mem>> -> memref<!tpu.dma_semaphore, #tpu.memory_space<semaphore_mem>>
    %dma_wait3A_785 = arith.constant 0 : i32
    %dma_wait3A_786 = arith.constant 0 : i32
    %dma_wait3A_787 = tpu.memref_slice %arg6[%dma_wait3A_785, %dma_wait3A_786] : memref<3276800x64xf32, #tpu.memory_space<hbm>> -> memref<256x32xf32, #tpu.memory_space<hbm>>
    %dma_wait3A_788 = arith.constant 0 : i32
    %dma_wait3A_789 = arith.constant 0 : i32
    %dma_wait3A_790 = tpu.memref_slice %arg9[%dma_wait3A_774, %dma_wait3A_788, %dma_wait3A_789] : memref<4x256x32xf32, #tpu.memory_space<vmem>> -> memref<1x256x32xf32, #tpu.memory_space<vmem>>
    %dma_wait3A_791 = tpu.memref_squeeze %dma_wait3A_790 : memref<1x256x32xf32, #tpu.memory_space<vmem>> -> memref<256x32xf32, #tpu.memory_space<vmem>>
    tpu.wait_dma2 semaphore(%dma_wait3A_784 : memref<!tpu.dma_semaphore, #tpu.memory_space<semaphore_mem>>) src(%dma_wait3A_791 : memref<256x32xf32, #tpu.memory_space<vmem>>) dst(%dma_wait3A_787 : memref<256x32xf32, #tpu.memory_space<hbm>>)
    %dma_wait3A_792 = arith.constant 1 : i32
    %dma_wait3A_793 = arith.constant 1 : i32
    %dma_wait3A_794 = arith.constant 0 : i32
    %dma_wait3A_795 = arith.constant 0 : i32
    %dma_wait3A_796 = tpu.memref_slice %arg9[%dma_wait3A_792, %dma_wait3A_794, %dma_wait3A_795] : memref<4x256x32xf32, #tpu.memory_space<vmem>> -> memref<1x256x32xf32, #tpu.memory_space<vmem>>
    %dma_wait3A_797 = tpu.memref_squeeze %dma_wait3A_796 : memref<1x256x32xf32, #tpu.memory_space<vmem>> -> memref<256x32xf32, #tpu.memory_space<vmem>>
    %dma_wait3A_798 = arith.constant 0 : i32
    %dma_wait3A_799 = arith.constant 32 : i32
    %dma_wait3A_800 = tpu.memref_slice %arg6[%dma_wait3A_798, %dma_wait3A_799] : memref<3276800x64xf32, #tpu.memory_space<hbm>> -> memref<256x32xf32, #tpu.memory_space<hbm>>
    %dma_wait3A_801 = tpu.memref_slice %arg13[%dma_wait3A_793] : memref<4x!tpu.dma_semaphore, #tpu.memory_space<semaphore_mem>> -> memref<1x!tpu.dma_semaphore, #tpu.memory_space<semaphore_mem>>
    %dma_wait3A_802 = tpu.memref_squeeze %dma_wait3A_801 : memref<1x!tpu.dma_semaphore, #tpu.memory_space<semaphore_mem>> -> memref<!tpu.dma_semaphore, #tpu.memory_space<semaphore_mem>>
    %dma_wait3A_803 = arith.constant 0 : i32
    %dma_wait3A_804 = arith.constant 32 : i32
    %dma_wait3A_805 = tpu.memref_slice %arg6[%dma_wait3A_803, %dma_wait3A_804] : memref<3276800x64xf32, #tpu.memory_space<hbm>> -> memref<256x32xf32, #tpu.memory_space<hbm>>
    %dma_wait3A_806 = arith.constant 0 : i32
    %dma_wait3A_807 = arith.constant 0 : i32
    %dma_wait3A_808 = tpu.memref_slice %arg9[%dma_wait3A_792, %dma_wait3A_806, %dma_wait3A_807] : memref<4x256x32xf32, #tpu.memory_space<vmem>> -> memref<1x256x32xf32, #tpu.memory_space<vmem>>
    %dma_wait3A_809 = tpu.memref_squeeze %dma_wait3A_808 : memref<1x256x32xf32, #tpu.memory_space<vmem>> -> memref<256x32xf32, #tpu.memory_space<vmem>>
    tpu.wait_dma2 semaphore(%dma_wait3A_802 : memref<!tpu.dma_semaphore, #tpu.memory_space<semaphore_mem>>) src(%dma_wait3A_809 : memref<256x32xf32, #tpu.memory_space<vmem>>) dst(%dma_wait3A_805 : memref<256x32xf32, #tpu.memory_space<hbm>>)
    %dma_wait3A_810 = arith.constant 2 : i32
    %dma_wait3A_811 = arith.constant 2 : i32
    %dma_wait3A_812 = arith.constant 0 : i32
    %dma_wait3A_813 = arith.constant 0 : i32
    %dma_wait3A_814 = tpu.memref_slice %arg9[%dma_wait3A_810, %dma_wait3A_812, %dma_wait3A_813] : memref<4x256x32xf32, #tpu.memory_space<vmem>> -> memref<1x256x32xf32, #tpu.memory_space<vmem>>
    %dma_wait3A_815 = tpu.memref_squeeze %dma_wait3A_814 : memref<1x256x32xf32, #tpu.memory_space<vmem>> -> memref<256x32xf32, #tpu.memory_space<vmem>>
    %dma_wait3A_816 = arith.constant 0 : i32
    %dma_wait3A_817 = arith.constant 0 : i32
    %dma_wait3A_818 = tpu.memref_slice %arg6[%dma_wait3A_816, %dma_wait3A_817] : memref<3276800x64xf32, #tpu.memory_space<hbm>> -> memref<256x32xf32, #tpu.memory_space<hbm>>
    %dma_wait3A_819 = tpu.memref_slice %arg13[%dma_wait3A_811] : memref<4x!tpu.dma_semaphore, #tpu.memory_space<semaphore_mem>> -> memref<1x!tpu.dma_semaphore, #tpu.memory_space<semaphore_mem>>
    %dma_wait3A_820 = tpu.memref_squeeze %dma_wait3A_819 : memref<1x!tpu.dma_semaphore, #tpu.memory_space<semaphore_mem>> -> memref<!tpu.dma_semaphore, #tpu.memory_space<semaphore_mem>>
    %dma_wait3A_821 = arith.constant 0 : i32
    %dma_wait3A_822 = arith.constant 0 : i32
    %dma_wait3A_823 = tpu.memref_slice %arg6[%dma_wait3A_821, %dma_wait3A_822] : memref<3276800x64xf32, #tpu.memory_space<hbm>> -> memref<256x32xf32, #tpu.memory_space<hbm>>
    %dma_wait3A_824 = arith.constant 0 : i32
    %dma_wait3A_825 = arith.constant 0 : i32
    %dma_wait3A_826 = tpu.memref_slice %arg9[%dma_wait3A_810, %dma_wait3A_824, %dma_wait3A_825] : memref<4x256x32xf32, #tpu.memory_space<vmem>> -> memref<1x256x32xf32, #tpu.memory_space<vmem>>
    %dma_wait3A_827 = tpu.memref_squeeze %dma_wait3A_826 : memref<1x256x32xf32, #tpu.memory_space<vmem>> -> memref<256x32xf32, #tpu.memory_space<vmem>>
    tpu.wait_dma2 semaphore(%dma_wait3A_820 : memref<!tpu.dma_semaphore, #tpu.memory_space<semaphore_mem>>) src(%dma_wait3A_827 : memref<256x32xf32, #tpu.memory_space<vmem>>) dst(%dma_wait3A_823 : memref<256x32xf32, #tpu.memory_space<hbm>>)
    %dma_wait3A_828 = arith.constant 2 : i32
    %dma_wait3A_829 = arith.constant 2 : i32
    %dma_wait3A_830 = arith.constant 0 : i32
    %dma_wait3A_831 = arith.constant 0 : i32
    %dma_wait3A_832 = tpu.memref_slice %arg9[%dma_wait3A_828, %dma_wait3A_830, %dma_wait3A_831] : memref<4x256x32xf32, #tpu.memory_space<vmem>> -> memref<1x256x32xf32, #tpu.memory_space<vmem>>
    %dma_wait3A_833 = tpu.memref_squeeze %dma_wait3A_832 : memref<1x256x32xf32, #tpu.memory_space<vmem>> -> memref<256x32xf32, #tpu.memory_space<vmem>>
    %dma_wait3A_834 = arith.constant 0 : i32
    %dma_wait3A_835 = arith.constant 32 : i32
    %dma_wait3A_836 = tpu.memref_slice %arg6[%dma_wait3A_834, %dma_wait3A_835] : memref<3276800x64xf32, #tpu.memory_space<hbm>> -> memref<256x32xf32, #tpu.memory_space<hbm>>
    %dma_wait3A_837 = tpu.memref_slice %arg13[%dma_wait3A_829] : memref<4x!tpu.dma_semaphore, #tpu.memory_space<semaphore_mem>> -> memref<1x!tpu.dma_semaphore, #tpu.memory_space<semaphore_mem>>
    %dma_wait3A_838 = tpu.memref_squeeze %dma_wait3A_837 : memref<1x!tpu.dma_semaphore, #tpu.memory_space<semaphore_mem>> -> memref<!tpu.dma_semaphore, #tpu.memory_space<semaphore_mem>>
    %dma_wait3A_839 = arith.constant 0 : i32
    %dma_wait3A_840 = arith.constant 32 : i32
    %dma_wait3A_841 = tpu.memref_slice %arg6[%dma_wait3A_839, %dma_wait3A_840] : memref<3276800x64xf32, #tpu.memory_space<hbm>> -> memref<256x32xf32, #tpu.memory_space<hbm>>
    %dma_wait3A_842 = arith.constant 0 : i32
    %dma_wait3A_843 = arith.constant 0 : i32
    %dma_wait3A_844 = tpu.memref_slice %arg9[%dma_wait3A_828, %dma_wait3A_842, %dma_wait3A_843] : memref<4x256x32xf32, #tpu.memory_space<vmem>> -> memref<1x256x32xf32, #tpu.memory_space<vmem>>
    %dma_wait3A_845 = tpu.memref_squeeze %dma_wait3A_844 : memref<1x256x32xf32, #tpu.memory_space<vmem>> -> memref<256x32xf32, #tpu.memory_space<vmem>>
    tpu.wait_dma2 semaphore(%dma_wait3A_838 : memref<!tpu.dma_semaphore, #tpu.memory_space<semaphore_mem>>) src(%dma_wait3A_845 : memref<256x32xf32, #tpu.memory_space<vmem>>) dst(%dma_wait3A_841 : memref<256x32xf32, #tpu.memory_space<hbm>>)
    %dma_wait3A_846 = arith.constant 3 : i32
    %dma_wait3A_847 = arith.constant 3 : i32
    %dma_wait3A_848 = arith.constant 0 : i32
    %dma_wait3A_849 = arith.constant 0 : i32
    %dma_wait3A_850 = tpu.memref_slice %arg9[%dma_wait3A_846, %dma_wait3A_848, %dma_wait3A_849] : memref<4x256x32xf32, #tpu.memory_space<vmem>> -> memref<1x256x32xf32, #tpu.memory_space<vmem>>
    %dma_wait3A_851 = tpu.memref_squeeze %dma_wait3A_850 : memref<1x256x32xf32, #tpu.memory_space<vmem>> -> memref<256x32xf32, #tpu.memory_space<vmem>>
    %dma_wait3A_852 = arith.constant 0 : i32
    %dma_wait3A_853 = arith.constant 0 : i32
    %dma_wait3A_854 = tpu.memref_slice %arg6[%dma_wait3A_852, %dma_wait3A_853] : memref<3276800x64xf32, #tpu.memory_space<hbm>> -> memref<256x32xf32, #tpu.memory_space<hbm>>
    %dma_wait3A_855 = tpu.memref_slice %arg13[%dma_wait3A_847] : memref<4x!tpu.dma_semaphore, #tpu.memory_space<semaphore_mem>> -> memref<1x!tpu.dma_semaphore, #tpu.memory_space<semaphore_mem>>
    %dma_wait3A_856 = tpu.memref_squeeze %dma_wait3A_855 : memref<1x!tpu.dma_semaphore, #tpu.memory_space<semaphore_mem>> -> memref<!tpu.dma_semaphore, #tpu.memory_space<semaphore_mem>>
    %dma_wait3A_857 = arith.constant 0 : i32
    %dma_wait3A_858 = arith.constant 0 : i32
    %dma_wait3A_859 = tpu.memref_slice %arg6[%dma_wait3A_857, %dma_wait3A_858] : memref<3276800x64xf32, #tpu.memory_space<hbm>> -> memref<256x32xf32, #tpu.memory_space<hbm>>
    %dma_wait3A_860 = arith.constant 0 : i32
    %dma_wait3A_861 = arith.constant 0 : i32
    %dma_wait3A_862 = tpu.memref_slice %arg9[%dma_wait3A_846, %dma_wait3A_860, %dma_wait3A_861] : memref<4x256x32xf32, #tpu.memory_space<vmem>> -> memref<1x256x32xf32, #tpu.memory_space<vmem>>
    %dma_wait3A_863 = tpu.memref_squeeze %dma_wait3A_862 : memref<1x256x32xf32, #tpu.memory_space<vmem>> -> memref<256x32xf32, #tpu.memory_space<vmem>>
    tpu.wait_dma2 semaphore(%dma_wait3A_856 : memref<!tpu.dma_semaphore, #tpu.memory_space<semaphore_mem>>) src(%dma_wait3A_863 : memref<256x32xf32, #tpu.memory_space<vmem>>) dst(%dma_wait3A_859 : memref<256x32xf32, #tpu.memory_space<hbm>>)
    %dma_wait3A_864 = arith.constant 3 : i32
    %dma_wait3A_865 = arith.constant 3 : i32
    %dma_wait3A_866 = arith.constant 0 : i32
    %dma_wait3A_867 = arith.constant 0 : i32
    %dma_wait3A_868 = tpu.memref_slice %arg9[%dma_wait3A_864, %dma_wait3A_866, %dma_wait3A_867] : memref<4x256x32xf32, #tpu.memory_space<vmem>> -> memref<1x256x32xf32, #tpu.memory_space<vmem>>
    %dma_wait3A_869 = tpu.memref_squeeze %dma_wait3A_868 : memref<1x256x32xf32, #tpu.memory_space<vmem>> -> memref<256x32xf32, #tpu.memory_space<vmem>>
    %dma_wait3A_870 = arith.constant 0 : i32
    %dma_wait3A_871 = arith.constant 32 : i32
    %dma_wait3A_872 = tpu.memref_slice %arg6[%dma_wait3A_870, %dma_wait3A_871] : memref<3276800x64xf32, #tpu.memory_space<hbm>> -> memref<256x32xf32, #tpu.memory_space<hbm>>
    %dma_wait3A_873 = tpu.memref_slice %arg13[%dma_wait3A_865] : memref<4x!tpu.dma_semaphore, #tpu.memory_space<semaphore_mem>> -> memref<1x!tpu.dma_semaphore, #tpu.memory_space<semaphore_mem>>
    %dma_wait3A_874 = tpu.memref_squeeze %dma_wait3A_873 : memref<1x!tpu.dma_semaphore, #tpu.memory_space<semaphore_mem>> -> memref<!tpu.dma_semaphore, #tpu.memory_space<semaphore_mem>>
    %dma_wait3A_875 = arith.constant 0 : i32
    %dma_wait3A_876 = arith.constant 32 : i32
    %dma_wait3A_877 = tpu.memref_slice %arg6[%dma_wait3A_875, %dma_wait3A_876] : memref<3276800x64xf32, #tpu.memory_space<hbm>> -> memref<256x32xf32, #tpu.memory_space<hbm>>
    %dma_wait3A_878 = arith.constant 0 : i32
    %dma_wait3A_879 = arith.constant 0 : i32
    %dma_wait3A_880 = tpu.memref_slice %arg9[%dma_wait3A_864, %dma_wait3A_878, %dma_wait3A_879] : memref<4x256x32xf32, #tpu.memory_space<vmem>> -> memref<1x256x32xf32, #tpu.memory_space<vmem>>
    %dma_wait3A_881 = tpu.memref_squeeze %dma_wait3A_880 : memref<1x256x32xf32, #tpu.memory_space<vmem>> -> memref<256x32xf32, #tpu.memory_space<vmem>>
    tpu.wait_dma2 semaphore(%dma_wait3A_874 : memref<!tpu.dma_semaphore, #tpu.memory_space<semaphore_mem>>) src(%dma_wait3A_881 : memref<256x32xf32, #tpu.memory_space<vmem>>) dst(%dma_wait3A_877 : memref<256x32xf32, #tpu.memory_space<hbm>>)
    return
  }
}

</mosaic_0001>

<sc_bundles>
// kernel: kernel.3.cloned.1.call-start
scs
__scs_entry_jumppad:
0x0: {  	(pc) =	sbr.rel $0x88, $3  }
0x1: {  	(tag) =	ssettag $0x0;
	lr =	simm.s32 $0x1  }
0x2: {  	[smem:$0x3F9D] =	sst lr;
	_ =	strace $0xD0000000  }
0x3: {  	_ = 	snop  }
0x4: {  	_ = 	snop  }
0x5: {  	_ = 	snop  }
0x6: {  	_ = 	snop  }
0x7: {  	_ = 	snop  }
__scs_overlays_trampoline_lowered:
0x8: {  	[smem:$0x3FAC] =	sst s0  }
0x9: {  	[smem:$0x3FAD] =	sst s1  }
0xa: {  	[smem:$0x3FAE] =	sst s2  }
0xb: {  	[smem:$0x3FAF] =	sst s3  }
0xc: {  	[smem:$0x3FB0] =	sst s4  }
0xd: {  	[smem:$0x3FB1] =	sst s5  }
0xe: {  	[smem:$0x3FB2] =	sst s6  }
0xf: {  	[smem:$0x3FB3] =	sst s7  }
0x10: {  	[smem:$0x3FB4] =	sst s8  }
0x11: {  	[smem:$0x3FB5] =	sst s9;
	s0 =	simm.s32 @!p0 $0x0  }
0x12: {  	s1 =	sld [smem:$0x3F9B];
	s0 =	simm.s32 @p0 $0x1  }
0x13: {  	[smem:$0x3FB6] =	sst s0;
	s0 =	simm.s32 @!p1 $0x0  }
0x14: {  	s2 =	sld [smem:$0x3F9A];
	s0 =	simm.s32 @p1 $0x1  }
0x15: {  	[smem:$0x3FB7] =	sst s0;
	s0 =	simm.s32 @!p2 $0x0  }
0x16: {  	s3 =	sld [smem:$0x3FDB];
	s0 =	simm.s32 @p2 $0x1  }
0x17: {  	s4 =	simm.s32 $0x1BF5;
	[smem:$0x3FB9] =	sst s0  }
0x18: {  	s0 =	sld [smem:$0x3F9C];
	_ =	swait.ge [sflag:s4], $0x0  }
0x19: {  	s7 =	sld [smem:$0x3F9D]  }
0x1a: {  	s8 =	sadd.s32 $0xFFFFE003, lr  }
0x1b: {  	s9 =	sadd.s32 $0xFFFFFEF7, lr;
	s5 =	simm.s32 $0xFFFFFFFF;
	p2 =	slt.u32 s8, $0xFFFFF086  }
0x1c: {  	p1 =	slt.u32 s9, $0xF7A;
	s5 =	simm.s32 @!p2 $0x0  }
0x1d: {  	s5 =	simm.s32 @p1 $0x1;
	p0 =	seq.s32 s7, s2  }
0x1e: {  	s7 =	smul.u32 @!p0 $0xF7A, s2;
	p2 =	seq.s32 @!p0 s5, $0x0  }
0x1f: {  	s9 =	smul.u32 $0xF7A, s1;
	s8 =	simm.s32 @!p0 $0x1BF5;
	p2 =	por !p2, p0  }
0x20: {  	[sflag:s8] =	ssyncset.s32 @!p0 $0xFFFFF086;
	s6 =	sadd.s32 @!p0 s3, s7;
	s7 =	simm.s32 @!p0 $0x108  }
0x21: {  	s3 =	sadd.s32 s3, s9;
	s6 =	sadd.s32 @!p0 $0x88, s6;
	s7 =	simm.s32 @p2 $0x1082  }
0x22: {  	[simem:s7], [sflag:s8] =	dma.local @!p0 [hbm:s6], $0xF7A  }
0x23: {  	s9 =	sor.u32 $0xD0000000, s2;
	s6 =	simm.s32 $0x108;
	_ =	swait.ge @!p0 [sflag:s8], $0x0  }
0x24: {  	s3 =	sadd.s32 $0x88, s3;
	s6 =	simm.s32 @!p1 $0x1082;
	[sflag:s4] =	ssyncset.s32 $0xFFFFF086  }
0x25: {  	[simem:s6], [sflag:s4] =	dma.local [hbm:s3], $0xF7A  }
0x26: {  	[smem:$0x3F9D] =	sst s1;
	(tag) =	ssettag s2;
	_ =	strace s9  }
0x27: {  	s1 =	sld [smem:$0x3FAD]  }
0x28: {  	s2 =	sld [smem:$0x3FAE]  }
0x29: {  	s4 =	sld [smem:$0x3FB0]  }
0x2a: {  	p0 =	seq.s32 s5, $0x0;
	s5 =	sld [smem:$0x3FB1]  }
0x2b: {  	s6 =	sld [smem:$0x3FB2]  }
0x2c: {  	s7 =	sld [smem:$0x3FB3]  }
0x2d: {  	s3 =	simm.s32 $0x108;
	s8 =	sld [smem:$0x3FB4]  }
0x2e: {  	s3 =	simm.s32 @!p0 $0x1082;
	s9 =	sld [smem:$0x3FB5]  }
0x2f: {  	lr =	sadd.s32 s0, s3;
	s0 =	sld [smem:$0x3FAC]  }
0x30: {  	s3 =	sld [smem:$0x3FAF]  }
0x31: {  	[smem:$0x3FB8] =	sst s10  }
0x32: {  	s10 =	sld [smem:$0x3FB6];
	_ =	sdelay $0x3  }
0x33: {  	p0 =	seq.s32 s10, $0x1;
	s10 =	sld [smem:$0x3FB8];
	_ =	sdelay $0x3  }
0x34: {  	[smem:$0x3FB8] =	sst s10  }
0x35: {  	s10 =	sld [smem:$0x3FB7];
	_ =	sdelay $0x3  }
0x36: {  	p1 =	seq.s32 s10, $0x1;
	s10 =	sld [smem:$0x3FB8];
	_ =	sdelay $0x3  }
0x37: {  	[smem:$0x3FB8] =	sst s10  }
0x38: {  	s10 =	sld [smem:$0x3FB9]  }
0x39: {  	_ = 	snop;
	(pc) =	sbr.ind lr, $3  }
0x3a: {  	_ = 	snop  }
0x3b: {  	_ = 	snop  }
0x3c: {  	p2 =	seq.s32 s10, $0x1;
	s10 =	sld [smem:$0x3FB8]  }
0x3d: {  	_ =	shalt  }
0x3e: {  	_ =	shalt  }
0x3f: {  	_ =	shalt  }
0x40: {  	_ =	shalt  }
0x41: {  	_ =	shalt  }
0x42: {  	_ =	shalt  }
0x43: {  	_ =	shalt  }
0x44: {  	_ =	shalt  }
0x45: {  	_ =	shalt  }
0x46: {  	_ =	shalt  }
0x47: {  	_ =	shalt  }
0x48: {  	_ =	shalt  }
0x49: {  	_ =	shalt  }
0x4a: {  	_ =	shalt  }
0x4b: {  	_ =	shalt  }
0x4c: {  	_ =	shalt  }
0x4d: {  	_ =	shalt  }
0x4e: {  	_ =	shalt  }
0x4f: {  	_ =	shalt  }
0x50: {  	_ =	shalt  }
0x51: {  	_ =	shalt  }
0x52: {  	_ =	shalt  }
0x53: {  	_ =	shalt  }
0x54: {  	_ =	shalt  }
0x55: {  	_ =	shalt  }
0x56: {  	_ =	shalt  }
0x57: {  	_ =	shalt  }
0x58: {  	_ =	shalt  }
0x59: {  	_ =	shalt  }
0x5a: {  	_ =	shalt  }
0x5b: {  	_ =	shalt  }
0x5c: {  	_ =	shalt  }
0x5d: {  	_ =	shalt  }
0x5e: {  	_ =	shalt  }
0x5f: {  	_ =	shalt  }
0x60: {  	_ =	shalt  }
0x61: {  	_ =	shalt  }
0x62: {  	_ =	shalt  }
0x63: {  	_ =	shalt  }
0x64: {  	_ =	shalt  }
0x65: {  	_ =	shalt  }
0x66: {  	_ =	shalt  }
0x67: {  	_ =	shalt  }
0x68: {  	_ =	shalt  }
0x69: {  	_ =	shalt  }
0x6a: {  	_ =	shalt  }
0x6b: {  	_ =	shalt  }
0x6c: {  	_ =	shalt  }
0x6d: {  	_ =	shalt  }
0x6e: {  	_ =	shalt  }
0x6f: {  	_ =	shalt  }
0x70: {  	_ =	shalt  }
0x71: {  	_ =	shalt  }
0x72: {  	_ =	shalt  }
0x73: {  	_ =	shalt  }
0x74: {  	_ =	shalt  }
0x75: {  	_ =	shalt  }
0x76: {  	_ =	shalt  }
0x77: {  	_ =	shalt  }
0x78: {  	_ =	shalt  }
0x79: {  	_ =	shalt  }
0x7a: {  	_ =	shalt  }
0x7b: {  	_ =	shalt  }
0x7c: {  	_ =	shalt  }
0x7d: {  	_ =	shalt  }
0x7e: {  	_ =	shalt  }
0x7f: {  	_ =	shalt  }
0x80: {  	_ =	shalt  }
0x81: {  	_ =	shalt  }
0x82: {  	_ =	shalt  }
0x83: {  	_ =	shalt  }
0x84: {  	_ =	shalt  }
0x85: {  	_ =	shalt  }
0x86: {  	_ =	shalt  }
0x87: {  	_ =	shalt  }
.Lfunc_end0:
.L_simem_size_0:
called_computation.1_lowered:
.L_overlay_start_0:
0x88: {  	s2 =	sld [smem:$0x3FD9]  }
0x89: {  	s3 =	sld [smem:$0x3FFE];
	_ =	sdelay $0x1  }
0x8a: {  	s1 =	srdreg.scid  }
0x8b: {  	s0 =	sand.u32 $0x1, s1  }
0x8c: {  	s17 =	sshll.u32 s0, $0xA;
	s2 =	sadd.s32 s3, s2  }
0x8d: {  	s2 =	sadd.s32 s2, s17  }
0x8e: {  	[smem:$0x3FC4] =	sst s2  }
0x8f: {  	_ = 	snop  }
0x90: {  	s2 =	sld [smem:$0x3FD0];
	(tm) =	ssettm $0x1  }
0x91: {  	s18 =	sld [smem:$0x3FFB];
	_ =	sdelay $0x3  }
0x92: {  	_ =	strace s18  }
0x93: {  	s3 =	sld [smem:$0x3FFC];
	_ =	sdelay $0x3  }
0x94: {  	_ =	strace s3  }
0x95: {  	s3 =	sld [smem:$0x3FFD];
	_ =	sdelay $0x3  }
0x96: {  	_ =	strace s3  }
0x97: {  	_ =	strace $0x8FFFFFFF  }
0x98: {  	s19 =	sld [smem:$0x3FDB];
	_ =	sdelay $0x1  }
0x99: {  	s4 =	simm.s32 $_scs_section_size  }
0x9a: {  	s5 =	simm.s32 $_size__tile_overlayer_lowered;
	s6 =	simm.s32 $_tile_overlayer_lowered  }
0x9b: {  	s22 =	simm.s32 $0x1BFF;
	s21 =	sshll.u32 s6, $0x1;
	s3 =	sadd.s32 s4, s19  }
0x9c: {  	s7 =	simm.s32 $0x0;
	s20 =	sshll.u32 s5, $0x1;
	s5 =	sadd.s32 s21, s3  }
0x9d: {  	[timem:s7], [sflag:s22] =	dma.local [hbm:s5], s20  }
0x9e: {  	_ =	swait.ge [sflag:s22], s20  }
0x9f: {  	s4 =	ssub.s32 $0x0, s20;
	[sflag:s22] =	ssyncset.done $0x0  }
0xa0: {  	[sflag:s22] =	ssyncadd.s32 s4;
	_ =	sdelay $0x1  }
0xa1: {  	s23 =	simm.s32 $0x1B8B  }
0xa2: {  	_ =	swait.ge [sflag:s23], $0x1  }
0xa3: {  	[sflag:s23] =	ssyncset.done $0x0  }
0xa4: {  	s25 =	simm.s32 $0x1B8E;
	s24 =	sld [smem:$0x3FFE];
	[sflag:s23] =	ssyncadd.s32 $0xFFFFFFFF  }
0xa5: {  	s26 =	simm.s32 $execute0_lowered;
	[smem:$0x3FD2] =	sst s25  }
0xa6: {  	s5 =	sshll.u32 s26, $0x1;
	_ =	strace $0x80000046;
	[dreg:$0x1] =	wrdreg $0xFFFFFFFF  }
0xa7: {  	s28 =	simm.s32 $_size_execute0_lowered;
	s3 =	sadd.s32 s3, s5;
	[dreg:$0x0] =	wrdreg $0x0  }
0xa8: {  	s5 =	sshll.u32 s28, $0x1;
	[dreg:$0x2] =	wrdreg s3  }
0xa9: {  	[dreg:$0x3] =	wrdreg s5  }
0xaa: {  	[dreg:$0x4] =	wrdreg $0xC0  }
0xab: {  	_ =	task [dreg:s7], $0x5FFFF  }
0xac: {  	[dreg:$0x1] =	wrdreg $0xFFFFFFFF  }
0xad: {  	[dreg:$0x0] =	wrdreg $0x60  }
0xae: {  	[dreg:$0x2] =	wrdreg s24  }
0xaf: {  	[dreg:$0x3] =	wrdreg s2  }
0xb0: {  	[dreg:$0x4] =	wrdreg $0x9  }
0xb1: {  	_ =	task.clear_ibuf [dreg:s7], $0x5FFFF;
	_ =	strace $0x90000046  }
0xb2: {  	s29 =	simm.s32 $0x9;
	_ =	strace $0x80000048  }
0xb3: {  	_ =	swait.ge [sflag:s29], $0x1  }
0xb4: {  	[sflag:s29] =	ssyncadd.s32 $0xFFFFFFFF  }
0xb5: {  	_ =	strace $0x90000048  }
0xb6: {  	_ =	sfence  }
0xb7: {  	s30 =	sld [smem:$0x0];
	_ =	sdelay $0x2  }
0xb8: {  	s31 =	sshll.u32 s1, $0xD;
	s1 =	sshrl.u32 s1, $0x2  }
0xb9: {  	s3 =	sand.u32 $0x4000, s31;
	s1 =	sadd.s32 s1, s30  }
0xba: {  	s0 =	sor.u32 s3, s0;
	s1 =	sshll.u32 s1, $0x11  }
0xbb: {  	s0 =	sor.u32 s1, s0  }
0xbc: {  	s0 =	sadd.s32 $0x8F2B, s0  }
0xbd: {  	[sflag:s0] =	ssyncadd.remote.s32 $0x1  }
0xbe: {  	_ =	sfence.sel $0xFFFF  }
0xbf: {  	[dreg:$0x0] =	wrdreg $0xFFFFFFFF;
	(pc) =	sbr.abs _section_cstart, $3  }
0xc0: {  	[dreg:$0x1] =	wrdreg $0xFFFFFFFF  }
0xc1: {  	_ =	task.clear_ibuf [dreg:s7], $0x2FFFF;
	_ =	strace $0x9FFFFFFF  }
0xc2: {  	(tm) =	ssettm $0x7FFFFFFF  }
0xc3: {  	_ =	shalt  }
tec
execute0_lowered:
.L_overlay_start_1:
0x0: {  	(tag) =	ssettag $0x1  }
0x1: {  	s0 =	rddreg [dreg:$0x0]  }
0x2: {  	s1 =	rddreg [dreg:$0x1]  }
0x3: {  	s3 =	srdreg.scid;
	s2 =	stileid.u32;
	s4 =	simm.s32 $0x0  }
0x4: {  	s28 =	simm.s32 $0x9000;
	s29 =	simm.s32 $0x9;
	s31 =	simm.s32 $0xA  }
0x5: {  	s8 =	sand.u32 $0x1, s3;
	s11 =	sshll.u32 s2, $0x1;
	[smem:$0x7FF] =	sst s4  }
0x6: {  	s12 =	sadd.s32 $0x2800, s0;
	s20 =	smul.u32 $0x190000, s2;
	s9 =	sor.u32 s8, s11  }
0x7: {  	s13 =	sadd.s32 $0x66800, s0;
	s6 =	sadd.s32 $0xCA800, s0;
	s14 =	smul.u32 $0x19000, s9  }
0x8: {  	s7 =	sadd.s32 $0x1800, s0;
	s10 =	ssub.s32 $0x2, s8;
	s9 =	smul.u32 $0xC8000, s9  }
0x9: {  	_ =	strace $0x80000047;
	[dreg:$0x4] =	wrdreg s12;
	s15 =	sshrl.u32 s10, $0x1  }
0xa: {  	[dreg:$0x5] =	wrdreg s13;
	s0 =	ssub.s32 s10, s15;
	s19 =	sadd.s32 s1, s9  }
0xb: {  	s11 =	sshrl.u32 s14, $0x3;
	s0 =	smax.u32 s0, $0x1;
	[dreg:$0xa] =	wrdreg s19  }
0xc: {  	s2 =	simm.s32 $0x0;
	s5 =	sadd.s32 s12, s11;
	[dreg:$0x12] =	wrdreg s0  }
0xd: {  	s8 =	smul.u32 $0xC8000, s8;
	s17 =	sadd.s32 s13, s11;
	[dreg:$0x6] =	wrdreg s5  }
0xe: {  	s15 =	simm.s32 $0x3;
	s21 =	sadd.s32 $0x4, s19;
	[dreg:$0x7] =	wrdreg s17  }
0xf: {  	s1 =	sadd.s32 s20, s1;
	s22 =	sadd.s32 $0x800, s19;
	[dreg:$0xb] =	wrdreg s21  }
0x10: {  	s20 =	simm.s32 $0x6;
	s23 =	sadd.s32 $0x804, s19;
	[dreg:$0xc] =	wrdreg s22  }
0x11: {  	s16 =	sor.u32 $0x80, s11;
	s24 =	sadd.s32 $0x1000, s19;
	[dreg:$0xd] =	wrdreg s23  }
0x12: {  	s25 =	sadd.s32 $0x1004, s19;
	s26 =	sadd.s32 $0x1800, s19;
	[dreg:$0xe] =	wrdreg s24  }
0x13: {  	s1 =	sadd.s32 s8, s1;
	s30 =	sadd.s32 $0x1804, s19;
	[dreg:$0xf] =	wrdreg s25  }
0x14: {  	s8 =	simm.s32 $0xD000;
	s11 =	simm.s32 $0x7000;
	[dreg:$0x10] =	wrdreg s26  }
0x15: {  	s19 =	simm.s32 $0x5;
	s3 =	sadd.s32 s12, s16;
	[dreg:$0x11] =	wrdreg s30  }
0x16: {  	s18 =	sadd.s32 s13, s16;
	[dreg:$0x3] =	wrdreg s1;
	s5 =	simm.s32 $0x1  }
0x17: {  	s25 =	simm.s32 $0x80;
	s1 =	simm.s32 $0x3000;
	s23 =	simm.s32 $0xB000  }
0x18: {  	s22 =	simm.s32 $0x5000;
	s13 =	simm.s32 $0xF000;
	s16 =	simm.s32 $0x20  }
0x19: {  	s17 =	simm.s32 $0x40;
	s12 =	simm.s32 $0x7;
	[dreg:$0x8] =	wrdreg s3  }
0x1a: {  	s24 =	simm.s32 $0x8;
	[dreg:$0x9] =	wrdreg s18;
	s18 =	simm.s32 $0x4  }
.LBB2_1:
0x1b: {  	[dreg:$0x13] =	wrdreg s2  }
0x1c: {  	s2 =	simm.s32 $0x0;
	s0 =	rddreg [dreg:$0x6]  }
0x1d: {  	[tilespmem:s2], [sflag:$0x1] =	stream.linear.gather [hbm4b:s0+s2], $0x400, $0x38;
	[tilespmem:$0x11000] =	vst v63  }
0x1e: {  	s9 =	rddreg [dreg:$0x7];
	s3 =	simm.s32 $0x800  }
0x1f: {  	[tilespmem:s3], [sflag:$0x1] =	stream.linear.gather [hbm4b:s9+s2], $0x400, $0x38;
	[tilespmem:$0x11000] =	vst v63  }
0x20: {  	s10 =	rddreg [dreg:$0x8];
	s4 =	simm.s32 $0x400  }
0x21: {  	[tilespmem:s4], [sflag:$0x2] =	stream.linear.gather [hbm4b:s10+s2], $0x400, $0x38;
	[tilespmem:$0x11000] =	vst v63  }
0x22: {  	s21 =	rddreg [dreg:$0x9];
	s26 =	simm.s32 $0xC00  }
0x23: {  	[tilespmem:s26], [sflag:$0x2] =	stream.linear.gather [hbm4b:s21+s2], $0x400, $0x38;
	[tilespmem:$0x11000] =	vst v63  }
0x24: {  	_ =	swait.ge [sflag:s5], $0x400  }
0x25: {  	[sflag:s5] =	ssyncset.done $0x0  }
0x26: {  	[sflag:s5] =	ssyncadd.s32 $0xFFFFFC00  }
0x27: {  	_ =	swait.ge [sflag:s5], $0x400  }
0x28: {  	[sflag:s5] =	ssyncset.done $0x0  }
0x29: {  	s4 =	simm.s32 $0x1000;
	[sflag:s5] =	ssyncadd.s32 $0xFFFFFC00  }
0x2a: {  	[tilespmem:s4], [sflag:$0x3] =	stream.indirect.gather [hbm4b:s6+s25], $0x20, s2, s25, $0xb8;
	[tilespmem:$0x11000] =	vst v63  }
0x2b: {  	_ = 	snop  }
0x2c: {  	[tilespmem:s28], [sflag:$0x3] =	stream.indirect.gather [hbm4b:s7+s25], $0x20, s3, s25, $0xb8;
	[tilespmem:$0x11000] =	vst v63  }
0x2d: {  	s5 =	simm.s32 $0x2000  }
0x2e: {  	[tilespmem:s5], [sflag:$0x3] =	stream.indirect.gather [hbm4b:s6+s25], $0x20, s25, s25, $0xb8;
	[tilespmem:$0x11000] =	vst v63  }
0x2f: {  	s9 =	simm.s32 $0x880;
	s26 =	simm.s32 $0xA000  }
0x30: {  	[tilespmem:s26], [sflag:$0x3] =	stream.indirect.gather [hbm4b:s7+s25], $0x20, s9, s25, $0xb8;
	[tilespmem:$0x11000] =	vst v63  }
0x31: {  	s10 =	simm.s32 $0x100  }
0x32: {  	[tilespmem:s1], [sflag:$0x4] =	stream.indirect.gather [hbm4b:s6+s25], $0x20, s10, s25, $0xb8;
	[tilespmem:$0x11000] =	vst v63  }
0x33: {  	s21 =	simm.s32 $0x900  }
0x34: {  	[tilespmem:s23], [sflag:$0x4] =	stream.indirect.gather [hbm4b:s7+s25], $0x20, s21, s25, $0xb8;
	[tilespmem:$0x11000] =	vst v63  }
0x35: {  	s3 =	simm.s32 $0x180;
	s9 =	simm.s32 $0x4000  }
0x36: {  	[tilespmem:s9], [sflag:$0x4] =	stream.indirect.gather [hbm4b:s6+s25], $0x20, s3, s25, $0xb8;
	[tilespmem:$0x11000] =	vst v63  }
0x37: {  	s10 =	simm.s32 $0x980;
	s21 =	simm.s32 $0xC000  }
0x38: {  	[tilespmem:s21], [sflag:$0x4] =	stream.indirect.gather [hbm4b:s7+s25], $0x20, s10, s25, $0xb8;
	[tilespmem:$0x11000] =	vst v63  }
0x39: {  	s3 =	simm.s32 $0x200  }
0x3a: {  	[tilespmem:s22], [sflag:$0x5] =	stream.indirect.gather [hbm4b:s6+s25], $0x20, s3, s25, $0xb8;
	[tilespmem:$0x11000] =	vst v63  }
0x3b: {  	s9 =	simm.s32 $0xA00  }
0x3c: {  	[tilespmem:s8], [sflag:$0x5] =	stream.indirect.gather [hbm4b:s7+s25], $0x20, s9, s25, $0xb8;
	[tilespmem:$0x11000] =	vst v63  }
0x3d: {  	s10 =	simm.s32 $0x280;
	s21 =	simm.s32 $0x6000  }
0x3e: {  	[tilespmem:s21], [sflag:$0x5] =	stream.indirect.gather [hbm4b:s6+s25], $0x20, s10, s25, $0xb8;
	[tilespmem:$0x11000] =	vst v63  }
0x3f: {  	s3 =	simm.s32 $0xA80;
	s9 =	simm.s32 $0xE000  }
0x40: {  	[tilespmem:s9], [sflag:$0x5] =	stream.indirect.gather [hbm4b:s7+s25], $0x20, s3, s25, $0xb8;
	[tilespmem:$0x11000] =	vst v63  }
0x41: {  	s10 =	simm.s32 $0x300  }
0x42: {  	[tilespmem:s11], [sflag:$0x6] =	stream.indirect.gather [hbm4b:s6+s25], $0x20, s10, s25, $0xb8;
	[tilespmem:$0x11000] =	vst v63  }
0x43: {  	s21 =	simm.s32 $0xB00  }
0x44: {  	[tilespmem:s13], [sflag:$0x6] =	stream.indirect.gather [hbm4b:s7+s25], $0x20, s21, s25, $0xb8;
	[tilespmem:$0x11000] =	vst v63  }
0x45: {  	s3 =	simm.s32 $0x380;
	s9 =	simm.s32 $0x8000  }
0x46: {  	[tilespmem:s9], [sflag:$0x6] =	stream.indirect.gather [hbm4b:s6+s25], $0x20, s3, s25, $0xb8;
	[tilespmem:$0x11000] =	vst v63  }
0x47: {  	s10 =	simm.s32 $0xB80;
	s21 =	simm.s32 $0x10000  }
0x48: {  	[tilespmem:s21], [sflag:$0x6] =	stream.indirect.gather [hbm4b:s7+s25], $0x20, s10, s25, $0xb8;
	[tilespmem:$0x11000] =	vst v63  }
0x49: {  	_ =	swait.ge [sflag:s15], $0x1000  }
0x4a: {  	[sflag:s15] =	ssyncset.done $0x0  }
0x4b: {  	[sflag:s15] =	ssyncadd.s32 $0xFFFFF000  }
0x4c: {  	_ =	swait.ge [sflag:s15], $0x1000  }
0x4d: {  	[sflag:s15] =	ssyncset.done $0x0  }
0x4e: {  	[sflag:s15] =	ssyncadd.s32 $0xFFFFF000  }
0x4f: {  	_ =	swait.ge [sflag:s15], $0x1000  }
0x50: {  	[sflag:s15] =	ssyncset.done $0x0  }
0x51: {  	[sflag:s15] =	ssyncadd.s32 $0xFFFFF000  }
0x52: {  	_ =	swait.ge [sflag:s15], $0x1000  }
0x53: {  	[sflag:s15] =	ssyncset.done $0x0  }
0x54: {  	s9 =	rddreg [dreg:$0xa];
	[sflag:s15] =	ssyncadd.s32 $0xFFFFF000  }
0x55: {  	[hbm4b:s9+s16] =	stream.strided.scatter [tilespmem:s4], [sflag:$0x7], $0x2000, s17, s16, $0x38;
	[tilespmem:$0x11000] =	vst v63  }
0x56: {  	s10 =	rddreg [dreg:$0xb]  }
0x57: {  	[hbm4b:s10+s16] =	stream.strided.scatter [tilespmem:s28], [sflag:$0x7], $0x2000, s17, s16, $0x38;
	[tilespmem:$0x11000] =	vst v63  }
0x58: {  	_ =	swait.ge [sflag:s18], $0x1000  }
0x59: {  	[sflag:s18] =	ssyncset.done $0x0  }
0x5a: {  	[sflag:s18] =	ssyncadd.s32 $0xFFFFF000  }
0x5b: {  	_ =	swait.ge [sflag:s18], $0x1000  }
0x5c: {  	[sflag:s18] =	ssyncset.done $0x0  }
0x5d: {  	[sflag:s18] =	ssyncadd.s32 $0xFFFFF000  }
0x5e: {  	_ =	swait.ge [sflag:s18], $0x1000  }
0x5f: {  	[sflag:s18] =	ssyncset.done $0x0  }
0x60: {  	[sflag:s18] =	ssyncadd.s32 $0xFFFFF000  }
0x61: {  	_ =	swait.ge [sflag:s18], $0x1000  }
0x62: {  	[sflag:s18] =	ssyncset.done $0x0  }
0x63: {  	s21 =	rddreg [dreg:$0xc];
	[sflag:s18] =	ssyncadd.s32 $0xFFFFF000  }
0x64: {  	[hbm4b:s21+s16] =	stream.strided.scatter [tilespmem:s1], [sflag:$0x8], $0x2000, s17, s16, $0x38;
	[tilespmem:$0x11000] =	vst v63  }
0x65: {  	s3 =	rddreg [dreg:$0xd]  }
0x66: {  	[hbm4b:s3+s16] =	stream.strided.scatter [tilespmem:s23], [sflag:$0x8], $0x2000, s17, s16, $0x38;
	[tilespmem:$0x11000] =	vst v63  }
0x67: {  	_ =	swait.ge [sflag:s19], $0x1000  }
0x68: {  	[sflag:s19] =	ssyncset.done $0x0  }
0x69: {  	[sflag:s19] =	ssyncadd.s32 $0xFFFFF000  }
0x6a: {  	_ =	swait.ge [sflag:s19], $0x1000  }
0x6b: {  	[sflag:s19] =	ssyncset.done $0x0  }
0x6c: {  	[sflag:s19] =	ssyncadd.s32 $0xFFFFF000  }
0x6d: {  	_ =	swait.ge [sflag:s19], $0x1000  }
0x6e: {  	[sflag:s19] =	ssyncset.done $0x0  }
0x6f: {  	[sflag:s19] =	ssyncadd.s32 $0xFFFFF000  }
0x70: {  	_ =	swait.ge [sflag:s19], $0x1000  }
0x71: {  	[sflag:s19] =	ssyncset.done $0x0  }
0x72: {  	s9 =	rddreg [dreg:$0xe];
	[sflag:s19] =	ssyncadd.s32 $0xFFFFF000  }
0x73: {  	[hbm4b:s9+s16] =	stream.strided.scatter [tilespmem:s22], [sflag:$0x9], $0x2000, s17, s16, $0x38;
	[tilespmem:$0x11000] =	vst v63  }
0x74: {  	s10 =	rddreg [dreg:$0xf]  }
0x75: {  	[hbm4b:s10+s16] =	stream.strided.scatter [tilespmem:s8], [sflag:$0x9], $0x2000, s17, s16, $0x38;
	[tilespmem:$0x11000] =	vst v63  }
0x76: {  	_ =	swait.ge [sflag:s20], $0x1000  }
0x77: {  	[sflag:s20] =	ssyncset.done $0x0  }
0x78: {  	[sflag:s20] =	ssyncadd.s32 $0xFFFFF000  }
0x79: {  	_ =	swait.ge [sflag:s20], $0x1000  }
0x7a: {  	[sflag:s20] =	ssyncset.done $0x0  }
0x7b: {  	[sflag:s20] =	ssyncadd.s32 $0xFFFFF000  }
0x7c: {  	_ =	swait.ge [sflag:s20], $0x1000  }
0x7d: {  	[sflag:s20] =	ssyncset.done $0x0  }
0x7e: {  	s9 =	simm.s32 $0x2;
	[sflag:s20] =	ssyncadd.s32 $0xFFFFF000  }
0x7f: {  	s0 =	smin.u32 s9, $0x63;
	_ =	swait.ge [sflag:s20], $0x1000  }
0x80: {  	s9 =	simm.s32 $0x1;
	s0 =	sshll.u32 s0, $0xA;
	[sflag:s20] =	ssyncset.done $0x0  }
0x81: {  	s9 =	sand.u32 $0x1, s9;
	s21 =	rddreg [dreg:$0x10];
	[sflag:s20] =	ssyncadd.s32 $0xFFFFF000  }
0x82: {  	[hbm4b:s21+s16] =	stream.strided.scatter [tilespmem:s11], [sflag:$0xA], $0x2000, s17, s16, $0x38;
	[tilespmem:$0x11000] =	vst v63  }
0x83: {  	s0 =	sadd.s32 s14, s0;
	s10 =	sxor.u32 $0x1, s9;
	s3 =	rddreg [dreg:$0x11]  }
0x84: {  	[hbm4b:s3+s16] =	stream.strided.scatter [tilespmem:s13], [sflag:$0xA], $0x2000, s17, s16, $0x38;
	[tilespmem:$0x11000] =	vst v63  }
0x85: {  	s0 =	sshrl.u32 s0, $0x3;
	s21 =	sshll.u32 s10, $0xA;
	s3 =	rddreg [dreg:$0x4]  }
0x86: {  	s10 =	sadd.s32 $0x1, s10;
	s30 =	sadd.s32 s3, s0;
	s3 =	rddreg [dreg:$0x5]  }
0x87: {  	[tilespmem:s21], [sflag:s10] =	stream.linear.gather [hbm4b:s30+s2], $0x400, $0x38;
	[tilespmem:$0x11000] =	vst v63  }
0x88: {  	s21 =	sor.u32 $0x800, s21;
	s0 =	sadd.s32 s3, s0;
	s30 =	sadd.s32 $0x1, s9  }
0x89: {  	[tilespmem:s21], [sflag:s10] =	stream.linear.gather [hbm4b:s0+s2], $0x400, $0x38;
	[tilespmem:$0x11000] =	vst v63  }
0x8a: {  	_ =	swait.ge [sflag:s30], $0x400  }
0x8b: {  	[sflag:s30] =	ssyncset.done $0x0  }
0x8c: {  	[sflag:s30] =	ssyncadd.s32 $0xFFFFFC00  }
0x8d: {  	_ =	swait.ge [sflag:s30], $0x400  }
0x8e: {  	[sflag:s30] =	ssyncset.done $0x0  }
0x8f: {  	[sflag:s30] =	ssyncadd.s32 $0xFFFFFC00  }
0x90: {  	_ =	swait.ge [sflag:s12], $0x2000  }
0x91: {  	[sflag:s12] =	ssyncset.done $0x0  }
0x92: {  	[sflag:s12] =	ssyncadd.s32 $0xFFFFE000  }
0x93: {  	_ =	swait.ge [sflag:s12], $0x2000  }
0x94: {  	[sflag:s12] =	ssyncset.done $0x0  }
0x95: {  	s0 =	sshll.u32 s9, $0xA;
	[sflag:s12] =	ssyncadd.s32 $0xFFFFE000  }
0x96: {  	[tilespmem:s4], [sflag:$0x3] =	stream.indirect.gather [hbm4b:s6+s25], $0x20, s0, s25, $0xb8;
	[tilespmem:$0x11000] =	vst v63  }
0x97: {  	s9 =	sor.u32 $0x800, s0  }
0x98: {  	[tilespmem:s28], [sflag:$0x3] =	stream.indirect.gather [hbm4b:s7+s25], $0x20, s9, s25, $0xb8;
	[tilespmem:$0x11000] =	vst v63  }
0x99: {  	s10 =	sor.u32 $0x80, s0  }
0x9a: {  	[tilespmem:s5], [sflag:$0x3] =	stream.indirect.gather [hbm4b:s6+s25], $0x20, s10, s25, $0xb8;
	[tilespmem:$0x11000] =	vst v63  }
0x9b: {  	s21 =	sor.u32 $0x880, s0  }
0x9c: {  	[tilespmem:s26], [sflag:$0x3] =	stream.indirect.gather [hbm4b:s7+s25], $0x20, s21, s25, $0xb8;
	[tilespmem:$0x11000] =	vst v63  }
0x9d: {  	_ =	swait.ge [sflag:s24], $0x2000  }
0x9e: {  	[sflag:s24] =	ssyncset.done $0x0  }
0x9f: {  	[sflag:s24] =	ssyncadd.s32 $0xFFFFE000  }
0xa0: {  	_ =	swait.ge [sflag:s24], $0x2000  }
0xa1: {  	[sflag:s24] =	ssyncset.done $0x0  }
0xa2: {  	s2 =	sor.u32 $0x100, s0;
	[sflag:s24] =	ssyncadd.s32 $0xFFFFE000  }
0xa3: {  	[tilespmem:s1], [sflag:$0x4] =	stream.indirect.gather [hbm4b:s6+s25], $0x20, s2, s25, $0xb8;
	[tilespmem:$0x11000] =	vst v63  }
0xa4: {  	s3 =	sor.u32 $0x900, s0  }
0xa5: {  	[tilespmem:s23], [sflag:$0x4] =	stream.indirect.gather [hbm4b:s7+s25], $0x20, s3, s25, $0xb8;
	[tilespmem:$0x11000] =	vst v63  }
0xa6: {  	s5 =	sor.u32 $0x180, s0;
	s10 =	simm.s32 $0x4000  }
0xa7: {  	[tilespmem:s10], [sflag:$0x4] =	stream.indirect.gather [hbm4b:s6+s25], $0x20, s5, s25, $0xb8;
	[tilespmem:$0x11000] =	vst v63  }
0xa8: {  	s21 =	sor.u32 $0x980, s0;
	s26 =	simm.s32 $0xC000  }
0xa9: {  	[tilespmem:s26], [sflag:$0x4] =	stream.indirect.gather [hbm4b:s7+s25], $0x20, s21, s25, $0xb8;
	[tilespmem:$0x11000] =	vst v63  }
0xaa: {  	_ =	swait.ge [sflag:s29], $0x2000  }
0xab: {  	[sflag:s29] =	ssyncset.done $0x0  }
0xac: {  	[sflag:s29] =	ssyncadd.s32 $0xFFFFE000  }
0xad: {  	_ =	swait.ge [sflag:s29], $0x2000  }
0xae: {  	[sflag:s29] =	ssyncset.done $0x0  }
0xaf: {  	s2 =	sor.u32 $0x200, s0;
	[sflag:s29] =	ssyncadd.s32 $0xFFFFE000  }
0xb0: {  	[tilespmem:s22], [sflag:$0x5] =	stream.indirect.gather [hbm4b:s6+s25], $0x20, s2, s25, $0xb8;
	[tilespmem:$0x11000] =	vst v63  }
0xb1: {  	s3 =	sor.u32 $0xA00, s0  }
0xb2: {  	[tilespmem:s8], [sflag:$0x5] =	stream.indirect.gather [hbm4b:s7+s25], $0x20, s3, s25, $0xb8;
	[tilespmem:$0x11000] =	vst v63  }
0xb3: {  	s5 =	sor.u32 $0x280, s0;
	s10 =	simm.s32 $0x6000  }
0xb4: {  	[tilespmem:s10], [sflag:$0x5] =	stream.indirect.gather [hbm4b:s6+s25], $0x20, s5, s25, $0xb8;
	[tilespmem:$0x11000] =	vst v63  }
0xb5: {  	s21 =	sor.u32 $0xA80, s0;
	s26 =	simm.s32 $0xE000  }
0xb6: {  	[tilespmem:s26], [sflag:$0x5] =	stream.indirect.gather [hbm4b:s7+s25], $0x20, s21, s25, $0xb8;
	[tilespmem:$0x11000] =	vst v63  }
0xb7: {  	_ =	swait.ge [sflag:s31], $0x2000  }
0xb8: {  	[sflag:s31] =	ssyncset.done $0x0  }
0xb9: {  	[sflag:s31] =	ssyncadd.s32 $0xFFFFE000  }
0xba: {  	_ =	swait.ge [sflag:s31], $0x2000  }
0xbb: {  	[sflag:s31] =	ssyncset.done $0x0  }
0xbc: {  	s2 =	sor.u32 $0x300, s0;
	[sflag:s31] =	ssyncadd.s32 $0xFFFFE000  }
0xbd: {  	[tilespmem:s11], [sflag:$0x6] =	stream.indirect.gather [hbm4b:s6+s25], $0x20, s2, s25, $0xb8;
	[tilespmem:$0x11000] =	vst v63  }
0xbe: {  	s3 =	sor.u32 $0xB00, s0  }
0xbf: {  	[tilespmem:s13], [sflag:$0x6] =	stream.indirect.gather [hbm4b:s7+s25], $0x20, s3, s25, $0xb8;
	[tilespmem:$0x11000] =	vst v63  }
0xc0: {  	s5 =	sor.u32 $0x380, s0;
	s10 =	simm.s32 $0x8000  }
0xc1: {  	[tilespmem:s10], [sflag:$0x6] =	stream.indirect.gather [hbm4b:s6+s25], $0x20, s5, s25, $0xb8;
	[tilespmem:$0x11000] =	vst v63  }
0xc2: {  	s0 =	sor.u32 $0xB80, s0;
	s21 =	simm.s32 $0x10000  }
0xc3: {  	[tilespmem:s21], [sflag:$0x6] =	stream.indirect.gather [hbm4b:s7+s25], $0x20, s0, s25, $0xb8;
	[tilespmem:$0x11000] =	vst v63  }
0xc4: {  	_ =	swait.ge [sflag:s15], $0x1000  }
0xc5: {  	[sflag:s15] =	ssyncset.done $0x0  }
0xc6: {  	[sflag:s15] =	ssyncadd.s32 $0xFFFFF000  }
0xc7: {  	_ =	swait.ge [sflag:s15], $0x1000  }
0xc8: {  	[sflag:s15] =	ssyncset.done $0x0  }
0xc9: {  	[sflag:s15] =	ssyncadd.s32 $0xFFFFF000  }
0xca: {  	_ =	swait.ge [sflag:s15], $0x1000  }
0xcb: {  	[sflag:s15] =	ssyncset.done $0x0  }
0xcc: {  	[sflag:s15] =	ssyncadd.s32 $0xFFFFF000  }
0xcd: {  	_ =	swait.ge [sflag:s15], $0x1000  }
0xce: {  	s26 =	rddreg [dreg:$0x3]  }
0xcf: {  	[sflag:s15] =	ssyncset.done $0x0;
	s21 =	sadd.s32 $0x0, s26  }
0xd0: {  	[sflag:s15] =	ssyncadd.s32 $0xFFFFF000;
	s0 =	sadd.s32 $0x2000, s21  }
0xd1: {  	[hbm4b:s0+s16] =	stream.strided.scatter [tilespmem:s4], [sflag:$0x7], $0x2000, s17, s16, $0x38;
	[tilespmem:$0x11000] =	vst v63  }
0xd2: {  	s2 =	sadd.s32 $0x2004, s21  }
0xd3: {  	[hbm4b:s2+s16] =	stream.strided.scatter [tilespmem:s28], [sflag:$0x7], $0x2000, s17, s16, $0x38;
	[tilespmem:$0x11000] =	vst v63  }
0xd4: {  	_ =	swait.ge [sflag:s18], $0x1000  }
0xd5: {  	[sflag:s18] =	ssyncset.done $0x0  }
0xd6: {  	[sflag:s18] =	ssyncadd.s32 $0xFFFFF000  }
0xd7: {  	_ =	swait.ge [sflag:s18], $0x1000  }
0xd8: {  	[sflag:s18] =	ssyncset.done $0x0  }
0xd9: {  	[sflag:s18] =	ssyncadd.s32 $0xFFFFF000  }
0xda: {  	_ =	swait.ge [sflag:s18], $0x1000  }
0xdb: {  	[sflag:s18] =	ssyncset.done $0x0  }
0xdc: {  	[sflag:s18] =	ssyncadd.s32 $0xFFFFF000  }
0xdd: {  	_ =	swait.ge [sflag:s18], $0x1000  }
0xde: {  	[sflag:s18] =	ssyncset.done $0x0  }
0xdf: {  	s3 =	sadd.s32 $0x2800, s21;
	[sflag:s18] =	ssyncadd.s32 $0xFFFFF000  }
0xe0: {  	[hbm4b:s3+s16] =	stream.strided.scatter [tilespmem:s1], [sflag:$0x8], $0x2000, s17, s16, $0x38;
	[tilespmem:$0x11000] =	vst v63  }
0xe1: {  	s4 =	sadd.s32 $0x2804, s21  }
0xe2: {  	[hbm4b:s4+s16] =	stream.strided.scatter [tilespmem:s23], [sflag:$0x8], $0x2000, s17, s16, $0x38;
	[tilespmem:$0x11000] =	vst v63  }
0xe3: {  	_ =	swait.ge [sflag:s19], $0x1000  }
0xe4: {  	[sflag:s19] =	ssyncset.done $0x0  }
0xe5: {  	[sflag:s19] =	ssyncadd.s32 $0xFFFFF000  }
0xe6: {  	_ =	swait.ge [sflag:s19], $0x1000  }
0xe7: {  	[sflag:s19] =	ssyncset.done $0x0  }
0xe8: {  	[sflag:s19] =	ssyncadd.s32 $0xFFFFF000  }
0xe9: {  	_ =	swait.ge [sflag:s19], $0x1000  }
0xea: {  	[sflag:s19] =	ssyncset.done $0x0  }
0xeb: {  	[sflag:s19] =	ssyncadd.s32 $0xFFFFF000  }
0xec: {  	_ =	swait.ge [sflag:s19], $0x1000  }
0xed: {  	[sflag:s19] =	ssyncset.done $0x0  }
0xee: {  	s5 =	sadd.s32 $0x3000, s21;
	[sflag:s19] =	ssyncadd.s32 $0xFFFFF000  }
0xef: {  	[hbm4b:s5+s16] =	stream.strided.scatter [tilespmem:s22], [sflag:$0x9], $0x2000, s17, s16, $0x38;
	[tilespmem:$0x11000] =	vst v63  }
0xf0: {  	s9 =	sadd.s32 $0x3004, s21  }
0xf1: {  	[hbm4b:s9+s16] =	stream.strided.scatter [tilespmem:s8], [sflag:$0x9], $0x2000, s17, s16, $0x38;
	[tilespmem:$0x11000] =	vst v63  }
0xf2: {  	_ =	swait.ge [sflag:s20], $0x1000  }
0xf3: {  	[sflag:s20] =	ssyncset.done $0x0  }
0xf4: {  	[sflag:s20] =	ssyncadd.s32 $0xFFFFF000  }
0xf5: {  	s30 =	simm.s32 $0x3;
	_ =	swait.ge [sflag:s20], $0x1000  }
0xf6: {  	s10 =	smin.u32 s30, $0x63;
	[sflag:s20] =	ssyncset.done $0x0  }
0xf7: {  	s26 =	sshll.u32 s10, $0xA;
	[sflag:s20] =	ssyncadd.s32 $0xFFFFF000  }
0xf8: {  	s10 =	sadd.s32 s14, s26;
	_ =	swait.ge [sflag:s20], $0x1000  }
0xf9: {  	s0 =	simm.s32 $0x2000;
	s9 =	simm.s32 $0x4000;
	[sflag:s20] =	ssyncset.done $0x0  }
.LBB2_2:
0xfa: {  	[sflag:s20] =	ssyncadd.s32 $0xFFFFF000  }
0xfb: {  	s26 =	smov.u32 s14;
	s4 =	sadd.s32 $0xFFFFFFFF, s30;
	_ =	swait.ge [sflag:s20], $0x1000  }
0xfc: {  	s2 =	sshrl.u32 s10, $0x3;
	s14 =	sand.u32 $0x1, s4;
	[sflag:s20] =	ssyncset.done $0x0  }
0xfd: {  	s5 =	sadd.s32 $0x3800, s21;
	s4 =	sxor.u32 $0x1, s14;
	[sflag:s20] =	ssyncadd.s32 $0xFFFFF000  }
0xfe: {  	[hbm4b:s5+s16] =	stream.strided.scatter [tilespmem:s11], [sflag:$0xA], $0x2000, s17, s16, $0x38;
	[tilespmem:$0x11000] =	vst v63  }
0xff: {  	s3 =	sadd.s32 $0x3804, s21;
	s21 =	sshll.u32 s4, $0xA;
	s5 =	rddreg [dreg:$0x4]  }
0x100: {  	[hbm4b:s3+s16] =	stream.strided.scatter [tilespmem:s13], [sflag:$0xA], $0x2000, s17, s16, $0x38;
	[tilespmem:$0x11000] =	vst v63  }
0x101: {  	s3 =	sadd.s32 $0x1, s4;
	s4 =	sadd.s32 s5, s2;
	s5 =	simm.s32 $0x0  }
0x102: {  	[tilespmem:s21], [sflag:s3] =	stream.linear.gather [hbm4b:s4+s5], $0x400, $0x38;
	[tilespmem:$0x11000] =	vst v63  }
0x103: {  	s4 =	sor.u32 $0x800, s21;
	s21 =	rddreg [dreg:$0x5]  }
0x104: {  	s2 =	sadd.s32 s21, s2;
	s21 =	sadd.s32 $0x1, s14  }
0x105: {  	[tilespmem:s4], [sflag:s3] =	stream.linear.gather [hbm4b:s2+s5], $0x400, $0x38;
	[tilespmem:$0x11000] =	vst v63  }
0x106: {  	_ =	swait.ge [sflag:s21], $0x400  }
0x107: {  	[sflag:s21] =	ssyncset.done $0x0  }
0x108: {  	[sflag:s21] =	ssyncadd.s32 $0xFFFFFC00  }
0x109: {  	_ =	swait.ge [sflag:s21], $0x400  }
0x10a: {  	[sflag:s21] =	ssyncset.done $0x0  }
0x10b: {  	[sflag:s21] =	ssyncadd.s32 $0xFFFFFC00  }
0x10c: {  	_ =	swait.ge [sflag:s12], $0x2000  }
0x10d: {  	[sflag:s12] =	ssyncset.done $0x0  }
0x10e: {  	[sflag:s12] =	ssyncadd.s32 $0xFFFFE000  }
0x10f: {  	_ =	swait.ge [sflag:s12], $0x2000  }
0x110: {  	[sflag:s12] =	ssyncset.done $0x0  }
0x111: {  	s3 =	simm.s32 $0x1000;
	s21 =	sshll.u32 s14, $0xA;
	[sflag:s12] =	ssyncadd.s32 $0xFFFFE000  }
0x112: {  	[tilespmem:s3], [sflag:$0x3] =	stream.indirect.gather [hbm4b:s6+s25], $0x20, s21, s25, $0xb8;
	[tilespmem:$0x11000] =	vst v63  }
0x113: {  	s5 =	sor.u32 $0x800, s21  }
0x114: {  	[tilespmem:s28], [sflag:$0x3] =	stream.indirect.gather [hbm4b:s7+s25], $0x20, s5, s25, $0xb8;
	[tilespmem:$0x11000] =	vst v63  }
0x115: {  	s4 =	sor.u32 $0x80, s21;
	s5 =	simm.s32 $0x2000  }
0x116: {  	[tilespmem:s5], [sflag:$0x3] =	stream.indirect.gather [hbm4b:s6+s25], $0x20, s4, s25, $0xb8;
	[tilespmem:$0x11000] =	vst v63  }
0x117: {  	s4 =	sor.u32 $0x880, s21;
	s5 =	simm.s32 $0xA000  }
0x118: {  	[tilespmem:s5], [sflag:$0x3] =	stream.indirect.gather [hbm4b:s7+s25], $0x20, s4, s25, $0xb8;
	[tilespmem:$0x11000] =	vst v63  }
0x119: {  	_ =	swait.ge [sflag:s24], $0x2000  }
0x11a: {  	[sflag:s24] =	ssyncset.done $0x0  }
0x11b: {  	[sflag:s24] =	ssyncadd.s32 $0xFFFFE000  }
0x11c: {  	_ =	swait.ge [sflag:s24], $0x2000  }
0x11d: {  	[sflag:s24] =	ssyncset.done $0x0  }
0x11e: {  	s4 =	sor.u32 $0x100, s21;
	[sflag:s24] =	ssyncadd.s32 $0xFFFFE000  }
0x11f: {  	[tilespmem:s1], [sflag:$0x4] =	stream.indirect.gather [hbm4b:s6+s25], $0x20, s4, s25, $0xb8;
	[tilespmem:$0x11000] =	vst v63  }
0x120: {  	s5 =	sor.u32 $0x900, s21  }
0x121: {  	[tilespmem:s23], [sflag:$0x4] =	stream.indirect.gather [hbm4b:s7+s25], $0x20, s5, s25, $0xb8;
	[tilespmem:$0x11000] =	vst v63  }
0x122: {  	s4 =	sor.u32 $0x180, s21;
	s5 =	simm.s32 $0x4000  }
0x123: {  	[tilespmem:s5], [sflag:$0x4] =	stream.indirect.gather [hbm4b:s6+s25], $0x20, s4, s25, $0xb8;
	[tilespmem:$0x11000] =	vst v63  }
0x124: {  	s4 =	sor.u32 $0x980, s21;
	s5 =	simm.s32 $0xC000  }
0x125: {  	[tilespmem:s5], [sflag:$0x4] =	stream.indirect.gather [hbm4b:s7+s25], $0x20, s4, s25, $0xb8;
	[tilespmem:$0x11000] =	vst v63  }
0x126: {  	_ =	swait.ge [sflag:s29], $0x2000  }
0x127: {  	[sflag:s29] =	ssyncset.done $0x0  }
0x128: {  	[sflag:s29] =	ssyncadd.s32 $0xFFFFE000  }
0x129: {  	_ =	swait.ge [sflag:s29], $0x2000  }
0x12a: {  	[sflag:s29] =	ssyncset.done $0x0  }
0x12b: {  	s4 =	sor.u32 $0x200, s21;
	[sflag:s29] =	ssyncadd.s32 $0xFFFFE000  }
0x12c: {  	[tilespmem:s22], [sflag:$0x5] =	stream.indirect.gather [hbm4b:s6+s25], $0x20, s4, s25, $0xb8;
	[tilespmem:$0x11000] =	vst v63  }
0x12d: {  	s5 =	sor.u32 $0xA00, s21  }
0x12e: {  	[tilespmem:s8], [sflag:$0x5] =	stream.indirect.gather [hbm4b:s7+s25], $0x20, s5, s25, $0xb8;
	[tilespmem:$0x11000] =	vst v63  }
0x12f: {  	s4 =	sor.u32 $0x280, s21;
	s5 =	simm.s32 $0x6000  }
0x130: {  	[tilespmem:s5], [sflag:$0x5] =	stream.indirect.gather [hbm4b:s6+s25], $0x20, s4, s25, $0xb8;
	[tilespmem:$0x11000] =	vst v63  }
0x131: {  	s4 =	sor.u32 $0xA80, s21;
	s5 =	simm.s32 $0xE000  }
0x132: {  	[tilespmem:s5], [sflag:$0x5] =	stream.indirect.gather [hbm4b:s7+s25], $0x20, s4, s25, $0xb8;
	[tilespmem:$0x11000] =	vst v63  }
0x133: {  	_ =	swait.ge [sflag:s31], $0x2000  }
0x134: {  	[sflag:s31] =	ssyncset.done $0x0  }
0x135: {  	[sflag:s31] =	ssyncadd.s32 $0xFFFFE000  }
0x136: {  	_ =	swait.ge [sflag:s31], $0x2000  }
0x137: {  	[sflag:s31] =	ssyncset.done $0x0  }
0x138: {  	s4 =	sor.u32 $0x300, s21;
	[sflag:s31] =	ssyncadd.s32 $0xFFFFE000  }
0x139: {  	[tilespmem:s11], [sflag:$0x6] =	stream.indirect.gather [hbm4b:s6+s25], $0x20, s4, s25, $0xb8;
	[tilespmem:$0x11000] =	vst v63  }
0x13a: {  	s5 =	sor.u32 $0xB00, s21  }
0x13b: {  	[tilespmem:s13], [sflag:$0x6] =	stream.indirect.gather [hbm4b:s7+s25], $0x20, s5, s25, $0xb8;
	[tilespmem:$0x11000] =	vst v63  }
0x13c: {  	s4 =	sor.u32 $0x380, s21;
	s5 =	simm.s32 $0x8000  }
0x13d: {  	[tilespmem:s5], [sflag:$0x6] =	stream.indirect.gather [hbm4b:s6+s25], $0x20, s4, s25, $0xb8;
	[tilespmem:$0x11000] =	vst v63  }
0x13e: {  	s5 =	sor.u32 $0xB80, s21;
	s21 =	simm.s32 $0x10000  }
0x13f: {  	[tilespmem:s21], [sflag:$0x6] =	stream.indirect.gather [hbm4b:s7+s25], $0x20, s5, s25, $0xb8;
	[tilespmem:$0x11000] =	vst v63  }
0x140: {  	_ =	swait.ge [sflag:s15], $0x1000  }
0x141: {  	[sflag:s15] =	ssyncset.done $0x0  }
0x142: {  	[sflag:s15] =	ssyncadd.s32 $0xFFFFF000  }
0x143: {  	_ =	swait.ge [sflag:s15], $0x1000  }
0x144: {  	[sflag:s15] =	ssyncset.done $0x0  }
0x145: {  	[sflag:s15] =	ssyncadd.s32 $0xFFFFF000  }
0x146: {  	_ =	swait.ge [sflag:s15], $0x1000  }
0x147: {  	[sflag:s15] =	ssyncset.done $0x0  }
0x148: {  	[sflag:s15] =	ssyncadd.s32 $0xFFFFF000  }
0x149: {  	_ =	swait.ge [sflag:s15], $0x1000  }
0x14a: {  	s4 =	rddreg [dreg:$0x3]  }
0x14b: {  	[sflag:s15] =	ssyncset.done $0x0;
	s21 =	sadd.s32 s0, s4  }
0x14c: {  	[sflag:s15] =	ssyncadd.s32 $0xFFFFF000;
	s2 =	sadd.s32 $0x2000, s21  }
0x14d: {  	[hbm4b:s2+s16] =	stream.strided.scatter [tilespmem:s3], [sflag:$0x7], $0x2000, s17, s16, $0x38;
	[tilespmem:$0x11000] =	vst v63  }
0x14e: {  	s5 =	sadd.s32 $0x2004, s21  }
0x14f: {  	[hbm4b:s5+s16] =	stream.strided.scatter [tilespmem:s28], [sflag:$0x7], $0x2000, s17, s16, $0x38;
	[tilespmem:$0x11000] =	vst v63  }
0x150: {  	_ =	swait.ge [sflag:s18], $0x1000  }
0x151: {  	[sflag:s18] =	ssyncset.done $0x0  }
0x152: {  	[sflag:s18] =	ssyncadd.s32 $0xFFFFF000  }
0x153: {  	_ =	swait.ge [sflag:s18], $0x1000  }
0x154: {  	[sflag:s18] =	ssyncset.done $0x0  }
0x155: {  	[sflag:s18] =	ssyncadd.s32 $0xFFFFF000  }
0x156: {  	_ =	swait.ge [sflag:s18], $0x1000  }
0x157: {  	[sflag:s18] =	ssyncset.done $0x0  }
0x158: {  	[sflag:s18] =	ssyncadd.s32 $0xFFFFF000  }
0x159: {  	_ =	swait.ge [sflag:s18], $0x1000  }
0x15a: {  	s10 =	smov.u32 s9;
	[sflag:s18] =	ssyncset.done $0x0  }
0x15b: {  	s0 =	smov.u32 s10;
	s10 =	sadd.s32 $0x2800, s21;
	[sflag:s18] =	ssyncadd.s32 $0xFFFFF000  }
0x15c: {  	[hbm4b:s10+s16] =	stream.strided.scatter [tilespmem:s1], [sflag:$0x8], $0x2000, s17, s16, $0x38;
	[tilespmem:$0x11000] =	vst v63  }
0x15d: {  	s3 =	sadd.s32 $0x2804, s21  }
0x15e: {  	[hbm4b:s3+s16] =	stream.strided.scatter [tilespmem:s23], [sflag:$0x8], $0x2000, s17, s16, $0x38;
	[tilespmem:$0x11000] =	vst v63  }
0x15f: {  	_ =	swait.ge [sflag:s19], $0x1000  }
0x160: {  	[sflag:s19] =	ssyncset.done $0x0  }
0x161: {  	[sflag:s19] =	ssyncadd.s32 $0xFFFFF000  }
0x162: {  	_ =	swait.ge [sflag:s19], $0x1000  }
0x163: {  	[sflag:s19] =	ssyncset.done $0x0  }
0x164: {  	[sflag:s19] =	ssyncadd.s32 $0xFFFFF000  }
0x165: {  	_ =	swait.ge [sflag:s19], $0x1000  }
0x166: {  	[sflag:s19] =	ssyncset.done $0x0  }
0x167: {  	[sflag:s19] =	ssyncadd.s32 $0xFFFFF000  }
0x168: {  	_ =	swait.ge [sflag:s19], $0x1000  }
0x169: {  	[sflag:s19] =	ssyncset.done $0x0  }
0x16a: {  	s4 =	sadd.s32 $0x3000, s21;
	[sflag:s19] =	ssyncadd.s32 $0xFFFFF000  }
0x16b: {  	[hbm4b:s4+s16] =	stream.strided.scatter [tilespmem:s22], [sflag:$0x9], $0x2000, s17, s16, $0x38;
	[tilespmem:$0x11000] =	vst v63  }
0x16c: {  	s5 =	sadd.s32 $0x3004, s21  }
0x16d: {  	[hbm4b:s5+s16] =	stream.strided.scatter [tilespmem:s8], [sflag:$0x9], $0x2000, s17, s16, $0x38;
	[tilespmem:$0x11000] =	vst v63  }
0x16e: {  	_ =	swait.ge [sflag:s20], $0x1000  }
0x16f: {  	[sflag:s20] =	ssyncset.done $0x0  }
0x170: {  	p0 =	sne.s32 s9, $0xC4000;
	[sflag:s20] =	ssyncadd.s32 $0xFFFFF000  }
.Ltmp0:
0x171: {  	_ =	swait.ge [sflag:s20], $0x1000;
	(pc) =	sbr.rel @p0 .LBB2_2-.Ltmp0, $4  }
0x172: {  	s30 =	sadd.s32 $0x1, s30;
	[sflag:s20] =	ssyncset.done $0x0  }
0x173: {  	s10 =	smin.u32 s30, $0x63;
	[sflag:s20] =	ssyncadd.s32 $0xFFFFF000  }
0x174: {  	s9 =	sadd.s32 $0x2000, s9;
	s2 =	sshll.u32 s10, $0xA;
	_ =	swait.ge [sflag:s20], $0x1000  }
0x175: {  	s14 =	smov.u32 s26;
	s10 =	sadd.s32 s26, s2;
	[sflag:s20] =	ssyncset.done $0x0  }
0x176: {  	[sflag:s20] =	ssyncadd.s32 $0xFFFFF000  }
0x177: {  	s2 =	sadd.s32 $0xFFFFFFFF, s30;
	s3 =	sadd.s32 $0x3800, s21;
	_ =	swait.ge [sflag:s20], $0x1000  }
0x178: {  	s4 =	sadd.s32 $0x3804, s21;
	s26 =	simm.s32 $0x0;
	[sflag:s20] =	ssyncset.done $0x0  }
0x179: {  	s2 =	sand.u32 $0x1, s2;
	s5 =	rddreg [dreg:$0x4];
	[sflag:s20] =	ssyncadd.s32 $0xFFFFF000  }
0x17a: {  	[hbm4b:s3+s16] =	stream.strided.scatter [tilespmem:s11], [sflag:$0xA], $0x2000, s17, s16, $0x38;
	[tilespmem:$0x11000] =	vst v63  }
0x17b: {  	s9 =	sxor.u32 $0x1, s2;
	s30 =	rddreg [dreg:$0x5];
	s3 =	sshrl.u32 s10, $0x3  }
0x17c: {  	[hbm4b:s4+s16] =	stream.strided.scatter [tilespmem:s13], [sflag:$0xA], $0x2000, s17, s16, $0x38;
	[tilespmem:$0x11000] =	vst v63  }
0x17d: {  	s21 =	sshll.u32 s9, $0xA;
	s9 =	sadd.s32 $0x1, s9;
	s10 =	sadd.s32 s5, s3  }
0x17e: {  	[tilespmem:s21], [sflag:s9] =	stream.linear.gather [hbm4b:s10+s26], $0x400, $0x38;
	[tilespmem:$0x11000] =	vst v63  }
0x17f: {  	s3 =	sadd.s32 s30, s3;
	s5 =	sadd.s32 $0x1, s2;
	s4 =	sor.u32 $0x800, s21  }
0x180: {  	[tilespmem:s4], [sflag:s9] =	stream.linear.gather [hbm4b:s3+s26], $0x400, $0x38;
	[tilespmem:$0x11000] =	vst v63  }
0x181: {  	_ =	swait.ge [sflag:s5], $0x400  }
0x182: {  	[sflag:s5] =	ssyncset.done $0x0  }
0x183: {  	[sflag:s5] =	ssyncadd.s32 $0xFFFFFC00  }
0x184: {  	_ =	swait.ge [sflag:s5], $0x400  }
0x185: {  	[sflag:s5] =	ssyncset.done $0x0  }
0x186: {  	[sflag:s5] =	ssyncadd.s32 $0xFFFFFC00  }
0x187: {  	_ =	swait.ge [sflag:s12], $0x2000  }
0x188: {  	[sflag:s12] =	ssyncset.done $0x0  }
0x189: {  	[sflag:s12] =	ssyncadd.s32 $0xFFFFE000  }
0x18a: {  	_ =	swait.ge [sflag:s12], $0x2000  }
0x18b: {  	[sflag:s12] =	ssyncset.done $0x0  }
0x18c: {  	s2 =	sshll.u32 s2, $0xA;
	s4 =	simm.s32 $0x1000;
	[sflag:s12] =	ssyncadd.s32 $0xFFFFE000  }
0x18d: {  	[tilespmem:s4], [sflag:$0x3] =	stream.indirect.gather [hbm4b:s6+s25], $0x20, s2, s25, $0xb8;
	[tilespmem:$0x11000] =	vst v63  }
0x18e: {  	s9 =	sor.u32 $0x800, s2  }
0x18f: {  	[tilespmem:s28], [sflag:$0x3] =	stream.indirect.gather [hbm4b:s7+s25], $0x20, s9, s25, $0xb8;
	[tilespmem:$0x11000] =	vst v63  }
0x190: {  	s10 =	sor.u32 $0x80, s2;
	s21 =	simm.s32 $0x2000  }
0x191: {  	[tilespmem:s21], [sflag:$0x3] =	stream.indirect.gather [hbm4b:s6+s25], $0x20, s10, s25, $0xb8;
	[tilespmem:$0x11000] =	vst v63  }
0x192: {  	s30 =	simm.s32 $0xA000;
	s26 =	sor.u32 $0x880, s2  }
0x193: {  	[tilespmem:s30], [sflag:$0x3] =	stream.indirect.gather [hbm4b:s7+s25], $0x20, s26, s25, $0xb8;
	[tilespmem:$0x11000] =	vst v63  }
0x194: {  	_ =	swait.ge [sflag:s24], $0x2000  }
0x195: {  	[sflag:s24] =	ssyncset.done $0x0  }
0x196: {  	[sflag:s24] =	ssyncadd.s32 $0xFFFFE000  }
0x197: {  	_ =	swait.ge [sflag:s24], $0x2000  }
0x198: {  	[sflag:s24] =	ssyncset.done $0x0  }
0x199: {  	s5 =	sor.u32 $0x100, s2;
	[sflag:s24] =	ssyncadd.s32 $0xFFFFE000  }
0x19a: {  	[tilespmem:s1], [sflag:$0x4] =	stream.indirect.gather [hbm4b:s6+s25], $0x20, s5, s25, $0xb8;
	[tilespmem:$0x11000] =	vst v63  }
0x19b: {  	s9 =	sor.u32 $0x900, s2  }
0x19c: {  	[tilespmem:s23], [sflag:$0x4] =	stream.indirect.gather [hbm4b:s7+s25], $0x20, s9, s25, $0xb8;
	[tilespmem:$0x11000] =	vst v63  }
0x19d: {  	s10 =	sor.u32 $0x180, s2;
	s21 =	simm.s32 $0x4000  }
0x19e: {  	[tilespmem:s21], [sflag:$0x4] =	stream.indirect.gather [hbm4b:s6+s25], $0x20, s10, s25, $0xb8;
	[tilespmem:$0x11000] =	vst v63  }
0x19f: {  	s26 =	sor.u32 $0x980, s2;
	s30 =	simm.s32 $0xC000  }
0x1a0: {  	[tilespmem:s30], [sflag:$0x4] =	stream.indirect.gather [hbm4b:s7+s25], $0x20, s26, s25, $0xb8;
	[tilespmem:$0x11000] =	vst v63  }
0x1a1: {  	_ =	swait.ge [sflag:s29], $0x2000  }
0x1a2: {  	[sflag:s29] =	ssyncset.done $0x0  }
0x1a3: {  	[sflag:s29] =	ssyncadd.s32 $0xFFFFE000  }
0x1a4: {  	_ =	swait.ge [sflag:s29], $0x2000  }
0x1a5: {  	[sflag:s29] =	ssyncset.done $0x0  }
0x1a6: {  	s5 =	sor.u32 $0x200, s2;
	[sflag:s29] =	ssyncadd.s32 $0xFFFFE000  }
0x1a7: {  	[tilespmem:s22], [sflag:$0x5] =	stream.indirect.gather [hbm4b:s6+s25], $0x20, s5, s25, $0xb8;
	[tilespmem:$0x11000] =	vst v63  }
0x1a8: {  	s9 =	sor.u32 $0xA00, s2  }
0x1a9: {  	[tilespmem:s8], [sflag:$0x5] =	stream.indirect.gather [hbm4b:s7+s25], $0x20, s9, s25, $0xb8;
	[tilespmem:$0x11000] =	vst v63  }
0x1aa: {  	s10 =	sor.u32 $0x280, s2;
	s21 =	simm.s32 $0x6000  }
0x1ab: {  	[tilespmem:s21], [sflag:$0x5] =	stream.indirect.gather [hbm4b:s6+s25], $0x20, s10, s25, $0xb8;
	[tilespmem:$0x11000] =	vst v63  }
0x1ac: {  	s26 =	sor.u32 $0xA80, s2;
	s30 =	simm.s32 $0xE000  }
0x1ad: {  	[tilespmem:s30], [sflag:$0x5] =	stream.indirect.gather [hbm4b:s7+s25], $0x20, s26, s25, $0xb8;
	[tilespmem:$0x11000] =	vst v63  }
0x1ae: {  	_ =	swait.ge [sflag:s31], $0x2000  }
0x1af: {  	[sflag:s31] =	ssyncset.done $0x0  }
0x1b0: {  	[sflag:s31] =	ssyncadd.s32 $0xFFFFE000  }
0x1b1: {  	_ =	swait.ge [sflag:s31], $0x2000  }
0x1b2: {  	[sflag:s31] =	ssyncset.done $0x0  }
0x1b3: {  	s5 =	sor.u32 $0x300, s2;
	[sflag:s31] =	ssyncadd.s32 $0xFFFFE000  }
0x1b4: {  	[tilespmem:s11], [sflag:$0x6] =	stream.indirect.gather [hbm4b:s6+s25], $0x20, s5, s25, $0xb8;
	[tilespmem:$0x11000] =	vst v63  }
0x1b5: {  	s9 =	sor.u32 $0xB00, s2  }
0x1b6: {  	[tilespmem:s13], [sflag:$0x6] =	stream.indirect.gather [hbm4b:s7+s25], $0x20, s9, s25, $0xb8;
	[tilespmem:$0x11000] =	vst v63  }
0x1b7: {  	s10 =	sor.u32 $0x380, s2;
	s21 =	simm.s32 $0x8000  }
0x1b8: {  	[tilespmem:s21], [sflag:$0x6] =	stream.indirect.gather [hbm4b:s6+s25], $0x20, s10, s25, $0xb8;
	[tilespmem:$0x11000] =	vst v63  }
0x1b9: {  	s2 =	sor.u32 $0xB80, s2;
	s26 =	simm.s32 $0x10000  }
0x1ba: {  	[tilespmem:s26], [sflag:$0x6] =	stream.indirect.gather [hbm4b:s7+s25], $0x20, s2, s25, $0xb8;
	[tilespmem:$0x11000] =	vst v63  }
0x1bb: {  	_ =	swait.ge [sflag:s15], $0x1000  }
0x1bc: {  	[sflag:s15] =	ssyncset.done $0x0  }
0x1bd: {  	[sflag:s15] =	ssyncadd.s32 $0xFFFFF000  }
0x1be: {  	_ =	swait.ge [sflag:s15], $0x1000  }
0x1bf: {  	[sflag:s15] =	ssyncset.done $0x0  }
0x1c0: {  	[sflag:s15] =	ssyncadd.s32 $0xFFFFF000  }
0x1c1: {  	_ =	swait.ge [sflag:s15], $0x1000  }
0x1c2: {  	[sflag:s15] =	ssyncset.done $0x0  }
0x1c3: {  	[sflag:s15] =	ssyncadd.s32 $0xFFFFF000  }
0x1c4: {  	_ =	swait.ge [sflag:s15], $0x1000  }
0x1c5: {  	s30 =	rddreg [dreg:$0x3]  }
0x1c6: {  	[sflag:s15] =	ssyncset.done $0x0;
	s0 =	sadd.s32 s0, s30  }
0x1c7: {  	[sflag:s15] =	ssyncadd.s32 $0xFFFFF000;
	s2 =	sadd.s32 $0x2000, s0  }
0x1c8: {  	[hbm4b:s2+s16] =	stream.strided.scatter [tilespmem:s4], [sflag:$0x7], $0x2000, s17, s16, $0x38;
	[tilespmem:$0x11000] =	vst v63  }
0x1c9: {  	s3 =	sadd.s32 $0x2004, s0  }
0x1ca: {  	[hbm4b:s3+s16] =	stream.strided.scatter [tilespmem:s28], [sflag:$0x7], $0x2000, s17, s16, $0x38;
	[tilespmem:$0x11000] =	vst v63  }
0x1cb: {  	_ =	swait.ge [sflag:s18], $0x1000  }
0x1cc: {  	[sflag:s18] =	ssyncset.done $0x0  }
0x1cd: {  	[sflag:s18] =	ssyncadd.s32 $0xFFFFF000  }
0x1ce: {  	_ =	swait.ge [sflag:s18], $0x1000  }
0x1cf: {  	[sflag:s18] =	ssyncset.done $0x0  }
0x1d0: {  	[sflag:s18] =	ssyncadd.s32 $0xFFFFF000  }
0x1d1: {  	_ =	swait.ge [sflag:s18], $0x1000  }
0x1d2: {  	[sflag:s18] =	ssyncset.done $0x0  }
0x1d3: {  	[sflag:s18] =	ssyncadd.s32 $0xFFFFF000  }
0x1d4: {  	_ =	swait.ge [sflag:s18], $0x1000  }
0x1d5: {  	[sflag:s18] =	ssyncset.done $0x0  }
0x1d6: {  	s4 =	sadd.s32 $0x2800, s0;
	[sflag:s18] =	ssyncadd.s32 $0xFFFFF000  }
0x1d7: {  	[hbm4b:s4+s16] =	stream.strided.scatter [tilespmem:s1], [sflag:$0x8], $0x2000, s17, s16, $0x38;
	[tilespmem:$0x11000] =	vst v63  }
0x1d8: {  	s5 =	sadd.s32 $0x2804, s0  }
0x1d9: {  	[hbm4b:s5+s16] =	stream.strided.scatter [tilespmem:s23], [sflag:$0x8], $0x2000, s17, s16, $0x38;
	[tilespmem:$0x11000] =	vst v63  }
0x1da: {  	_ =	swait.ge [sflag:s19], $0x1000  }
0x1db: {  	[sflag:s19] =	ssyncset.done $0x0  }
0x1dc: {  	[sflag:s19] =	ssyncadd.s32 $0xFFFFF000  }
0x1dd: {  	_ =	swait.ge [sflag:s19], $0x1000  }
0x1de: {  	[sflag:s19] =	ssyncset.done $0x0  }
0x1df: {  	[sflag:s19] =	ssyncadd.s32 $0xFFFFF000  }
0x1e0: {  	_ =	swait.ge [sflag:s19], $0x1000  }
0x1e1: {  	[sflag:s19] =	ssyncset.done $0x0  }
0x1e2: {  	[sflag:s19] =	ssyncadd.s32 $0xFFFFF000  }
0x1e3: {  	_ =	swait.ge [sflag:s19], $0x1000  }
0x1e4: {  	[sflag:s19] =	ssyncset.done $0x0  }
0x1e5: {  	s9 =	sadd.s32 $0x3000, s0;
	[sflag:s19] =	ssyncadd.s32 $0xFFFFF000  }
0x1e6: {  	[hbm4b:s9+s16] =	stream.strided.scatter [tilespmem:s22], [sflag:$0x9], $0x2000, s17, s16, $0x38;
	[tilespmem:$0x11000] =	vst v63  }
0x1e7: {  	s10 =	sadd.s32 $0x3004, s0  }
0x1e8: {  	[hbm4b:s10+s16] =	stream.strided.scatter [tilespmem:s8], [sflag:$0x9], $0x2000, s17, s16, $0x38;
	[tilespmem:$0x11000] =	vst v63  }
0x1e9: {  	_ =	swait.ge [sflag:s20], $0x1000  }
0x1ea: {  	[sflag:s20] =	ssyncset.done $0x0  }
0x1eb: {  	[sflag:s20] =	ssyncadd.s32 $0xFFFFF000  }
0x1ec: {  	_ =	swait.ge [sflag:s20], $0x1000  }
0x1ed: {  	[sflag:s20] =	ssyncset.done $0x0  }
0x1ee: {  	[sflag:s20] =	ssyncadd.s32 $0xFFFFF000  }
0x1ef: {  	_ =	swait.ge [sflag:s20], $0x1000  }
0x1f0: {  	[sflag:s20] =	ssyncset.done $0x0  }
0x1f1: {  	[sflag:s20] =	ssyncadd.s32 $0xFFFFF000  }
0x1f2: {  	_ =	swait.ge [sflag:s20], $0x1000  }
0x1f3: {  	[sflag:s20] =	ssyncset.done $0x0  }
0x1f4: {  	s21 =	sadd.s32 $0x3800, s0;
	[sflag:s20] =	ssyncadd.s32 $0xFFFFF000  }
0x1f5: {  	[hbm4b:s21+s16] =	stream.strided.scatter [tilespmem:s11], [sflag:$0xA], $0x2000, s17, s16, $0x38;
	[tilespmem:$0x11000] =	vst v63  }
0x1f6: {  	s0 =	sadd.s32 $0x3804, s0;
	s5 =	simm.s32 $0x1  }
0x1f7: {  	[hbm4b:s0+s16] =	stream.strided.scatter [tilespmem:s13], [sflag:$0xA], $0x2000, s17, s16, $0x38;
	[tilespmem:$0x11000] =	vst v63  }
0x1f8: {  	_ =	swait.ge [sflag:s5], $0x400  }
0x1f9: {  	[sflag:s5] =	ssyncset.done $0x0  }
0x1fa: {  	[sflag:s5] =	ssyncadd.s32 $0xFFFFFC00  }
0x1fb: {  	_ =	swait.ge [sflag:s5], $0x400  }
0x1fc: {  	[sflag:s5] =	ssyncset.done $0x0  }
0x1fd: {  	[sflag:s5] =	ssyncadd.s32 $0xFFFFFC00  }
0x1fe: {  	_ =	swait.ge [sflag:s12], $0x2000  }
0x1ff: {  	[sflag:s12] =	ssyncset.done $0x0  }
0x200: {  	[sflag:s12] =	ssyncadd.s32 $0xFFFFE000  }
0x201: {  	_ =	swait.ge [sflag:s12], $0x2000  }
0x202: {  	[sflag:s12] =	ssyncset.done $0x0  }
0x203: {  	[sflag:s12] =	ssyncadd.s32 $0xFFFFE000  }
0x204: {  	_ =	swait.ge [sflag:s24], $0x2000  }
0x205: {  	[sflag:s24] =	ssyncset.done $0x0  }
0x206: {  	[sflag:s24] =	ssyncadd.s32 $0xFFFFE000  }
0x207: {  	_ =	swait.ge [sflag:s24], $0x2000  }
0x208: {  	[sflag:s24] =	ssyncset.done $0x0  }
0x209: {  	[sflag:s24] =	ssyncadd.s32 $0xFFFFE000  }
0x20a: {  	_ =	swait.ge [sflag:s29], $0x2000  }
0x20b: {  	[sflag:s29] =	ssyncset.done $0x0  }
0x20c: {  	[sflag:s29] =	ssyncadd.s32 $0xFFFFE000  }
0x20d: {  	_ =	swait.ge [sflag:s29], $0x2000  }
0x20e: {  	[sflag:s29] =	ssyncset.done $0x0  }
0x20f: {  	[sflag:s29] =	ssyncadd.s32 $0xFFFFE000  }
0x210: {  	_ =	swait.ge [sflag:s31], $0x2000  }
0x211: {  	[sflag:s31] =	ssyncset.done $0x0  }
0x212: {  	[sflag:s31] =	ssyncadd.s32 $0xFFFFE000  }
0x213: {  	_ =	swait.ge [sflag:s31], $0x2000  }
0x214: {  	s26 =	rddreg [dreg:$0x13]  }
0x215: {  	s30 =	rddreg [dreg:$0x12];
	s2 =	sadd.s32 $0x1, s26  }
0x216: {  	p0 =	sne.s32 s2, s30  }
.Ltmp1:
0x217: {  	_ = 	snop;
	(pc) =	sbr.rel @p0 .LBB2_1-.Ltmp1, $3  }
0x218: {  	_ =	sdelay $0x1  }
0x219: {  	[sflag:s31] =	ssyncset.done $0x0  }
0x21a: {  	[sflag:s31] =	ssyncadd.s32 $0xFFFFE000  }
0x21b: {  	_ =	sfence.sel $0x180000  }
0x21c: {  	[bflag:$0x0] =	sbarrier.arrive $0xFFFF  }
0x21d: {  	_ =	strace $0x90000047  }
0x21e: {  	s0 =	stileid.u32;
	[bflag:$0x2] =	sbarrier.arrive $0xFFFF  }
0x21f: {  	p0 =	sne.s32 s0, $0x0;
	s0 =	rddreg [dreg:$0x2]  }
0x220: {  	s0 =	sadd.s32 @!p0 $0x100000, s0  }
0x221: {  	[sflag:s0] =	ssyncadd.tile.s32 @!p0 $0x1;
	_ =	shalt  }
.Lfunc_end2:
_tile_overlayer_lowered:
.L_overlay_start_2:
0x222: {  	(tag) =	ssettag $0x2  }
0x223: {  	s0 =	rddreg [dreg:$0x0];
	s2 =	stileid.u32  }
0x224: {  	s1 =	rddreg [dreg:$0x1];
	p0 =	sne.s32 s2, $0x0  }
0x225: {  	s3 =	rddreg [dreg:$0x2];
	[bflag:$0x3] =	sbarrier.arrive $0xFFFF;
	s2 =	simm.s32 @!p0 $0x1C0B  }
0x226: {  	[timem:s3], [sflag:s2] =	dma.local @!p0 [hbm:s0], s1  }
0x227: {  	s0 =	simm.s32 @!p0 $0xB  }
0x228: {  	_ =	swait.ge @!p0 [sflag:s0], s1  }
0x229: {  	s1 =	ssub.s32 @!p0 $0x0, s1;
	[sflag:s0] =	ssyncset.done @!p0 $0x0  }
0x22a: {  	[sflag:s0] =	ssyncadd.s32 @!p0 s1  }
0x22b: {  	[bflag:$0x3] =	sbarrier.arrive $0xFFFF  }
0x22c: {  	_ =	shalt  }

// kernel: sparse-core-data-format-call.cloned.1.call-start
scs
called_computation_lowered:
.L_overlay_start_0:
0x0: {  	s2 =	sld [smem:$0x3FD9]  }
0x1: {  	s3 =	sld [smem:$0x3FFE];
	_ =	sdelay $0x1  }
0x2: {  	s1 =	srdreg.scid  }
0x3: {  	s0 =	sand.u32 $0x1, s1  }
0x4: {  	s18 =	sshll.u32 s0, $0xA;
	s2 =	sadd.s32 s3, s2  }
0x5: {  	s2 =	sadd.s32 s2, s18  }
0x6: {  	[smem:$0x3FC4] =	sst s2  }
0x7: {  	_ = 	snop  }
0x8: {  	s2 =	sld [smem:$0x3FD0];
	(tm) =	ssettm $0x1  }
0x9: {  	s19 =	sld [smem:$0x3FFB];
	_ =	sdelay $0x3  }
0xa: {  	_ =	strace s19  }
0xb: {  	s3 =	sld [smem:$0x3FFC];
	_ =	sdelay $0x3  }
0xc: {  	_ =	strace s3  }
0xd: {  	s3 =	sld [smem:$0x3FFD];
	_ =	sdelay $0x3  }
0xe: {  	_ =	strace s3  }
0xf: {  	_ =	strace $0x8FFFFFFF  }
0x10: {  	s20 =	sld [smem:$0x3FDB];
	_ =	sdelay $0x1  }
0x11: {  	s4 =	simm.s32 $_scs_section_size  }
0x12: {  	s5 =	simm.s32 $_size__tile_overlayer_lowered;
	s6 =	simm.s32 $_tile_overlayer_lowered  }
0x13: {  	s23 =	simm.s32 $0x1BFF;
	s22 =	sshll.u32 s6, $0x1;
	s3 =	sadd.s32 s4, s20  }
0x14: {  	s7 =	simm.s32 $0x0;
	s21 =	sshll.u32 s5, $0x1;
	s5 =	sadd.s32 s22, s3  }
0x15: {  	[timem:s7], [sflag:s23] =	dma.local [hbm:s5], s21  }
0x16: {  	_ =	swait.ge [sflag:s23], s21  }
0x17: {  	s4 =	ssub.s32 $0x0, s21;
	[sflag:s23] =	ssyncset.done $0x0  }
0x18: {  	[sflag:s23] =	ssyncadd.s32 s4;
	_ =	sdelay $0x1  }
0x19: {  	s24 =	simm.s32 $0x1B8B  }
0x1a: {  	_ =	swait.ge [sflag:s24], $0x1  }
0x1b: {  	[sflag:s24] =	ssyncset.done $0x0  }
0x1c: {  	s26 =	simm.s32 $0x1B8E;
	s25 =	sld [smem:$0x3FFE];
	[sflag:s24] =	ssyncadd.s32 $0xFFFFFFFF  }
0x1d: {  	s27 =	simm.s32 $execute0_lowered;
	[smem:$0x3FD2] =	sst s26  }
0x1e: {  	s5 =	sshll.u32 s27, $0x1;
	_ =	strace $0x80000049;
	[dreg:$0x1] =	wrdreg $0xFFFFFFFF  }
0x1f: {  	s28 =	simm.s32 $_size_execute0_lowered;
	s3 =	sadd.s32 s3, s5;
	[dreg:$0x0] =	wrdreg $0x0  }
0x20: {  	s5 =	sshll.u32 s28, $0x1;
	[dreg:$0x2] =	wrdreg s3  }
0x21: {  	[dreg:$0x3] =	wrdreg s5  }
0x22: {  	[dreg:$0x4] =	wrdreg $0xC0  }
0x23: {  	_ =	task [dreg:s7], $0x5FFFF  }
0x24: {  	[dreg:$0x1] =	wrdreg $0xFFFFFFFF  }
0x25: {  	[dreg:$0x0] =	wrdreg $0x60  }
0x26: {  	[dreg:$0x2] =	wrdreg s25  }
0x27: {  	[dreg:$0x3] =	wrdreg s2  }
0x28: {  	[dreg:$0x4] =	wrdreg $0x9  }
0x29: {  	_ =	task.clear_ibuf [dreg:s7], $0x5FFFF;
	_ =	strace $0x90000049  }
0x2a: {  	s29 =	simm.s32 $0x9;
	_ =	strace $0x8000004B  }
0x2b: {  	_ =	swait.ge [sflag:s29], $0x1  }
0x2c: {  	[sflag:s29] =	ssyncadd.s32 $0xFFFFFFFF  }
0x2d: {  	_ =	strace $0x9000004B  }
0x2e: {  	_ =	sfence  }
0x2f: {  	s30 =	sld [smem:$0x0];
	_ =	sdelay $0x2  }
0x30: {  	s31 =	sshll.u32 s1, $0xD;
	s1 =	sshrl.u32 s1, $0x2  }
0x31: {  	s3 =	sand.u32 $0x4000, s31;
	s1 =	sadd.s32 s1, s30  }
0x32: {  	s0 =	sor.u32 s3, s0;
	s1 =	sshll.u32 s1, $0x11  }
0x33: {  	s0 =	sor.u32 s1, s0  }
0x34: {  	s0 =	sadd.s32 $0x8F2B, s0  }
0x35: {  	[sflag:s0] =	ssyncadd.remote.s32 $0x1  }
0x36: {  	_ =	sfence.sel $0xFFFF  }
0x37: {  	[dreg:$0x0] =	wrdreg $0xFFFFFFFF;
	(pc) =	sbr.abs _section_cstart, $3  }
0x38: {  	[dreg:$0x1] =	wrdreg $0xFFFFFFFF  }
0x39: {  	_ =	task.clear_ibuf [dreg:s7], $0x2FFFF;
	_ =	strace $0x9FFFFFFF  }
0x3a: {  	(tm) =	ssettm $0x7FFFFFFF  }
0x3b: {  	_ =	shalt  }
tec
execute0_lowered:
.L_overlay_start_1:
0x0: {  	(tag) =	ssettag $0x1  }
0x1: {  	s0 =	srdreg.scid  }
0x2: {  	s1 =	sshll.u32 s0, $0x4  }
0x3: {  	s0 =	stileid.u32;
	s1 =	sand.u32 $0x10, s1  }
0x4: {  	s1 =	sor.u32 s0, s1  }
0x5: {  	s6 =	rddreg [dreg:$0x0];
	s4 =	simm.s32 $0x1;
	s2 =	sshll.u32 s1, $0x7  }
0x6: {  	s7 =	simm.s32 $0x2;
	s12 =	simm.s32 $0x0;
	s1 =	ssub.s32 $0x4000, s2  }
0x7: {  	s8 =	simm.s32 $0x20000;
	s13 =	simm.s32 $0x0;
	s3 =	sand.u32 $0xF80, s1  }
0x8: {  	s9 =	simm.s32 $0x0;
	s5 =	sshrl.u32 s1, $0xC;
	p0 =	sne.s32 s3, $0x0  }
.Ltmp0:
0x9: {  	s1 =	rddreg [dreg:$0x2];
	s4 =	simm.s32 @!p0 $0x0;
	(pc) =	sbr.rel .LBB1_1-.Ltmp0, $4  }
0xa: {  	s11 =	simm.s32 $0x0;
	s3 =	rddreg [dreg:$0x1];
	s5 =	sadd.s32 s4, s5  }
0xb: {  	_ =	strace $0x8000004A;
	s4 =	simm.s32 $0x1;
	s5 =	smul.u32 $0xC8, s5  }
0xc: {  	s6 =	sadd.s32 $0x1800, s6;
	s10 =	smov.u32 s2;
	[sflag:s4] =	ssyncpa.u1 $0x0  }
0xd: {  	p0 =	por $0x0, $0x0;
	[sflag:s7] =	ssyncpa.u1 $0x0;
	s7 =	sor.u32 $0x1, s5  }
.LBB1_4:
0xe: {  	s16 =	sshll.u32 s13, $0x3;
	s17 =	sand.u32 $0x78, s13  }
0xf: {  	s30 =	sand.u32 $0x1F800, s13;
	s12 =	sshll.u32 s12, $0x11;
	s16 =	sand.u32 $0x3C00, s16  }
0x10: {  	[tilespmem:s15+$0x810 ss:$0x81] =	vst.msk $0xffff, v2;
	s31 =	sand.u32 $0x7, s13;
	s16 =	sor.u32 s17, s16;
	s17 =	sadd.s32 s3, s30  }
0x11: {  	[tilespmem:s15+$0x1020 ss:$0x81] =	vst.msk $0xffff, v0;
	s13 =	sshll.u32 s31, $0x12;
	s12 =	sadd.s32 s12, s17;
	s16 =	sshrl.u32 s16, $0x3  }
0x12: {  	[tilespmem:s15+$0x0 ss:$0x81] =	vst.msk $0xffff, v1;
	s13 =	sor.u32 $0x400, s13;
	s12 =	sadd.s32 s16, s12  }
0x13: {  	[hbm4b:s12+s13] =	stream.strided.scatter [tilespmem:s14], [sflag:$0x2], $0x2000, s8, s13, $0x20;
	[tilespmem:$0x8080] =	vst v63  }
.LBB1_5:
0x14: {  	s14 =	sadd.s32 $0x1, s9  }
0x15: {  	s12 =	sadd.s32 $0x1000, s10;
	s16 =	smov.u32 s10;
	p2 =	sgt.s32 s14, $0xC7  }
0x16: {  	s16 =	smov.u32 @p2 s12  }
0x17: {  	s14 =	simm.s32 @p2 $0x0;
	p2 =	sgt.s32 s16, $0x3FFF  }
0x18: {  	s16 =	smov.u32 @p2 s2;
	p2 =	sne.s32 s11, s7  }
.Ltmp1:
0x19: {  	p1 =	slt.u32 s11, $0x2;
	(pc) =	sbr.rel @!p2 .LBB1_6-.Ltmp1, $4  }
0x1a: {  	s15 =	simm.s32 @!p1 $0x2  }
0x1b: {  	s13 =	smov.u32 s10;
	p0 =	por !p0, !p0;
	_ =	swait.ge @!p1 [sflag:s15], $0x2000  }
0x1c: {  	s12 =	smov.u32 s9;
	[sflag:s15] =	ssyncset.done @!p1 $0x0;
	s9 =	smov.u32 s14  }
0x1d: {  	s11 =	sadd.s32 $0x1, s11;
	[sflag:s15] =	ssyncadd.s32 @!p1 $0xFFFFE000;
	s10 =	smov.u32 s16  }
.LBB1_1:
0x1e: {  	p1 =	sge.u32 s11, s5  }
0x1f: {  	s14 =	sand.u32 @!p1 $0x1FFFFFF, s9  }
0x20: {  	s15 =	smulhi.u32 @!p1 $0x147AE15, s14;
	_ =	sdelay $0x1  }
0x21: {  	s15 =	smul.u32 @!p1 $0xC8, s15  }
0x22: {  	s16 =	sxor.u32 @!p1 $0xFFFFFFFF, s11;
	s17 =	smul.u32 @!p1 $0xC80, s10  }
0x23: {  	s31 =	sadd.s32 $0xFFFFFFFF, s11;
	s16 =	sshll.u32 @!p1 s16, $0xD;
	s14 =	ssub.s32 @!p1 s14, s15  }
0x24: {  	s15 =	sand.u32 @!p1 $0x2000, s16;
	s16 =	sadd.s32 @!p1 s6, s17;
	s14 =	sshll.u32 @!p1 s14, $0x4  }
0x25: {  	s17 =	simm.s32 @!p1 $0x6400;
	s14 =	sadd.s32 @!p1 s14, s16;
	s16 =	simm.s32 @!p1 $0x40  }
0x26: {  	[tilespmem:s15], [sflag:$0x1] =	stream.strided.gather @!p1 [hbm4b:s14+s16], $0x2000, s17, s16, $0x38;
	[tilespmem:$0x8080] =	vst v63  }
0x27: {  	p1 =	sge.u32 s31, s5  }
.Ltmp2:
0x28: {  	_ = 	snop;
	(pc) =	sbr.rel @p1 .LBB1_5-.Ltmp2, $1  }
0x29: {  	_ =	sdelay $0x3  }
0x2a: {  	s14 =	simm.s32 $0x1  }
0x2b: {  	_ =	swait.ge [sflag:s4], $0x2000;
	s14 =	simm.s32 @!p0 $0x0  }
0x2c: {  	[sflag:s4] =	ssyncset.done $0x0;
	s15 =	sshll.u32 s14, $0xD  }
0x2d: {  	[sflag:s4] =	ssyncadd.s32 $0xFFFFE000;
	s18 =	sor.u32 $0x20, s15  }
0x2e: {  	s14 =	smul.u32 $0x8100, s14;
	v3 =	vld [tilespmem:s18+$0x10]  }
0x2f: {  	s30 =	sand.u32 $0x1, s11;
	v2 =	vld [tilespmem:s18+$0xFFFFFFF0]  }
0x30: {  	s15 =	smul.u32 $0x8100, s30;
	s14 =	sshrl.u32 s14, $0x2;
	v0 =	vld [tilespmem:s18+$0x0]  }
0x31: {  	v1 =	vld [tilespmem:s18+$0xFFFFFFE0];
	s16 =	sor.u32 $0x4000, s14  }
0x32: {  	s31 =	sshrl.u32 s15, $0x2;
	s15 =	sadd.s32 $0x0, s16  }
0x33: {  	s17 =	simm.s32 $0x4;
	s18 =	sadd.s32 $0x40, s18;
	s14 =	sor.u32 $0x4000, s31;
	[tilespmem:s15+$0x1830 ss:$0x81] =	vst.msk $0xffff, v3  }
.LBB1_3:
0x34: {  	v3 =	vld [tilespmem:s18+$0x10];
	p1 =	sne.s32 s17, $0x1FC;
	[tilespmem:s15+$0x810 ss:$0x81] =	vst.msk $0xffff, v2;
	s19 =	smov.u32 s17;
	s17 =	sadd.s32 $0x4, s17  }
.Ltmp3:
0x35: {  	v2 =	vld [tilespmem:s18+$0xFFFFFFF0];
	[tilespmem:s15+$0x1020 ss:$0x81] =	vst.msk $0xffff, v0;
	(pc) =	sbr.rel @p1 .LBB1_3-.Ltmp3, $4  }
0x36: {  	v0 =	vld [tilespmem:s18+$0x0];
	[tilespmem:s15+$0x0 ss:$0x81] =	vst.msk $0xffff, v1  }
0x37: {  	s15 =	sshra.s32 s19, $0x2;
	v1 =	vld [tilespmem:s18+$0xFFFFFFE0]  }
0x38: {  	s15 =	sadd.s32 s15, s16  }
0x39: {  	s18 =	sadd.s32 $0x40, s18;
	[tilespmem:s15+$0x1830 ss:$0x81] =	vst.msk $0xffff, v3  }
.Ltmp4:
0x3a: {  	_ = 	snop;
	(pc) =	sbr.rel .LBB1_4-.Ltmp4, $1  }
0x3b: {  	_ =	sdelay $0x3  }
.LBB1_6:
0x3c: {  	_ =	sfence.sel $0x180000  }
0x3d: {  	s2 =	simm.s32 $0x1;
	[bflag:$0x0] =	sbarrier.arrive $0xFFFF  }
0x3e: {  	s31 =	simm.s32 $0x2;
	[sflag:s2] =	ssyncpa.u1 $0x1  }
0x3f: {  	[sflag:s31] =	ssyncpa.u1 $0x1  }
0x40: {  	p0 =	sne.s32 s0, $0x0;
	_ =	strace $0x9000004A  }
0x41: {  	s0 =	sadd.s32 @!p0 $0x100000, s1;
	[bflag:$0x2] =	sbarrier.arrive $0xFFFF  }
0x42: {  	[sflag:s0] =	ssyncadd.tile.s32 @!p0 $0x1;
	_ =	shalt  }
.Lfunc_end1:
_tile_overlayer_lowered:
.L_overlay_start_2:
0x43: {  	(tag) =	ssettag $0x2  }
0x44: {  	s0 =	rddreg [dreg:$0x0];
	s2 =	stileid.u32  }
0x45: {  	s1 =	rddreg [dreg:$0x1];
	p0 =	sne.s32 s2, $0x0  }
0x46: {  	s3 =	rddreg [dreg:$0x2];
	[bflag:$0x3] =	sbarrier.arrive $0xFFFF;
	s2 =	simm.s32 @!p0 $0x1C01  }
0x47: {  	[timem:s3], [sflag:s2] =	dma.local @!p0 [hbm:s0], s1  }
0x48: {  	s0 =	simm.s32 @!p0 $0x1  }
0x49: {  	_ =	swait.ge @!p0 [sflag:s0], s1  }
0x4a: {  	s1 =	ssub.s32 @!p0 $0x0, s1;
	[sflag:s0] =	ssyncset.done @!p0 $0x0  }
0x4b: {  	[sflag:s0] =	ssyncadd.s32 @!p0 s1  }
0x4c: {  	[bflag:$0x3] =	sbarrier.arrive $0xFFFF  }
0x4d: {  	_ =	shalt  }

</sc_bundles>
